<compile_context>
chip_gen: v7x
topology: tpu7x:2x2x1
jax: 0.10.2.dev20260603
libtpu: 0.0.44.dev20260713+nightly
codegen_flags: <defaults>
</compile_context>

<pallas_src>
import functools

import jax
import jax.numpy as jnp
from jax import lax
from jax.experimental import pallas as pl
from jax.experimental.pallas import tpu as pltpu
from jax.experimental.pallas import tpu_sc as plsc

B, N, K = 4, 2500, 64
D_OUT = 64
NPAD = 2560
RT = 256
CAP = 128
NTILES = 32
ROWS_PER_TILE = (B * NPAD) // NTILES
TILES_PER_BATCH = NPAD // ROWS_PER_TILE
I32_MIN = -2147483648
I32_MAX = 2147483647


def _knn_body(pf_ref, pt_ref, sqs_ref, sqr_ref, keys_ref, t_ref):
    pf = pf_ref[0]
    pt = pt_ref[0]
    r = pl.program_id(1)

    sq_c = sqr_ref[0]
    sq_r = sqs_ref[0][:, 0:1]
    mm = lax.dot_general(
        pt.astype(jnp.bfloat16), pf.astype(jnp.bfloat16),
        (((0,), (0,)), ((), ())), preferred_element_type=jnp.float32)
    d2 = (sq_r + sq_c) - 2.0 * mm

    rr = lax.broadcasted_iota(jnp.int32, (RT, NPAD), 0) + r * RT
    cc = lax.broadcasted_iota(jnp.int32, (RT, NPAD), 1)
    d2 = d2 + jnp.where(cc == rr, jnp.float32(1e10), jnp.float32(0.0))

    bits = lax.bitcast_convert_type(d2, jnp.int32)
    keys = jnp.where(bits < 0, I32_MIN - bits, bits)
    keys = jnp.where(cc >= N, I32_MAX, keys)

    ones_col = jnp.ones((NPAD, 128), jnp.float32)

    def step(_, carry):
        lo, hi = carry
        mid = (lo >> 1) + (hi >> 1) + (lo & hi & 1)
        m = (keys <= mid).astype(jnp.float32)
        cnt = lax.dot_general(m, ones_col, (((1,), (0,)), ((), ())),
                              preferred_element_type=jnp.float32)[:, :1]
        ge = cnt >= K
        return jnp.where(ge, lo, mid), jnp.where(ge, mid, hi)

    lo0 = jnp.full((RT, 1), I32_MIN, jnp.int32)
    hi0 = jnp.full((RT, 1), I32_MAX, jnp.int32)
    _, t = lax.fori_loop(0, 32, step, (lo0, hi0))
    keys_ref[0] = keys
    t_ref[0] = jnp.broadcast_to(t, (RT, 128))


def _knn_pass(posT8, sqS, sqR):
    grid = (B, NPAD // RT)
    return pl.pallas_call(
        _knn_body,
        grid=grid,
        in_specs=[
            pl.BlockSpec((1, 8, NPAD), lambda b, r: (b, 0, 0)),
            pl.BlockSpec((1, 8, RT), lambda b, r: (b, 0, r)),
            pl.BlockSpec((1, RT, 128), lambda b, r: (b, r, 0)),
            pl.BlockSpec((1, 1, NPAD), lambda b, r: (b, 0, 0)),
        ],
        out_specs=[
            pl.BlockSpec((1, RT, NPAD), lambda b, r: (b, r, 0)),
            pl.BlockSpec((1, RT, 128), lambda b, r: (b, r, 0)),
        ],
        out_shape=[
            jax.ShapeDtypeStruct((B, NPAD, NPAD), jnp.int32),
            jax.ShapeDtypeStruct((B, NPAD, 128), jnp.int32),
        ],
    )(posT8, posT8, sqS, sqR)


def _sc_body(keys_hbm, tkeys_hbm, px_hbm, py_hbm, pz_hbm,
             feat_hbm, mom_hbm,
             tk_v, px_v, py_v, pz_v, krow_v, sel_v, stag_v, mom_v):
    tid = lax.axis_index("s") * 2 + lax.axis_index("c")
    b = tid // TILES_PER_BATCH
    jbase = (tid % TILES_PER_BATCH) * ROWS_PER_TILE

    pltpu.sync_copy(tkeys_hbm.at[b], tk_v)
    pltpu.sync_copy(px_hbm.at[b], px_v)
    pltpu.sync_copy(py_hbm.at[b], py_v)
    pltpu.sync_copy(pz_hbm.at[b], pz_v)

    zero16 = jnp.zeros((16,), jnp.float32)
    zero16i = jnp.zeros((16,), jnp.int32)
    for m in range(16):
        mom_v[pl.ds(m * 16, 16)] = zero16

    def zero_sel(ci, _):
        sel_v[pl.ds(ci * 16, 16)] = zero16i
        return 0

    lax.fori_loop(0, (NPAD + 16) // 16, zero_sel, 0)

    iota = lax.iota(jnp.int32, 16)

    def do_row(rr, _):
        jl = jbase + rr
        row = b * NPAD + jl

        @pl.when(jl < N)
        def _():
            pltpu.sync_copy(keys_hbm.at[row], krow_v)

            def scan_chunk(ci, off):
                kc = krow_v[pl.ds(ci * 16, 16)]
                tc = tk_v[pl.ds(ci * 16, 16)]
                msk = kc <= tc
                mi = jnp.where(msk, 1, 0)
                pos = off + plsc.cumsum(mi) - 1
                pos = jnp.where(msk, pos, 0)
                plsc.store_scatter(sel_v, [pos], iota + ci * 16, mask=msk)
                return off + jnp.sum(mi)

            c = lax.fori_loop(0, NPAD // 16, scan_chunk, jnp.int32(0))
            ng = jnp.minimum((c + 15) // 16, CAP // 16)
            cv = jnp.full((16,), c, jnp.int32)
            invc = 1.0 / jnp.maximum(cv, 1).astype(jnp.float32)

            xj = px_v[pl.ds(jl, 16)][0]
            yj = py_v[pl.ds(jl, 16)][0]
            zj = pz_v[pl.ds(jl, 16)][0]

            def do_group(g, _):
                lanem = (iota + g * 16) < c
                idxv = jnp.where(lanem, sel_v[pl.ds(g * 16, 16)], 0)
                mf = jnp.where(lanem, jnp.float32(1.0), jnp.float32(0.0))
                gx = plsc.load_gather(px_v, [idxv])
                gy = plsc.load_gather(py_v, [idxv])
                gz = plsc.load_gather(pz_v, [idxv])
                dx = xj - gx
                dy = yj - gy
                dz = zj - gz
                r2 = dx * dx + dy * dy + dz * dz
                y = lax.bitcast_convert_type(
                    jnp.int32(0x5F3759DF)
                    - (lax.bitcast_convert_type(r2, jnp.int32) >> 1),
                    jnp.float32)
                for _ in range(3):
                    y = y * (1.5 - 0.5 * r2 * y * y)
                nrm = r2 * y
                mdx = dx * mf
                mdy = dy * mf
                mdz = dz * mf
                mdn = nrm * mf
                o = g * 16
                stag_v[pl.ds(o, 16)] = mdx
                stag_v[pl.ds(CAP + o, 16)] = mdy
                stag_v[pl.ds(2 * CAP + o, 16)] = mdz
                stag_v[pl.ds(3 * CAP + o, 16)] = mdn
                stag_v[pl.ds(4 * CAP + o, 16)] = mf * invc
                vals = (mdx, mdy, mdz, mdn,
                        mdx * dx, mdx * dy, mdx * dz, mdx * nrm,
                        mdy * dy, mdy * dz, mdy * nrm,
                        mdz * dz, mdz * nrm, mdn * nrm)
                for m, v in enumerate(vals):
                    plsc.addupdate(mom_v.at[pl.ds(m * 16, 16)], v)
                return 0

            lax.fori_loop(0, ng, do_group, 0)

            def zero_group(g, _):
                o = g * 16
                for kf in range(5):
                    stag_v[pl.ds(kf * CAP + o, 16)] = zero16
                return 0

            lax.fori_loop(ng, CAP // 16, zero_group, 0)
            pltpu.sync_copy(stag_v, feat_hbm.at[row])
        return 0

    lax.fori_loop(0, ROWS_PER_TILE, do_row, 0)
    pltpu.sync_copy(mom_v, mom_hbm.at[tid])


def _sc_pass(keys, tkeys, px, py, pz):
    mesh = plsc.VectorSubcoreMesh(core_axis_name="c", subcore_axis_name="s",
                                  num_cores=2, num_subcores=16)
    kfn = pl.kernel(
        _sc_body,
        out_type=[
            jax.ShapeDtypeStruct((B * NPAD, 5 * CAP), jnp.float32),
            jax.ShapeDtypeStruct((NTILES, 256), jnp.float32),
        ],
        mesh=mesh,
        compiler_params=pltpu.CompilerParams(needs_layout_passes=False),
        scratch_types=[
            pltpu.VMEM((NPAD,), jnp.int32),
            pltpu.VMEM((NPAD,), jnp.float32),
            pltpu.VMEM((NPAD,), jnp.float32),
            pltpu.VMEM((NPAD,), jnp.float32),
            pltpu.VMEM((NPAD,), jnp.int32),
            pltpu.VMEM((NPAD + 16,), jnp.int32),
            pltpu.VMEM((5 * CAP,), jnp.float32),
            pltpu.VMEM((256,), jnp.float32),
        ],
    )
    return kfn(keys, tkeys, px, py, pz)


def _mlp_body(f_ref, w_ref, bp_ref, out_ref):
    fb = f_ref[...]
    f = fb.reshape(fb.shape[0], 5, CAP)
    w = w_ref[...]
    bp = bp_ref[...]
    fx, fy, fz, fn, wv = (f[:, k, :] for k in range(5))
    ones_col = jnp.ones((CAP, 128), jnp.float32)
    cols = []
    for c in range(D_OUT):
        h = (fx * w[0, c] + fy * w[1, c] + fz * w[2, c] + fn * w[3, c]
             + bp[0, c])
        h = jnp.maximum(h, 0.0) * wv
        cols.append(lax.dot_general(
            h, ones_col, (((1,), (0,)), ((), ())),
            precision=lax.Precision.HIGHEST,
            preferred_element_type=jnp.float32)[:, :1])
    out_ref[...] = jnp.concatenate(cols, axis=1)


def _mlp_pass(feat, Wp, bp):
    RB = 128
    grid = ((B * NPAD) // RB,)
    return pl.pallas_call(
        _mlp_body,
        grid=grid,
        in_specs=[
            pl.BlockSpec((RB, 5 * CAP), lambda i: (i, 0)),
            pl.BlockSpec((8, 128), lambda i: (0, 0)),
            pl.BlockSpec((1, 128), lambda i: (0, 0)),
        ],
        out_specs=pl.BlockSpec((RB, D_OUT), lambda i: (i, 0)),
        out_shape=jax.ShapeDtypeStruct((B * NPAD, D_OUT), jnp.float32),
    )(feat, Wp, bp)


def kernel(x, pos, W, b, gamma, beta):
    del x
    pts = pos.reshape(B, N, 3)
    posT8 = jnp.zeros((B, 8, NPAD), jnp.float32)
    posT8 = posT8.at[:, :3, :N].set(pts.transpose(0, 2, 1))
    sq = jnp.zeros((B, NPAD), jnp.float32)
    sq = sq.at[:, :N].set(jnp.sum(pts * pts, axis=-1))
    sqS = jnp.broadcast_to(sq[:, :, None], (B, NPAD, 128))
    sqR = sq[:, None, :]

    keys3, t3 = _knn_pass(posT8, sqS, sqR)
    keys = keys3.reshape(B * NPAD, NPAD)
    tkeys = t3[:, :, 0]

    px = posT8[:, 0, :]
    py = posT8[:, 1, :]
    pz = posT8[:, 2, :]
    feat, mom = _sc_pass(keys, tkeys, px, py, pz)

    m = jnp.sum(mom.reshape(NTILES, 16, 16), axis=(0, 2))
    E = jnp.float32(B * N * K)
    s1 = m[:4] / E
    s2 = jnp.array(
        [[m[4], m[5], m[6], m[7]],
         [m[5], m[8], m[9], m[10]],
         [m[6], m[9], m[11], m[12]],
         [m[7], m[10], m[12], m[13]]]) / E
    mean = W @ s1 + b
    ex2 = jnp.einsum('cd,de,ce->c', W, s2, W) + 2.0 * b * (W @ s1) + b * b
    var = ex2 - mean * mean
    inv = gamma / jnp.sqrt(var + 1e-5)
    Wf = W * inv[:, None]
    bf = (b - mean) * inv + beta

    Wp = jnp.zeros((8, 128), jnp.float32).at[:4, :D_OUT].set(Wf.T)
    bp = jnp.zeros((1, 128), jnp.float32).at[0, :D_OUT].set(bf)

    out = _mlp_pass(feat, Wp, bp)
    return out.reshape(B, NPAD, D_OUT)[:, :N, :]

# --- scband reference (transcript-rebuilt; emitter-appended) ---
"""Pipeline reference for scband-local-feature-aggregation-77232101916767 (READ-ONLY COPY).

The authoritative reference and input builder live on the scoring server;
editing this copy changes nothing except your own understanding.
"""

import jax, jax.numpy as jnp
import numpy as np

B, N, K = 4, 2500, 64
D_OUT = 64
D_IN = 4  # 2 * in_channels: diff(3) + norm(1)


def setup_inputs(seed: int = 0) -> dict:
    key = jax.random.key(seed)
    ks = jax.random.split(key, 6)
    x = jax.random.normal(ks[0], (B, N, 2), dtype=jnp.float32)
    pos = jax.random.normal(ks[1], (B * N, 3), dtype=jnp.float32)
    W = jax.random.normal(ks[2], (D_OUT, D_IN), dtype=jnp.float32) * (1.0 / np.sqrt(D_IN))
    b = jax.random.normal(ks[3], (D_OUT,), dtype=jnp.float32) * 0.01
    gamma = jnp.ones((D_OUT,), dtype=jnp.float32)
    beta = jnp.zeros((D_OUT,), dtype=jnp.float32)
    return {"x": x, "pos": pos, "W": W, "b": b, "gamma": gamma, "beta": beta}


def _knn_edges(pos):
    # batched knn_graph: points belong to B graphs of N points each
    pts = pos.reshape(B, N, 3)
    sq = jnp.sum(pts * pts, axis=-1)
    d2 = sq[:, :, None] + sq[:, None, :] - 2.0 * jnp.einsum('bnd,bmd->bnm', pts, pts)
    d2 = d2 + jnp.eye(N, dtype=d2.dtype)[None, :, :] * 1e10  # exclude self-loops
    _, idx = jax.lax.top_k(-d2, K)  # [B, N, K] local neighbor indices
    offs = (jnp.arange(B) * N)[:, None, None]
    row = (idx + offs).reshape(-1)  # source = neighbor (global index)
    col = (jnp.broadcast_to(jnp.arange(N)[None, :, None], (B, N, K)) + offs).reshape(-1)  # target = center
    return row, col


def reference(x, pos, W, b, gamma, beta):
    row, col = _knn_edges(pos)
    # gather endpoint positions per edge
    diff = pos[row] - pos[col]                                   # [E, 3]
    nrm = jnp.sqrt(jnp.sum(diff * diff, axis=1, keepdims=True))  # [E, 1]
    feat = jnp.concatenate([diff, nrm], axis=-1)                 # [E, 4]
    # SharedMLP: Conv1d(k=1) == per-edge linear, then BatchNorm1d (train-mode batch stats), then ReLU
    h = feat @ W.T + b                                           # [E, D_OUT]
    mean = jnp.mean(h, axis=0)
    var = jnp.mean((h - mean) ** 2, axis=0)
    h = (h - mean) / jnp.sqrt(var + 1e-5) * gamma + beta
    h = jnp.maximum(h, 0.0)                                      # ReLU
    h = jnp.where(h > 0, h, 0.1 * h)                             # leaky_relu(0.1) (no-op after ReLU)
    # global_mean_pool(edge_attr, row, B*N): segment-mean scatter over source nodes
    num = jax.ops.segment_sum(h, row, num_segments=B * N)
    cnt = jax.ops.segment_sum(jnp.ones((row.shape[0],), dtype=h.dtype), row, num_segments=B * N)
    out = num / jnp.maximum(cnt, 1.0)[:, None]
    return out.reshape(B, N, D_OUT)

if __name__ == "__main__":
    import jax
    _d = setup_inputs()
    print(jax.jit(kernel)(*tuple(_d.values())))

</pallas_src>

<mosaic_0001>
#map = affine_map<(d0, d1) -> (0, 0)>
module attributes {stable_mosaic.version = 14 : i64} {
  func.func @_sc_body(%arg0: i32, %arg1: i32, %arg2: memref<10240x2560xi32, #tpu.memory_space<hbm>>, %arg3: memref<4x2560xi32, #tpu.memory_space<hbm>>, %arg4: memref<4x2560xf32, #tpu.memory_space<hbm>>, %arg5: memref<4x2560xf32, #tpu.memory_space<hbm>>, %arg6: memref<4x2560xf32, #tpu.memory_space<hbm>>, %arg7: memref<10240x640xf32, #tpu.memory_space<hbm>>, %arg8: memref<32x256xf32, #tpu.memory_space<hbm>>, %arg9: memref<2560xi32, #tpu.memory_space<vmem>>, %arg10: memref<2560xf32, #tpu.memory_space<vmem>>, %arg11: memref<2560xf32, #tpu.memory_space<vmem>>, %arg12: memref<2560xf32, #tpu.memory_space<vmem>>, %arg13: memref<2560xi32, #tpu.memory_space<vmem>>, %arg14: memref<2576xi32, #tpu.memory_space<vmem>>, %arg15: memref<640xf32, #tpu.memory_space<vmem>>, %arg16: memref<256xf32, #tpu.memory_space<vmem>>) attributes {dimension_semantics = [#tpu.dimension_semantics<core_parallel>, #tpu.dimension_semantics<subcore_parallel>], iteration_bounds = array<i64: 2, 16>, scalar_prefetch = 0 : i64, scratch_operands = 8 : i64, tpu.core_type = #tpu.core_type<sc_vector_subcore>, window_params = [{transform_indices = #map}, {transform_indices = #map}, {transform_indices = #map}, {transform_indices = #map}, {transform_indices = #map}, {transform_indices = #map}, {transform_indices = #map}]} {
    %mul3A = arith.constant 2 : i32
    %mul3A_0 = arith.muli %arg1, %mul3A : i32
    %add3A = arith.addi %mul3A_0, %arg0 : i32
    %jit3A = arith.constant 8 : i32
    %div3A = arith.divsi %add3A, %jit3A : i32
    %sign3A = arith.constant 0 : i32
    %sign3A_1 = arith.cmpi sgt, %add3A, %sign3A : i32
    %sign3A_2 = arith.extui %sign3A_1 : i1 to i32
    %sign3A_3 = arith.constant 0 : i32
    %sign3A_4 = arith.cmpi slt, %add3A, %sign3A_3 : i32
    %sign3A_5 = arith.extui %sign3A_4 : i1 to i32
    %sign3A_6 = arith.subi %sign3A_2, %sign3A_5 : i32
    %sign3A_7 = arith.constant 0 : i32
    %sign3A_8 = arith.cmpi sgt, %jit3A, %sign3A_7 : i32
    %sign3A_9 = arith.extui %sign3A_8 : i1 to i32
    %sign3A_10 = arith.constant 0 : i32
    %sign3A_11 = arith.cmpi slt, %jit3A, %sign3A_10 : i32
    %sign3A_12 = arith.extui %sign3A_11 : i1 to i32
    %sign3A_13 = arith.subi %sign3A_9, %sign3A_12 : i32
    %ne3A = arith.cmpi ne, %sign3A_6, %sign3A_13 : i32
    %rem3A = arith.remsi %add3A, %jit3A : i32
    %ne3A_14 = arith.constant 0 : i32
    %ne3A_15 = arith.cmpi ne, %rem3A, %ne3A_14 : i32
    %and3A = arith.andi %ne3A, %ne3A_15 : i1
    %sub3A = arith.constant 1 : i32
    %sub3A_16 = arith.subi %div3A, %sub3A : i32
    %select_n3A = arith.select %and3A, %sub3A_16, %div3A : i32
    %jit3A_17 = arith.constant 8 : i32
    %eq3A = arith.constant 0 : i32
    %eq3A_18 = arith.cmpi eq, %jit3A_17, %eq3A : i32
    %jit3A_19 = arith.constant 1 : i32
    %select_n3A_20 = arith.select %eq3A_18, %jit3A_19, %jit3A_17 : i32
    %rem3A_21 = arith.remsi %add3A, %select_n3A_20 : i32
    %ne3A_22 = arith.constant 0 : i32
    %ne3A_23 = arith.cmpi ne, %rem3A_21, %ne3A_22 : i32
    %lt3A = arith.constant 0 : i32
    %lt3A_24 = arith.cmpi slt, %rem3A_21, %lt3A : i32
    %lt3A_25 = arith.constant 0 : i32
    %lt3A_26 = arith.cmpi slt, %select_n3A_20, %lt3A_25 : i32
    %ne3A_27 = arith.xori %lt3A_24, %lt3A_26 : i1
    %and3A_28 = arith.andi %ne3A_27, %ne3A_23 : i1
    %add3A_29 = arith.addi %rem3A_21, %select_n3A_20 : i32
    %select_n3A_30 = arith.select %and3A_28, %add3A_29, %rem3A_21 : i32
    %mul3A_31 = arith.constant 320 : i32
    %mul3A_32 = arith.muli %select_n3A_30, %mul3A_31 : i32
    "tpu.region"() ({
      %run_scoped3A = tpu.sem_alloc : memref<!tpu.dma_semaphore, #tpu.memory_space<semaphore_mem>>
      %dma_start3A = arith.constant 0 : i32
      %dma_start3A_80 = tpu.memref_slice %arg3[%select_n3A, %dma_start3A] : memref<4x2560xi32, #tpu.memory_space<hbm>> -> memref<1x2560xi32, #tpu.memory_space<hbm>>
      %dma_start3A_81 = tpu.memref_squeeze %dma_start3A_80 : memref<1x2560xi32, #tpu.memory_space<hbm>> -> memref<2560xi32, #tpu.memory_space<hbm>>
      %dma_start3A_82 = arith.constant 0 : i32
      %dma_start3A_83 = tpu.memref_slice %arg3[%select_n3A, %dma_start3A_82] : memref<4x2560xi32, #tpu.memory_space<hbm>> -> memref<1x2560xi32, #tpu.memory_space<hbm>>
      %dma_start3A_84 = tpu.memref_squeeze %dma_start3A_83 : memref<1x2560xi32, #tpu.memory_space<hbm>> -> memref<2560xi32, #tpu.memory_space<hbm>>
      tpu.enqueue_dma source(%dma_start3A_84 : memref<2560xi32, #tpu.memory_space<hbm>>) target(%arg9 : memref<2560xi32, #tpu.memory_space<vmem>>) target_semaphore(%run_scoped3A : memref<!tpu.dma_semaphore, #tpu.memory_space<semaphore_mem>>)
      %dma_wait3A = arith.constant 0 : i32
      %dma_wait3A_85 = tpu.memref_slice %arg3[%select_n3A, %dma_wait3A] : memref<4x2560xi32, #tpu.memory_space<hbm>> -> memref<1x2560xi32, #tpu.memory_space<hbm>>
      %dma_wait3A_86 = tpu.memref_squeeze %dma_wait3A_85 : memref<1x2560xi32, #tpu.memory_space<hbm>> -> memref<2560xi32, #tpu.memory_space<hbm>>
      %dma_wait3A_87 = arith.constant 0 : i32
      %dma_wait3A_88 = tpu.memref_slice %arg3[%select_n3A, %dma_wait3A_87] : memref<4x2560xi32, #tpu.memory_space<hbm>> -> memref<1x2560xi32, #tpu.memory_space<hbm>>
      %dma_wait3A_89 = tpu.memref_squeeze %dma_wait3A_88 : memref<1x2560xi32, #tpu.memory_space<hbm>> -> memref<2560xi32, #tpu.memory_space<hbm>>
      tpu.wait_dma2 semaphore(%run_scoped3A : memref<!tpu.dma_semaphore, #tpu.memory_space<semaphore_mem>>) src(%dma_wait3A_89 : memref<2560xi32, #tpu.memory_space<hbm>>) dst(%arg9 : memref<2560xi32, #tpu.memory_space<vmem>>)
      tpu.yield
    }) : () -> ()
    "tpu.region"() ({
      %run_scoped3A = tpu.sem_alloc : memref<!tpu.dma_semaphore, #tpu.memory_space<semaphore_mem>>
      %dma_start3A = arith.constant 0 : i32
      %dma_start3A_80 = tpu.memref_slice %arg4[%select_n3A, %dma_start3A] : memref<4x2560xf32, #tpu.memory_space<hbm>> -> memref<1x2560xf32, #tpu.memory_space<hbm>>
      %dma_start3A_81 = tpu.memref_squeeze %dma_start3A_80 : memref<1x2560xf32, #tpu.memory_space<hbm>> -> memref<2560xf32, #tpu.memory_space<hbm>>
      %dma_start3A_82 = arith.constant 0 : i32
      %dma_start3A_83 = tpu.memref_slice %arg4[%select_n3A, %dma_start3A_82] : memref<4x2560xf32, #tpu.memory_space<hbm>> -> memref<1x2560xf32, #tpu.memory_space<hbm>>
      %dma_start3A_84 = tpu.memref_squeeze %dma_start3A_83 : memref<1x2560xf32, #tpu.memory_space<hbm>> -> memref<2560xf32, #tpu.memory_space<hbm>>
      tpu.enqueue_dma source(%dma_start3A_84 : memref<2560xf32, #tpu.memory_space<hbm>>) target(%arg10 : memref<2560xf32, #tpu.memory_space<vmem>>) target_semaphore(%run_scoped3A : memref<!tpu.dma_semaphore, #tpu.memory_space<semaphore_mem>>)
      %dma_wait3A = arith.constant 0 : i32
      %dma_wait3A_85 = tpu.memref_slice %arg4[%select_n3A, %dma_wait3A] : memref<4x2560xf32, #tpu.memory_space<hbm>> -> memref<1x2560xf32, #tpu.memory_space<hbm>>
      %dma_wait3A_86 = tpu.memref_squeeze %dma_wait3A_85 : memref<1x2560xf32, #tpu.memory_space<hbm>> -> memref<2560xf32, #tpu.memory_space<hbm>>
      %dma_wait3A_87 = arith.constant 0 : i32
      %dma_wait3A_88 = tpu.memref_slice %arg4[%select_n3A, %dma_wait3A_87] : memref<4x2560xf32, #tpu.memory_space<hbm>> -> memref<1x2560xf32, #tpu.memory_space<hbm>>
      %dma_wait3A_89 = tpu.memref_squeeze %dma_wait3A_88 : memref<1x2560xf32, #tpu.memory_space<hbm>> -> memref<2560xf32, #tpu.memory_space<hbm>>
      tpu.wait_dma2 semaphore(%run_scoped3A : memref<!tpu.dma_semaphore, #tpu.memory_space<semaphore_mem>>) src(%dma_wait3A_89 : memref<2560xf32, #tpu.memory_space<hbm>>) dst(%arg10 : memref<2560xf32, #tpu.memory_space<vmem>>)
      tpu.yield
    }) : () -> ()
    "tpu.region"() ({
      %run_scoped3A = tpu.sem_alloc : memref<!tpu.dma_semaphore, #tpu.memory_space<semaphore_mem>>
      %dma_start3A = arith.constant 0 : i32
      %dma_start3A_80 = tpu.memref_slice %arg5[%select_n3A, %dma_start3A] : memref<4x2560xf32, #tpu.memory_space<hbm>> -> memref<1x2560xf32, #tpu.memory_space<hbm>>
      %dma_start3A_81 = tpu.memref_squeeze %dma_start3A_80 : memref<1x2560xf32, #tpu.memory_space<hbm>> -> memref<2560xf32, #tpu.memory_space<hbm>>
      %dma_start3A_82 = arith.constant 0 : i32
      %dma_start3A_83 = tpu.memref_slice %arg5[%select_n3A, %dma_start3A_82] : memref<4x2560xf32, #tpu.memory_space<hbm>> -> memref<1x2560xf32, #tpu.memory_space<hbm>>
      %dma_start3A_84 = tpu.memref_squeeze %dma_start3A_83 : memref<1x2560xf32, #tpu.memory_space<hbm>> -> memref<2560xf32, #tpu.memory_space<hbm>>
      tpu.enqueue_dma source(%dma_start3A_84 : memref<2560xf32, #tpu.memory_space<hbm>>) target(%arg11 : memref<2560xf32, #tpu.memory_space<vmem>>) target_semaphore(%run_scoped3A : memref<!tpu.dma_semaphore, #tpu.memory_space<semaphore_mem>>)
      %dma_wait3A = arith.constant 0 : i32
      %dma_wait3A_85 = tpu.memref_slice %arg5[%select_n3A, %dma_wait3A] : memref<4x2560xf32, #tpu.memory_space<hbm>> -> memref<1x2560xf32, #tpu.memory_space<hbm>>
      %dma_wait3A_86 = tpu.memref_squeeze %dma_wait3A_85 : memref<1x2560xf32, #tpu.memory_space<hbm>> -> memref<2560xf32, #tpu.memory_space<hbm>>
      %dma_wait3A_87 = arith.constant 0 : i32
      %dma_wait3A_88 = tpu.memref_slice %arg5[%select_n3A, %dma_wait3A_87] : memref<4x2560xf32, #tpu.memory_space<hbm>> -> memref<1x2560xf32, #tpu.memory_space<hbm>>
      %dma_wait3A_89 = tpu.memref_squeeze %dma_wait3A_88 : memref<1x2560xf32, #tpu.memory_space<hbm>> -> memref<2560xf32, #tpu.memory_space<hbm>>
      tpu.wait_dma2 semaphore(%run_scoped3A : memref<!tpu.dma_semaphore, #tpu.memory_space<semaphore_mem>>) src(%dma_wait3A_89 : memref<2560xf32, #tpu.memory_space<hbm>>) dst(%arg11 : memref<2560xf32, #tpu.memory_space<vmem>>)
      tpu.yield
    }) : () -> ()
    "tpu.region"() ({
      %run_scoped3A = tpu.sem_alloc : memref<!tpu.dma_semaphore, #tpu.memory_space<semaphore_mem>>
      %dma_start3A = arith.constant 0 : i32
      %dma_start3A_80 = tpu.memref_slice %arg6[%select_n3A, %dma_start3A] : memref<4x2560xf32, #tpu.memory_space<hbm>> -> memref<1x2560xf32, #tpu.memory_space<hbm>>
      %dma_start3A_81 = tpu.memref_squeeze %dma_start3A_80 : memref<1x2560xf32, #tpu.memory_space<hbm>> -> memref<2560xf32, #tpu.memory_space<hbm>>
      %dma_start3A_82 = arith.constant 0 : i32
      %dma_start3A_83 = tpu.memref_slice %arg6[%select_n3A, %dma_start3A_82] : memref<4x2560xf32, #tpu.memory_space<hbm>> -> memref<1x2560xf32, #tpu.memory_space<hbm>>
      %dma_start3A_84 = tpu.memref_squeeze %dma_start3A_83 : memref<1x2560xf32, #tpu.memory_space<hbm>> -> memref<2560xf32, #tpu.memory_space<hbm>>
      tpu.enqueue_dma source(%dma_start3A_84 : memref<2560xf32, #tpu.memory_space<hbm>>) target(%arg12 : memref<2560xf32, #tpu.memory_space<vmem>>) target_semaphore(%run_scoped3A : memref<!tpu.dma_semaphore, #tpu.memory_space<semaphore_mem>>)
      %dma_wait3A = arith.constant 0 : i32
      %dma_wait3A_85 = tpu.memref_slice %arg6[%select_n3A, %dma_wait3A] : memref<4x2560xf32, #tpu.memory_space<hbm>> -> memref<1x2560xf32, #tpu.memory_space<hbm>>
      %dma_wait3A_86 = tpu.memref_squeeze %dma_wait3A_85 : memref<1x2560xf32, #tpu.memory_space<hbm>> -> memref<2560xf32, #tpu.memory_space<hbm>>
      %dma_wait3A_87 = arith.constant 0 : i32
      %dma_wait3A_88 = tpu.memref_slice %arg6[%select_n3A, %dma_wait3A_87] : memref<4x2560xf32, #tpu.memory_space<hbm>> -> memref<1x2560xf32, #tpu.memory_space<hbm>>
      %dma_wait3A_89 = tpu.memref_squeeze %dma_wait3A_88 : memref<1x2560xf32, #tpu.memory_space<hbm>> -> memref<2560xf32, #tpu.memory_space<hbm>>
      tpu.wait_dma2 semaphore(%run_scoped3A : memref<!tpu.dma_semaphore, #tpu.memory_space<semaphore_mem>>) src(%dma_wait3A_89 : memref<2560xf32, #tpu.memory_space<hbm>>) dst(%arg12 : memref<2560xf32, #tpu.memory_space<vmem>>)
      tpu.yield
    }) : () -> ()
    %broadcast_in_dim3A = arith.constant 0.000000e+00 : f32
    %broadcast_in_dim3A_33 = vector.broadcast %broadcast_in_dim3A : f32 to vector<16xf32>
    %broadcast_in_dim3A_34 = arith.constant 0 : i32
    %broadcast_in_dim3A_35 = vector.broadcast %broadcast_in_dim3A_34 : i32 to vector<16xi32>
    %swap3A = arith.constant 0 : index
    %swap3A_36 = tpu.vector_load %arg16[%swap3A] {strides = array<i32>} : memref<256xf32, #tpu.memory_space<vmem>>, vector<16xf32>,
    tpu.vector_store %arg16[%swap3A], %broadcast_in_dim3A_33 {strides = array<i32>} : memref<256xf32, #tpu.memory_space<vmem>>, vector<16xf32>,
    %swap3A_37 = arith.constant 16 : index
    %swap3A_38 = tpu.vector_load %arg16[%swap3A_37] {strides = array<i32>} : memref<256xf32, #tpu.memory_space<vmem>>, vector<16xf32>,
    tpu.vector_store %arg16[%swap3A_37], %broadcast_in_dim3A_33 {strides = array<i32>} : memref<256xf32, #tpu.memory_space<vmem>>, vector<16xf32>,
    %swap3A_39 = arith.constant 32 : index
    %swap3A_40 = tpu.vector_load %arg16[%swap3A_39] {strides = array<i32>} : memref<256xf32, #tpu.memory_space<vmem>>, vector<16xf32>,
    tpu.vector_store %arg16[%swap3A_39], %broadcast_in_dim3A_33 {strides = array<i32>} : memref<256xf32, #tpu.memory_space<vmem>>, vector<16xf32>,
    %swap3A_41 = arith.constant 48 : index
    %swap3A_42 = tpu.vector_load %arg16[%swap3A_41] {strides = array<i32>} : memref<256xf32, #tpu.memory_space<vmem>>, vector<16xf32>,
    tpu.vector_store %arg16[%swap3A_41], %broadcast_in_dim3A_33 {strides = array<i32>} : memref<256xf32, #tpu.memory_space<vmem>>, vector<16xf32>,
    %swap3A_43 = arith.constant 64 : index
    %swap3A_44 = tpu.vector_load %arg16[%swap3A_43] {strides = array<i32>} : memref<256xf32, #tpu.memory_space<vmem>>, vector<16xf32>,
    tpu.vector_store %arg16[%swap3A_43], %broadcast_in_dim3A_33 {strides = array<i32>} : memref<256xf32, #tpu.memory_space<vmem>>, vector<16xf32>,
    %swap3A_45 = arith.constant 80 : index
    %swap3A_46 = tpu.vector_load %arg16[%swap3A_45] {strides = array<i32>} : memref<256xf32, #tpu.memory_space<vmem>>, vector<16xf32>,
    tpu.vector_store %arg16[%swap3A_45], %broadcast_in_dim3A_33 {strides = array<i32>} : memref<256xf32, #tpu.memory_space<vmem>>, vector<16xf32>,
    %swap3A_47 = arith.constant 96 : index
    %swap3A_48 = tpu.vector_load %arg16[%swap3A_47] {strides = array<i32>} : memref<256xf32, #tpu.memory_space<vmem>>, vector<16xf32>,
    tpu.vector_store %arg16[%swap3A_47], %broadcast_in_dim3A_33 {strides = array<i32>} : memref<256xf32, #tpu.memory_space<vmem>>, vector<16xf32>,
    %swap3A_49 = arith.constant 112 : index
    %swap3A_50 = tpu.vector_load %arg16[%swap3A_49] {strides = array<i32>} : memref<256xf32, #tpu.memory_space<vmem>>, vector<16xf32>,
    tpu.vector_store %arg16[%swap3A_49], %broadcast_in_dim3A_33 {strides = array<i32>} : memref<256xf32, #tpu.memory_space<vmem>>, vector<16xf32>,
    %swap3A_51 = arith.constant 128 : index
    %swap3A_52 = tpu.vector_load %arg16[%swap3A_51] {strides = array<i32>} : memref<256xf32, #tpu.memory_space<vmem>>, vector<16xf32>,
    tpu.vector_store %arg16[%swap3A_51], %broadcast_in_dim3A_33 {strides = array<i32>} : memref<256xf32, #tpu.memory_space<vmem>>, vector<16xf32>,
    %swap3A_53 = arith.constant 144 : index
    %swap3A_54 = tpu.vector_load %arg16[%swap3A_53] {strides = array<i32>} : memref<256xf32, #tpu.memory_space<vmem>>, vector<16xf32>,
    tpu.vector_store %arg16[%swap3A_53], %broadcast_in_dim3A_33 {strides = array<i32>} : memref<256xf32, #tpu.memory_space<vmem>>, vector<16xf32>,
    %swap3A_55 = arith.constant 160 : index
    %swap3A_56 = tpu.vector_load %arg16[%swap3A_55] {strides = array<i32>} : memref<256xf32, #tpu.memory_space<vmem>>, vector<16xf32>,
    tpu.vector_store %arg16[%swap3A_55], %broadcast_in_dim3A_33 {strides = array<i32>} : memref<256xf32, #tpu.memory_space<vmem>>, vector<16xf32>,
    %swap3A_57 = arith.constant 176 : index
    %swap3A_58 = tpu.vector_load %arg16[%swap3A_57] {strides = array<i32>} : memref<256xf32, #tpu.memory_space<vmem>>, vector<16xf32>,
    tpu.vector_store %arg16[%swap3A_57], %broadcast_in_dim3A_33 {strides = array<i32>} : memref<256xf32, #tpu.memory_space<vmem>>, vector<16xf32>,
    %swap3A_59 = arith.constant 192 : index
    %swap3A_60 = tpu.vector_load %arg16[%swap3A_59] {strides = array<i32>} : memref<256xf32, #tpu.memory_space<vmem>>, vector<16xf32>,
    tpu.vector_store %arg16[%swap3A_59], %broadcast_in_dim3A_33 {strides = array<i32>} : memref<256xf32, #tpu.memory_space<vmem>>, vector<16xf32>,
    %swap3A_61 = arith.constant 208 : index
    %swap3A_62 = tpu.vector_load %arg16[%swap3A_61] {strides = array<i32>} : memref<256xf32, #tpu.memory_space<vmem>>, vector<16xf32>,
    tpu.vector_store %arg16[%swap3A_61], %broadcast_in_dim3A_33 {strides = array<i32>} : memref<256xf32, #tpu.memory_space<vmem>>, vector<16xf32>,
    %swap3A_63 = arith.constant 224 : index
    %swap3A_64 = tpu.vector_load %arg16[%swap3A_63] {strides = array<i32>} : memref<256xf32, #tpu.memory_space<vmem>>, vector<16xf32>,
    tpu.vector_store %arg16[%swap3A_63], %broadcast_in_dim3A_33 {strides = array<i32>} : memref<256xf32, #tpu.memory_space<vmem>>, vector<16xf32>,
    %swap3A_65 = arith.constant 240 : index
    %swap3A_66 = tpu.vector_load %arg16[%swap3A_65] {strides = array<i32>} : memref<256xf32, #tpu.memory_space<vmem>>, vector<16xf32>,
    tpu.vector_store %arg16[%swap3A_65], %broadcast_in_dim3A_33 {strides = array<i32>} : memref<256xf32, #tpu.memory_space<vmem>>, vector<16xf32>,
    %scan3A = arith.constant 0 : i32
    %scan3A_67 = arith.constant 0 : i32
    %scan3A_68 = arith.constant 161 : i32
    %scan3A_69 = arith.addi %scan3A_67, %scan3A_68 : i32
    %scan3A_70 = arith.constant 1 : i32
    %scan3A_71 = scf.for %scan3A_80 = %scan3A_67 to %scan3A_69 step %scan3A_70 iter_args(%scan3A_81 = %scan3A) -> (i32)  : i32 {
      %mul3A_82 = arith.constant 16 : i32
      %mul3A_83 = arith.muli %scan3A_80, %mul3A_82 : i32
      %swap3A_84 = arith.index_cast %mul3A_83 : i32 to index
      %swap3A_85 = tpu.vector_load %arg14[%swap3A_84] {strides = array<i32>} : memref<2576xi32, #tpu.memory_space<vmem>>, vector<16xi32>,
      tpu.vector_store %arg14[%swap3A_84], %broadcast_in_dim3A_35 {strides = array<i32>} : memref<2576xi32, #tpu.memory_space<vmem>>, vector<16xi32>,
      %scan3A_86 = arith.constant 0 : i32
      scf.yield %scan3A_86 : i32
    }
    %scan3A_72 = arith.constant 161 : i32
    %iota3A = tpu.iota {dimensions = array<i32: 0>} : vector<16xi32>
    %scan3A_73 = arith.constant 0 : i32
    %scan3A_74 = arith.constant 0 : i32
    %scan3A_75 = arith.constant 320 : i32
    %scan3A_76 = arith.addi %scan3A_74, %scan3A_75 : i32
    %scan3A_77 = arith.constant 1 : i32
    %scan3A_78 = scf.for %scan3A_80 = %scan3A_74 to %scan3A_76 step %scan3A_77 iter_args(%scan3A_81 = %scan3A_73) -> (i32)  : i32 {
      %add3A_82 = arith.addi %mul3A_32, %scan3A_80 : i32
      %mul3A_83 = arith.constant 2560 : i32
      %mul3A_84 = arith.muli %select_n3A, %mul3A_83 : i32
      %add3A_85 = arith.addi %mul3A_84, %add3A_82 : i32
      %lt3A_86 = arith.constant 2500 : i32
      %lt3A_87 = arith.cmpi slt, %add3A_82, %lt3A_86 : i32
      %convert_element_type3A = arith.extui %lt3A_87 : i1 to i32
      %cond3A = arith.constant 0 : i32
      %cond3A_88 = arith.cmpi ne, %convert_element_type3A, %cond3A : i32
      scf.if %cond3A_88 {
        "tpu.region"() ({
          %run_scoped3A = tpu.sem_alloc : memref<!tpu.dma_semaphore, #tpu.memory_space<semaphore_mem>>
          %dma_start3A = arith.constant 0 : i32
          %dma_start3A_163 = tpu.memref_slice %arg2[%add3A_85, %dma_start3A] : memref<10240x2560xi32, #tpu.memory_space<hbm>> -> memref<1x2560xi32, #tpu.memory_space<hbm>>
          %dma_start3A_164 = tpu.memref_squeeze %dma_start3A_163 : memref<1x2560xi32, #tpu.memory_space<hbm>> -> memref<2560xi32, #tpu.memory_space<hbm>>
          %dma_start3A_165 = arith.constant 0 : i32
          %dma_start3A_166 = tpu.memref_slice %arg2[%add3A_85, %dma_start3A_165] : memref<10240x2560xi32, #tpu.memory_space<hbm>> -> memref<1x2560xi32, #tpu.memory_space<hbm>>
          %dma_start3A_167 = tpu.memref_squeeze %dma_start3A_166 : memref<1x2560xi32, #tpu.memory_space<hbm>> -> memref<2560xi32, #tpu.memory_space<hbm>>
          tpu.enqueue_dma source(%dma_start3A_167 : memref<2560xi32, #tpu.memory_space<hbm>>) target(%arg13 : memref<2560xi32, #tpu.memory_space<vmem>>) target_semaphore(%run_scoped3A : memref<!tpu.dma_semaphore, #tpu.memory_space<semaphore_mem>>)
          %dma_wait3A = arith.constant 0 : i32
          %dma_wait3A_168 = tpu.memref_slice %arg2[%add3A_85, %dma_wait3A] : memref<10240x2560xi32, #tpu.memory_space<hbm>> -> memref<1x2560xi32, #tpu.memory_space<hbm>>
          %dma_wait3A_169 = tpu.memref_squeeze %dma_wait3A_168 : memref<1x2560xi32, #tpu.memory_space<hbm>> -> memref<2560xi32, #tpu.memory_space<hbm>>
          %dma_wait3A_170 = arith.constant 0 : i32
          %dma_wait3A_171 = tpu.memref_slice %arg2[%add3A_85, %dma_wait3A_170] : memref<10240x2560xi32, #tpu.memory_space<hbm>> -> memref<1x2560xi32, #tpu.memory_space<hbm>>
          %dma_wait3A_172 = tpu.memref_squeeze %dma_wait3A_171 : memref<1x2560xi32, #tpu.memory_space<hbm>> -> memref<2560xi32, #tpu.memory_space<hbm>>
          tpu.wait_dma2 semaphore(%run_scoped3A : memref<!tpu.dma_semaphore, #tpu.memory_space<semaphore_mem>>) src(%dma_wait3A_172 : memref<2560xi32, #tpu.memory_space<hbm>>) dst(%arg13 : memref<2560xi32, #tpu.memory_space<vmem>>)
          tpu.yield
        }) : () -> ()
        %scan3A_90 = arith.constant 0 : i32
        %scan3A_91 = arith.constant 0 : i32
        %scan3A_92 = arith.constant 160 : i32
        %scan3A_93 = arith.addi %scan3A_91, %scan3A_92 : i32
        %scan3A_94 = arith.constant 1 : i32
        %scan3A_95 = scf.for %scan3A_163 = %scan3A_91 to %scan3A_93 step %scan3A_94 iter_args(%scan3A_164 = %scan3A_90) -> (i32)  : i32 {
          %mul3A_165 = arith.constant 16 : i32
          %mul3A_166 = arith.muli %scan3A_163, %mul3A_165 : i32
          %get3A_167 = arith.index_cast %mul3A_166 : i32 to index
          %get3A_168 = tpu.vector_load %arg13[%get3A_167] {strides = array<i32>} : memref<2560xi32, #tpu.memory_space<vmem>>, vector<16xi32>,
          %mul3A_169 = arith.constant 16 : i32
          %mul3A_170 = arith.muli %scan3A_163, %mul3A_169 : i32
          %get3A_171 = arith.index_cast %mul3A_170 : i32 to index
          %get3A_172 = tpu.vector_load %arg9[%get3A_171] {strides = array<i32>} : memref<2560xi32, #tpu.memory_space<vmem>>, vector<16xi32>,
          %le3A = arith.cmpi sle, %get3A_168, %get3A_172 : vector<16xi32>
          %jit3A_173 = arith.constant 1 : i32
          %jit3A_174 = arith.constant 0 : i32
          %broadcast_in_dim3A_175 = vector.broadcast %jit3A_173 : i32 to vector<16xi32>
          %broadcast_in_dim3A_176 = vector.broadcast %jit3A_174 : i32 to vector<16xi32>
          %select_n3A_177 = arith.select %le3A, %broadcast_in_dim3A_175, %broadcast_in_dim3A_176 : vector<16xi1>, vector<16xi32>
          %broadcast_in_dim3A_178 = arith.constant true
          %broadcast_in_dim3A_179 = vector.broadcast %broadcast_in_dim3A_178 : i1 to vector<16xi1>
          %masked_cumsum3A = tpu.scan <sum>, %select_n3A_177 masked %broadcast_in_dim3A_179 : vector<16xi32>, vector<16xi1> -> vector<16xi32>
          %add3A_180 = vector.broadcast %scan3A_164 : i32 to vector<16xi32>
          %add3A_181 = arith.addi %add3A_180, %masked_cumsum3A : vector<16xi32>
          %sub3A_182 = arith.constant 1 : i32
          %sub3A_183 = vector.broadcast %sub3A_182 : i32 to vector<16xi32>
          %sub3A_184 = arith.subi %add3A_181, %sub3A_183 : vector<16xi32>
          %jit3A_185 = arith.constant 0 : i32
          %broadcast_in_dim3A_186 = vector.broadcast %jit3A_185 : i32 to vector<16xi32>
          %select_n3A_187 = arith.select %le3A, %sub3A_184, %broadcast_in_dim3A_186 : vector<16xi1>, vector<16xi32>
          %mul3A_188 = arith.constant 16 : i32
          %mul3A_189 = arith.muli %scan3A_163, %mul3A_188 : i32
          %add3A_190 = vector.broadcast %mul3A_189 : i32 to vector<16xi32>
          %add3A_191 = arith.addi %iota3A, %add3A_190 : vector<16xi32>
          tpu.vector_store_idx %arg14[%select_n3A_187], %add3A_191 masked %le3A : memref<2576xi32, #tpu.memory_space<vmem>>[vector<16xi32>], vector<16xi32>, vector<16xi1>
          %reduce_sum3A = arith.constant true
          %reduce_sum3A_192 = vector.broadcast %reduce_sum3A : i1 to vector<16xi1>
          %reduce_sum3A_193 = tpu.scan <sum>, %select_n3A_177 masked %reduce_sum3A_192 : vector<16xi32>, vector<16xi1> -> vector<16xi32>
          %reduce_sum3A_194 = vector.extract %reduce_sum3A_193[15] : i32 from vector<16xi32>
          %add3A_195 = arith.addi %scan3A_164, %reduce_sum3A_194 : i32
          scf.yield %add3A_195 : i32
        }
        %scan3A_96 = arith.constant 160 : i32
        %add3A_97 = arith.constant 15 : i32
        %add3A_98 = arith.addi %scan3A_95, %add3A_97 : i32
        %jit3A_99 = arith.constant 16 : i32
        %div3A_100 = arith.divsi %add3A_98, %jit3A_99 : i32
        %sign3A_101 = arith.constant 0 : i32
        %sign3A_102 = arith.cmpi sgt, %add3A_98, %sign3A_101 : i32
        %sign3A_103 = arith.extui %sign3A_102 : i1 to i32
        %sign3A_104 = arith.constant 0 : i32
        %sign3A_105 = arith.cmpi slt, %add3A_98, %sign3A_104 : i32
        %sign3A_106 = arith.extui %sign3A_105 : i1 to i32
        %sign3A_107 = arith.subi %sign3A_103, %sign3A_106 : i32
        %sign3A_108 = arith.constant 0 : i32
        %sign3A_109 = arith.cmpi sgt, %jit3A_99, %sign3A_108 : i32
        %sign3A_110 = arith.extui %sign3A_109 : i1 to i32
        %sign3A_111 = arith.constant 0 : i32
        %sign3A_112 = arith.cmpi slt, %jit3A_99, %sign3A_111 : i32
        %sign3A_113 = arith.extui %sign3A_112 : i1 to i32
        %sign3A_114 = arith.subi %sign3A_110, %sign3A_113 : i32
        %ne3A_115 = arith.cmpi ne, %sign3A_107, %sign3A_114 : i32
        %rem3A_116 = arith.remsi %add3A_98, %jit3A_99 : i32
        %ne3A_117 = arith.constant 0 : i32
        %ne3A_118 = arith.cmpi ne, %rem3A_116, %ne3A_117 : i32
        %and3A_119 = arith.andi %ne3A_115, %ne3A_118 : i1
        %sub3A_120 = arith.constant 1 : i32
        %sub3A_121 = arith.subi %div3A_100, %sub3A_120 : i32
        %select_n3A_122 = arith.select %and3A_119, %sub3A_121, %div3A_100 : i32
        %min3A = arith.constant 8 : i32
        %min3A_123 = arith.minsi %select_n3A_122, %min3A : i32
        %broadcast_in_dim3A_124 = vector.broadcast %scan3A_95 : i32 to vector<16xi32>
        %max3A = arith.constant 1 : i32
        %max3A_125 = vector.broadcast %max3A : i32 to vector<16xi32>
        %max3A_126 = arith.maxsi %broadcast_in_dim3A_124, %max3A_125 : vector<16xi32>
        %convert_element_type3A_127 = arith.sitofp %max3A_126 : vector<16xi32> to vector<16xf32>
        %div3A_128 = arith.constant 1.000000e+00 : f32
        %div3A_129 = vector.broadcast %div3A_128 : f32 to vector<16xf32>
        %div3A_130 = arith.divf %div3A_129, %convert_element_type3A_127 : vector<16xf32>
        %get3A = arith.index_cast %add3A_82 : i32 to index
        %get3A_131 = tpu.vector_load %arg10[%get3A] {strides = array<i32>} : memref<2560xf32, #tpu.memory_space<vmem>>, vector<16xf32>,
        %slice3A = vector.extract_strided_slice %get3A_131 {offsets = [0], sizes = [1], strides = [1]} : vector<16xf32> to vector<1xf32>
        %squeeze3A = vector.extract %slice3A[0] : f32 from vector<1xf32>
        %get3A_132 = arith.index_cast %add3A_82 : i32 to index
        %get3A_133 = tpu.vector_load %arg11[%get3A_132] {strides = array<i32>} : memref<2560xf32, #tpu.memory_space<vmem>>, vector<16xf32>,
        %slice3A_134 = vector.extract_strided_slice %get3A_133 {offsets = [0], sizes = [1], strides = [1]} : vector<16xf32> to vector<1xf32>
        %squeeze3A_135 = vector.extract %slice3A_134[0] : f32 from vector<1xf32>
        %get3A_136 = arith.index_cast %add3A_82 : i32 to index
        %get3A_137 = tpu.vector_load %arg12[%get3A_136] {strides = array<i32>} : memref<2560xf32, #tpu.memory_space<vmem>>, vector<16xf32>,
        %slice3A_138 = vector.extract_strided_slice %get3A_137 {offsets = [0], sizes = [1], strides = [1]} : vector<16xf32> to vector<1xf32>
        %squeeze3A_139 = vector.extract %slice3A_138[0] : f32 from vector<1xf32>
        %while3A = arith.constant 0 : i32
        %while3A_140 = arith.constant 0 : i32
        %while3A_141 = arith.subi %min3A_123, %while3A : i32
        %while3A_142 = arith.addi %while3A, %while3A_141 : i32
        %while3A_143 = arith.constant 1 : i32
        %while3A_144 = arith.divsi %while3A_141, %while3A_143 : i32
        %while3A_145 = arith.muli %while3A_144, %while3A_143 : i32
        %while3A_146 = arith.addi %while3A, %while3A_145 : i32
        %while3A_147 = arith.constant 1 : i32
        %while3A_148 = scf.for %while3A_163 = %while3A to %while3A_146 step %while3A_147 iter_args(%while3A_164 = %while3A_140) -> (i32)  : i32 {
          %mul3A_165 = arith.constant 16 : i32
          %mul3A_166 = arith.muli %while3A_163, %mul3A_165 : i32
          %add3A_167 = vector.broadcast %mul3A_166 : i32 to vector<16xi32>
          %add3A_168 = arith.addi %iota3A, %add3A_167 : vector<16xi32>
          %lt3A_169 = vector.broadcast %scan3A_95 : i32 to vector<16xi32>
          %lt3A_170 = arith.cmpi slt, %add3A_168, %lt3A_169 : vector<16xi32>
          %mul3A_171 = arith.constant 16 : i32
          %mul3A_172 = arith.muli %while3A_163, %mul3A_171 : i32
          %get3A_173 = arith.index_cast %mul3A_172 : i32 to index
          %get3A_174 = tpu.vector_load %arg14[%get3A_173] {strides = array<i32>} : memref<2576xi32, #tpu.memory_space<vmem>>, vector<16xi32>,
          %jit3A_175 = arith.constant 0 : i32
          %broadcast_in_dim3A_176 = vector.broadcast %jit3A_175 : i32 to vector<16xi32>
          %select_n3A_177 = arith.select %lt3A_170, %get3A_174, %broadcast_in_dim3A_176 : vector<16xi1>, vector<16xi32>
          %jit3A_178 = arith.constant 1.000000e+00 : f32
          %jit3A_179 = arith.constant 0.000000e+00 : f32
          %broadcast_in_dim3A_180 = vector.broadcast %jit3A_178 : f32 to vector<16xf32>
          %broadcast_in_dim3A_181 = vector.broadcast %jit3A_179 : f32 to vector<16xf32>
          %select_n3A_182 = arith.select %lt3A_170, %broadcast_in_dim3A_180, %broadcast_in_dim3A_181 : vector<16xi1>, vector<16xf32>
          %gather3A = tpu.vector_load_idx %arg10[%select_n3A_177] : memref<2560xf32, #tpu.memory_space<vmem>>[vector<16xi32>], vector<16xf32>,
          %gather3A_183 = tpu.vector_load_idx %arg11[%select_n3A_177] : memref<2560xf32, #tpu.memory_space<vmem>>[vector<16xi32>], vector<16xf32>,
          %gather3A_184 = tpu.vector_load_idx %arg12[%select_n3A_177] : memref<2560xf32, #tpu.memory_space<vmem>>[vector<16xi32>], vector<16xf32>,
          %sub3A_185 = vector.broadcast %squeeze3A : f32 to vector<16xf32>
          %sub3A_186 = arith.subf %sub3A_185, %gather3A : vector<16xf32>
          %sub3A_187 = vector.broadcast %squeeze3A_135 : f32 to vector<16xf32>
          %sub3A_188 = arith.subf %sub3A_187, %gather3A_183 : vector<16xf32>
          %sub3A_189 = vector.broadcast %squeeze3A_139 : f32 to vector<16xf32>
          %sub3A_190 = arith.subf %sub3A_189, %gather3A_184 : vector<16xf32>
          %mul3A_191 = arith.mulf %sub3A_186, %sub3A_186 : vector<16xf32>
          %mul3A_192 = arith.mulf %sub3A_188, %sub3A_188 : vector<16xf32>
          %add3A_193 = arith.addf %mul3A_191, %mul3A_192 : vector<16xf32>
          %mul3A_194 = arith.mulf %sub3A_190, %sub3A_190 : vector<16xf32>
          %add3A_195 = arith.addf %add3A_193, %mul3A_194 : vector<16xf32>
          %bitcast_convert_type3A = tpu.bitcast %add3A_195 : vector<16xf32> -> vector<16xi32>
          %shift_right_arithmetic3A = arith.constant 1 : i32
          %shift_right_arithmetic3A_196 = vector.broadcast %shift_right_arithmetic3A : i32 to vector<16xi32>
          %shift_right_arithmetic3A_197 = arith.shrsi %bitcast_convert_type3A, %shift_right_arithmetic3A_196 : vector<16xi32>
          %sub3A_198 = arith.constant 1597463007 : i32
          %sub3A_199 = vector.broadcast %sub3A_198 : i32 to vector<16xi32>
          %sub3A_200 = arith.subi %sub3A_199, %shift_right_arithmetic3A_197 : vector<16xi32>
          %bitcast_convert_type3A_201 = tpu.bitcast %sub3A_200 : vector<16xi32> -> vector<16xf32>
          %mul3A_202 = arith.constant 5.000000e-01 : f32
          %mul3A_203 = vector.broadcast %mul3A_202 : f32 to vector<16xf32>
          %mul3A_204 = arith.mulf %mul3A_203, %add3A_195 : vector<16xf32>
          %mul3A_205 = arith.mulf %mul3A_204, %bitcast_convert_type3A_201 : vector<16xf32>
          %mul3A_206 = arith.mulf %mul3A_205, %bitcast_convert_type3A_201 : vector<16xf32>
          %sub3A_207 = arith.constant 1.500000e+00 : f32
          %sub3A_208 = vector.broadcast %sub3A_207 : f32 to vector<16xf32>
          %sub3A_209 = arith.subf %sub3A_208, %mul3A_206 : vector<16xf32>
          %mul3A_210 = arith.mulf %bitcast_convert_type3A_201, %sub3A_209 : vector<16xf32>
          %mul3A_211 = arith.constant 5.000000e-01 : f32
          %mul3A_212 = vector.broadcast %mul3A_211 : f32 to vector<16xf32>
          %mul3A_213 = arith.mulf %mul3A_212, %add3A_195 : vector<16xf32>
          %mul3A_214 = arith.mulf %mul3A_213, %mul3A_210 : vector<16xf32>
          %mul3A_215 = arith.mulf %mul3A_214, %mul3A_210 : vector<16xf32>
          %sub3A_216 = arith.constant 1.500000e+00 : f32
          %sub3A_217 = vector.broadcast %sub3A_216 : f32 to vector<16xf32>
          %sub3A_218 = arith.subf %sub3A_217, %mul3A_215 : vector<16xf32>
          %mul3A_219 = arith.mulf %mul3A_210, %sub3A_218 : vector<16xf32>
          %mul3A_220 = arith.constant 5.000000e-01 : f32
          %mul3A_221 = vector.broadcast %mul3A_220 : f32 to vector<16xf32>
          %mul3A_222 = arith.mulf %mul3A_221, %add3A_195 : vector<16xf32>
          %mul3A_223 = arith.mulf %mul3A_222, %mul3A_219 : vector<16xf32>
          %mul3A_224 = arith.mulf %mul3A_223, %mul3A_219 : vector<16xf32>
          %sub3A_225 = arith.constant 1.500000e+00 : f32
          %sub3A_226 = vector.broadcast %sub3A_225 : f32 to vector<16xf32>
          %sub3A_227 = arith.subf %sub3A_226, %mul3A_224 : vector<16xf32>
          %mul3A_228 = arith.mulf %mul3A_219, %sub3A_227 : vector<16xf32>
          %mul3A_229 = arith.mulf %add3A_195, %mul3A_228 : vector<16xf32>
          %mul3A_230 = arith.mulf %sub3A_186, %select_n3A_182 : vector<16xf32>
          %mul3A_231 = arith.mulf %sub3A_188, %select_n3A_182 : vector<16xf32>
          %mul3A_232 = arith.mulf %sub3A_190, %select_n3A_182 : vector<16xf32>
          %mul3A_233 = arith.mulf %mul3A_229, %select_n3A_182 : vector<16xf32>
          %mul3A_234 = arith.constant 16 : i32
          %mul3A_235 = arith.muli %while3A_163, %mul3A_234 : i32
          %swap3A_236 = arith.index_cast %mul3A_235 : i32 to index
          %swap3A_237 = tpu.vector_load %arg15[%swap3A_236] {strides = array<i32>} : memref<640xf32, #tpu.memory_space<vmem>>, vector<16xf32>,
          tpu.vector_store %arg15[%swap3A_236], %mul3A_230 {strides = array<i32>} : memref<640xf32, #tpu.memory_space<vmem>>, vector<16xf32>,
          %add3A_238 = arith.constant 128 : i32
          %add3A_239 = arith.addi %add3A_238, %mul3A_235 : i32
          %swap3A_240 = arith.index_cast %add3A_239 : i32 to index
          %swap3A_241 = tpu.vector_load %arg15[%swap3A_240] {strides = array<i32>} : memref<640xf32, #tpu.memory_space<vmem>>, vector<16xf32>,
          tpu.vector_store %arg15[%swap3A_240], %mul3A_231 {strides = array<i32>} : memref<640xf32, #tpu.memory_space<vmem>>, vector<16xf32>,
          %add3A_242 = arith.constant 256 : i32
          %add3A_243 = arith.addi %add3A_242, %mul3A_235 : i32
          %swap3A_244 = arith.index_cast %add3A_243 : i32 to index
          %swap3A_245 = tpu.vector_load %arg15[%swap3A_244] {strides = array<i32>} : memref<640xf32, #tpu.memory_space<vmem>>, vector<16xf32>,
          tpu.vector_store %arg15[%swap3A_244], %mul3A_232 {strides = array<i32>} : memref<640xf32, #tpu.memory_space<vmem>>, vector<16xf32>,
          %add3A_246 = arith.constant 384 : i32
          %add3A_247 = arith.addi %add3A_246, %mul3A_235 : i32
          %swap3A_248 = arith.index_cast %add3A_247 : i32 to index
          %swap3A_249 = tpu.vector_load %arg15[%swap3A_248] {strides = array<i32>} : memref<640xf32, #tpu.memory_space<vmem>>, vector<16xf32>,
          tpu.vector_store %arg15[%swap3A_248], %mul3A_233 {strides = array<i32>} : memref<640xf32, #tpu.memory_space<vmem>>, vector<16xf32>,
          %mul3A_250 = arith.mulf %select_n3A_182, %div3A_130 : vector<16xf32>
          %add3A_251 = arith.constant 512 : i32
          %add3A_252 = arith.addi %add3A_251, %mul3A_235 : i32
          %swap3A_253 = arith.index_cast %add3A_252 : i32 to index
          %swap3A_254 = tpu.vector_load %arg15[%swap3A_253] {strides = array<i32>} : memref<640xf32, #tpu.memory_space<vmem>>, vector<16xf32>,
          tpu.vector_store %arg15[%swap3A_253], %mul3A_250 {strides = array<i32>} : memref<640xf32, #tpu.memory_space<vmem>>, vector<16xf32>,
          %mul3A_255 = arith.mulf %mul3A_230, %sub3A_186 : vector<16xf32>
          %mul3A_256 = arith.mulf %mul3A_230, %sub3A_188 : vector<16xf32>
          %mul3A_257 = arith.mulf %mul3A_230, %sub3A_190 : vector<16xf32>
          %mul3A_258 = arith.mulf %mul3A_230, %mul3A_229 : vector<16xf32>
          %mul3A_259 = arith.mulf %mul3A_231, %sub3A_188 : vector<16xf32>
          %mul3A_260 = arith.mulf %mul3A_231, %sub3A_190 : vector<16xf32>
          %mul3A_261 = arith.mulf %mul3A_231, %mul3A_229 : vector<16xf32>
          %mul3A_262 = arith.mulf %mul3A_232, %sub3A_190 : vector<16xf32>
          %mul3A_263 = arith.mulf %mul3A_232, %mul3A_229 : vector<16xf32>
          %mul3A_264 = arith.mulf %mul3A_233, %mul3A_229 : vector<16xf32>
          %swap3A_265 = arith.constant 0 : index
          %swap3A_266 = tpu.vector_load %arg16[%swap3A_265] {strides = array<i32>} : memref<256xf32, #tpu.memory_space<vmem>>, vector<16xf32>,
          tpu.vector_store %arg16[%swap3A_265], %mul3A_230 {add = true, strides = array<i32>} : memref<256xf32, #tpu.memory_space<vmem>>, vector<16xf32>,
          %swap3A_267 = arith.constant 16 : index
          %swap3A_268 = tpu.vector_load %arg16[%swap3A_267] {strides = array<i32>} : memref<256xf32, #tpu.memory_space<vmem>>, vector<16xf32>,
          tpu.vector_store %arg16[%swap3A_267], %mul3A_231 {add = true, strides = array<i32>} : memref<256xf32, #tpu.memory_space<vmem>>, vector<16xf32>,
          %swap3A_269 = arith.constant 32 : index
          %swap3A_270 = tpu.vector_load %arg16[%swap3A_269] {strides = array<i32>} : memref<256xf32, #tpu.memory_space<vmem>>, vector<16xf32>,
          tpu.vector_store %arg16[%swap3A_269], %mul3A_232 {add = true, strides = array<i32>} : memref<256xf32, #tpu.memory_space<vmem>>, vector<16xf32>,
          %swap3A_271 = arith.constant 48 : index
          %swap3A_272 = tpu.vector_load %arg16[%swap3A_271] {strides = array<i32>} : memref<256xf32, #tpu.memory_space<vmem>>, vector<16xf32>,
          tpu.vector_store %arg16[%swap3A_271], %mul3A_233 {add = true, strides = array<i32>} : memref<256xf32, #tpu.memory_space<vmem>>, vector<16xf32>,
          %swap3A_273 = arith.constant 64 : index
          %swap3A_274 = tpu.vector_load %arg16[%swap3A_273] {strides = array<i32>} : memref<256xf32, #tpu.memory_space<vmem>>, vector<16xf32>,
          tpu.vector_store %arg16[%swap3A_273], %mul3A_255 {add = true, strides = array<i32>} : memref<256xf32, #tpu.memory_space<vmem>>, vector<16xf32>,
          %swap3A_275 = arith.constant 80 : index
          %swap3A_276 = tpu.vector_load %arg16[%swap3A_275] {strides = array<i32>} : memref<256xf32, #tpu.memory_space<vmem>>, vector<16xf32>,
          tpu.vector_store %arg16[%swap3A_275], %mul3A_256 {add = true, strides = array<i32>} : memref<256xf32, #tpu.memory_space<vmem>>, vector<16xf32>,
          %swap3A_277 = arith.constant 96 : index
          %swap3A_278 = tpu.vector_load %arg16[%swap3A_277] {strides = array<i32>} : memref<256xf32, #tpu.memory_space<vmem>>, vector<16xf32>,
          tpu.vector_store %arg16[%swap3A_277], %mul3A_257 {add = true, strides = array<i32>} : memref<256xf32, #tpu.memory_space<vmem>>, vector<16xf32>,
          %swap3A_279 = arith.constant 112 : index
          %swap3A_280 = tpu.vector_load %arg16[%swap3A_279] {strides = array<i32>} : memref<256xf32, #tpu.memory_space<vmem>>, vector<16xf32>,
          tpu.vector_store %arg16[%swap3A_279], %mul3A_258 {add = true, strides = array<i32>} : memref<256xf32, #tpu.memory_space<vmem>>, vector<16xf32>,
          %swap3A_281 = arith.constant 128 : index
          %swap3A_282 = tpu.vector_load %arg16[%swap3A_281] {strides = array<i32>} : memref<256xf32, #tpu.memory_space<vmem>>, vector<16xf32>,
          tpu.vector_store %arg16[%swap3A_281], %mul3A_259 {add = true, strides = array<i32>} : memref<256xf32, #tpu.memory_space<vmem>>, vector<16xf32>,
          %swap3A_283 = arith.constant 144 : index
          %swap3A_284 = tpu.vector_load %arg16[%swap3A_283] {strides = array<i32>} : memref<256xf32, #tpu.memory_space<vmem>>, vector<16xf32>,
          tpu.vector_store %arg16[%swap3A_283], %mul3A_260 {add = true, strides = array<i32>} : memref<256xf32, #tpu.memory_space<vmem>>, vector<16xf32>,
          %swap3A_285 = arith.constant 160 : index
          %swap3A_286 = tpu.vector_load %arg16[%swap3A_285] {strides = array<i32>} : memref<256xf32, #tpu.memory_space<vmem>>, vector<16xf32>,
          tpu.vector_store %arg16[%swap3A_285], %mul3A_261 {add = true, strides = array<i32>} : memref<256xf32, #tpu.memory_space<vmem>>, vector<16xf32>,
          %swap3A_287 = arith.constant 176 : index
          %swap3A_288 = tpu.vector_load %arg16[%swap3A_287] {strides = array<i32>} : memref<256xf32, #tpu.memory_space<vmem>>, vector<16xf32>,
          tpu.vector_store %arg16[%swap3A_287], %mul3A_262 {add = true, strides = array<i32>} : memref<256xf32, #tpu.memory_space<vmem>>, vector<16xf32>,
          %swap3A_289 = arith.constant 192 : index
          %swap3A_290 = tpu.vector_load %arg16[%swap3A_289] {strides = array<i32>} : memref<256xf32, #tpu.memory_space<vmem>>, vector<16xf32>,
          tpu.vector_store %arg16[%swap3A_289], %mul3A_263 {add = true, strides = array<i32>} : memref<256xf32, #tpu.memory_space<vmem>>, vector<16xf32>,
          %swap3A_291 = arith.constant 208 : index
          %swap3A_292 = tpu.vector_load %arg16[%swap3A_291] {strides = array<i32>} : memref<256xf32, #tpu.memory_space<vmem>>, vector<16xf32>,
          tpu.vector_store %arg16[%swap3A_291], %mul3A_264 {add = true, strides = array<i32>} : memref<256xf32, #tpu.memory_space<vmem>>, vector<16xf32>,
          %while3A_293 = arith.constant 0 : i32
          scf.yield %while3A_293 : i32
        }
        %while3A_149 = arith.constant 1 : i32
        %while3A_150 = scf.for %while3A_163 = %while3A_146 to %while3A_142 step %while3A_149 iter_args(%while3A_164 = %while3A_148) -> (i32)  : i32 {
          %mul3A_165 = arith.constant 16 : i32
          %mul3A_166 = arith.muli %while3A_163, %mul3A_165 : i32
          %add3A_167 = vector.broadcast %mul3A_166 : i32 to vector<16xi32>
          %add3A_168 = arith.addi %iota3A, %add3A_167 : vector<16xi32>
          %lt3A_169 = vector.broadcast %scan3A_95 : i32 to vector<16xi32>
          %lt3A_170 = arith.cmpi slt, %add3A_168, %lt3A_169 : vector<16xi32>
          %mul3A_171 = arith.constant 16 : i32
          %mul3A_172 = arith.muli %while3A_163, %mul3A_171 : i32
          %get3A_173 = arith.index_cast %mul3A_172 : i32 to index
          %get3A_174 = tpu.vector_load %arg14[%get3A_173] {strides = array<i32>} : memref<2576xi32, #tpu.memory_space<vmem>>, vector<16xi32>,
          %jit3A_175 = arith.constant 0 : i32
          %broadcast_in_dim3A_176 = vector.broadcast %jit3A_175 : i32 to vector<16xi32>
          %select_n3A_177 = arith.select %lt3A_170, %get3A_174, %broadcast_in_dim3A_176 : vector<16xi1>, vector<16xi32>
          %jit3A_178 = arith.constant 1.000000e+00 : f32
          %jit3A_179 = arith.constant 0.000000e+00 : f32
          %broadcast_in_dim3A_180 = vector.broadcast %jit3A_178 : f32 to vector<16xf32>
          %broadcast_in_dim3A_181 = vector.broadcast %jit3A_179 : f32 to vector<16xf32>
          %select_n3A_182 = arith.select %lt3A_170, %broadcast_in_dim3A_180, %broadcast_in_dim3A_181 : vector<16xi1>, vector<16xf32>
          %gather3A = tpu.vector_load_idx %arg10[%select_n3A_177] : memref<2560xf32, #tpu.memory_space<vmem>>[vector<16xi32>], vector<16xf32>,
          %gather3A_183 = tpu.vector_load_idx %arg11[%select_n3A_177] : memref<2560xf32, #tpu.memory_space<vmem>>[vector<16xi32>], vector<16xf32>,
          %gather3A_184 = tpu.vector_load_idx %arg12[%select_n3A_177] : memref<2560xf32, #tpu.memory_space<vmem>>[vector<16xi32>], vector<16xf32>,
          %sub3A_185 = vector.broadcast %squeeze3A : f32 to vector<16xf32>
          %sub3A_186 = arith.subf %sub3A_185, %gather3A : vector<16xf32>
          %sub3A_187 = vector.broadcast %squeeze3A_135 : f32 to vector<16xf32>
          %sub3A_188 = arith.subf %sub3A_187, %gather3A_183 : vector<16xf32>
          %sub3A_189 = vector.broadcast %squeeze3A_139 : f32 to vector<16xf32>
          %sub3A_190 = arith.subf %sub3A_189, %gather3A_184 : vector<16xf32>
          %mul3A_191 = arith.mulf %sub3A_186, %sub3A_186 : vector<16xf32>
          %mul3A_192 = arith.mulf %sub3A_188, %sub3A_188 : vector<16xf32>
          %add3A_193 = arith.addf %mul3A_191, %mul3A_192 : vector<16xf32>
          %mul3A_194 = arith.mulf %sub3A_190, %sub3A_190 : vector<16xf32>
          %add3A_195 = arith.addf %add3A_193, %mul3A_194 : vector<16xf32>
          %bitcast_convert_type3A = tpu.bitcast %add3A_195 : vector<16xf32> -> vector<16xi32>
          %shift_right_arithmetic3A = arith.constant 1 : i32
          %shift_right_arithmetic3A_196 = vector.broadcast %shift_right_arithmetic3A : i32 to vector<16xi32>
          %shift_right_arithmetic3A_197 = arith.shrsi %bitcast_convert_type3A, %shift_right_arithmetic3A_196 : vector<16xi32>
          %sub3A_198 = arith.constant 1597463007 : i32
          %sub3A_199 = vector.broadcast %sub3A_198 : i32 to vector<16xi32>
          %sub3A_200 = arith.subi %sub3A_199, %shift_right_arithmetic3A_197 : vector<16xi32>
          %bitcast_convert_type3A_201 = tpu.bitcast %sub3A_200 : vector<16xi32> -> vector<16xf32>
          %mul3A_202 = arith.constant 5.000000e-01 : f32
          %mul3A_203 = vector.broadcast %mul3A_202 : f32 to vector<16xf32>
          %mul3A_204 = arith.mulf %mul3A_203, %add3A_195 : vector<16xf32>
          %mul3A_205 = arith.mulf %mul3A_204, %bitcast_convert_type3A_201 : vector<16xf32>
          %mul3A_206 = arith.mulf %mul3A_205, %bitcast_convert_type3A_201 : vector<16xf32>
          %sub3A_207 = arith.constant 1.500000e+00 : f32
          %sub3A_208 = vector.broadcast %sub3A_207 : f32 to vector<16xf32>
          %sub3A_209 = arith.subf %sub3A_208, %mul3A_206 : vector<16xf32>
          %mul3A_210 = arith.mulf %bitcast_convert_type3A_201, %sub3A_209 : vector<16xf32>
          %mul3A_211 = arith.constant 5.000000e-01 : f32
          %mul3A_212 = vector.broadcast %mul3A_211 : f32 to vector<16xf32>
          %mul3A_213 = arith.mulf %mul3A_212, %add3A_195 : vector<16xf32>
          %mul3A_214 = arith.mulf %mul3A_213, %mul3A_210 : vector<16xf32>
          %mul3A_215 = arith.mulf %mul3A_214, %mul3A_210 : vector<16xf32>
          %sub3A_216 = arith.constant 1.500000e+00 : f32
          %sub3A_217 = vector.broadcast %sub3A_216 : f32 to vector<16xf32>
          %sub3A_218 = arith.subf %sub3A_217, %mul3A_215 : vector<16xf32>
          %mul3A_219 = arith.mulf %mul3A_210, %sub3A_218 : vector<16xf32>
          %mul3A_220 = arith.constant 5.000000e-01 : f32
          %mul3A_221 = vector.broadcast %mul3A_220 : f32 to vector<16xf32>
          %mul3A_222 = arith.mulf %mul3A_221, %add3A_195 : vector<16xf32>
          %mul3A_223 = arith.mulf %mul3A_222, %mul3A_219 : vector<16xf32>
          %mul3A_224 = arith.mulf %mul3A_223, %mul3A_219 : vector<16xf32>
          %sub3A_225 = arith.constant 1.500000e+00 : f32
          %sub3A_226 = vector.broadcast %sub3A_225 : f32 to vector<16xf32>
          %sub3A_227 = arith.subf %sub3A_226, %mul3A_224 : vector<16xf32>
          %mul3A_228 = arith.mulf %mul3A_219, %sub3A_227 : vector<16xf32>
          %mul3A_229 = arith.mulf %add3A_195, %mul3A_228 : vector<16xf32>
          %mul3A_230 = arith.mulf %sub3A_186, %select_n3A_182 : vector<16xf32>
          %mul3A_231 = arith.mulf %sub3A_188, %select_n3A_182 : vector<16xf32>
          %mul3A_232 = arith.mulf %sub3A_190, %select_n3A_182 : vector<16xf32>
          %mul3A_233 = arith.mulf %mul3A_229, %select_n3A_182 : vector<16xf32>
          %mul3A_234 = arith.constant 16 : i32
          %mul3A_235 = arith.muli %while3A_163, %mul3A_234 : i32
          %swap3A_236 = arith.index_cast %mul3A_235 : i32 to index
          %swap3A_237 = tpu.vector_load %arg15[%swap3A_236] {strides = array<i32>} : memref<640xf32, #tpu.memory_space<vmem>>, vector<16xf32>,
          tpu.vector_store %arg15[%swap3A_236], %mul3A_230 {strides = array<i32>} : memref<640xf32, #tpu.memory_space<vmem>>, vector<16xf32>,
          %add3A_238 = arith.constant 128 : i32
          %add3A_239 = arith.addi %add3A_238, %mul3A_235 : i32
          %swap3A_240 = arith.index_cast %add3A_239 : i32 to index
          %swap3A_241 = tpu.vector_load %arg15[%swap3A_240] {strides = array<i32>} : memref<640xf32, #tpu.memory_space<vmem>>, vector<16xf32>,
          tpu.vector_store %arg15[%swap3A_240], %mul3A_231 {strides = array<i32>} : memref<640xf32, #tpu.memory_space<vmem>>, vector<16xf32>,
          %add3A_242 = arith.constant 256 : i32
          %add3A_243 = arith.addi %add3A_242, %mul3A_235 : i32
          %swap3A_244 = arith.index_cast %add3A_243 : i32 to index
          %swap3A_245 = tpu.vector_load %arg15[%swap3A_244] {strides = array<i32>} : memref<640xf32, #tpu.memory_space<vmem>>, vector<16xf32>,
          tpu.vector_store %arg15[%swap3A_244], %mul3A_232 {strides = array<i32>} : memref<640xf32, #tpu.memory_space<vmem>>, vector<16xf32>,
          %add3A_246 = arith.constant 384 : i32
          %add3A_247 = arith.addi %add3A_246, %mul3A_235 : i32
          %swap3A_248 = arith.index_cast %add3A_247 : i32 to index
          %swap3A_249 = tpu.vector_load %arg15[%swap3A_248] {strides = array<i32>} : memref<640xf32, #tpu.memory_space<vmem>>, vector<16xf32>,
          tpu.vector_store %arg15[%swap3A_248], %mul3A_233 {strides = array<i32>} : memref<640xf32, #tpu.memory_space<vmem>>, vector<16xf32>,
          %mul3A_250 = arith.mulf %select_n3A_182, %div3A_130 : vector<16xf32>
          %add3A_251 = arith.constant 512 : i32
          %add3A_252 = arith.addi %add3A_251, %mul3A_235 : i32
          %swap3A_253 = arith.index_cast %add3A_252 : i32 to index
          %swap3A_254 = tpu.vector_load %arg15[%swap3A_253] {strides = array<i32>} : memref<640xf32, #tpu.memory_space<vmem>>, vector<16xf32>,
          tpu.vector_store %arg15[%swap3A_253], %mul3A_250 {strides = array<i32>} : memref<640xf32, #tpu.memory_space<vmem>>, vector<16xf32>,
          %mul3A_255 = arith.mulf %mul3A_230, %sub3A_186 : vector<16xf32>
          %mul3A_256 = arith.mulf %mul3A_230, %sub3A_188 : vector<16xf32>
          %mul3A_257 = arith.mulf %mul3A_230, %sub3A_190 : vector<16xf32>
          %mul3A_258 = arith.mulf %mul3A_230, %mul3A_229 : vector<16xf32>
          %mul3A_259 = arith.mulf %mul3A_231, %sub3A_188 : vector<16xf32>
          %mul3A_260 = arith.mulf %mul3A_231, %sub3A_190 : vector<16xf32>
          %mul3A_261 = arith.mulf %mul3A_231, %mul3A_229 : vector<16xf32>
          %mul3A_262 = arith.mulf %mul3A_232, %sub3A_190 : vector<16xf32>
          %mul3A_263 = arith.mulf %mul3A_232, %mul3A_229 : vector<16xf32>
          %mul3A_264 = arith.mulf %mul3A_233, %mul3A_229 : vector<16xf32>
          %swap3A_265 = arith.constant 0 : index
          %swap3A_266 = tpu.vector_load %arg16[%swap3A_265] {strides = array<i32>} : memref<256xf32, #tpu.memory_space<vmem>>, vector<16xf32>,
          tpu.vector_store %arg16[%swap3A_265], %mul3A_230 {add = true, strides = array<i32>} : memref<256xf32, #tpu.memory_space<vmem>>, vector<16xf32>,
          %swap3A_267 = arith.constant 16 : index
          %swap3A_268 = tpu.vector_load %arg16[%swap3A_267] {strides = array<i32>} : memref<256xf32, #tpu.memory_space<vmem>>, vector<16xf32>,
          tpu.vector_store %arg16[%swap3A_267], %mul3A_231 {add = true, strides = array<i32>} : memref<256xf32, #tpu.memory_space<vmem>>, vector<16xf32>,
          %swap3A_269 = arith.constant 32 : index
          %swap3A_270 = tpu.vector_load %arg16[%swap3A_269] {strides = array<i32>} : memref<256xf32, #tpu.memory_space<vmem>>, vector<16xf32>,
          tpu.vector_store %arg16[%swap3A_269], %mul3A_232 {add = true, strides = array<i32>} : memref<256xf32, #tpu.memory_space<vmem>>, vector<16xf32>,
          %swap3A_271 = arith.constant 48 : index
          %swap3A_272 = tpu.vector_load %arg16[%swap3A_271] {strides = array<i32>} : memref<256xf32, #tpu.memory_space<vmem>>, vector<16xf32>,
          tpu.vector_store %arg16[%swap3A_271], %mul3A_233 {add = true, strides = array<i32>} : memref<256xf32, #tpu.memory_space<vmem>>, vector<16xf32>,
          %swap3A_273 = arith.constant 64 : index
          %swap3A_274 = tpu.vector_load %arg16[%swap3A_273] {strides = array<i32>} : memref<256xf32, #tpu.memory_space<vmem>>, vector<16xf32>,
          tpu.vector_store %arg16[%swap3A_273], %mul3A_255 {add = true, strides = array<i32>} : memref<256xf32, #tpu.memory_space<vmem>>, vector<16xf32>,
          %swap3A_275 = arith.constant 80 : index
          %swap3A_276 = tpu.vector_load %arg16[%swap3A_275] {strides = array<i32>} : memref<256xf32, #tpu.memory_space<vmem>>, vector<16xf32>,
          tpu.vector_store %arg16[%swap3A_275], %mul3A_256 {add = true, strides = array<i32>} : memref<256xf32, #tpu.memory_space<vmem>>, vector<16xf32>,
          %swap3A_277 = arith.constant 96 : index
          %swap3A_278 = tpu.vector_load %arg16[%swap3A_277] {strides = array<i32>} : memref<256xf32, #tpu.memory_space<vmem>>, vector<16xf32>,
          tpu.vector_store %arg16[%swap3A_277], %mul3A_257 {add = true, strides = array<i32>} : memref<256xf32, #tpu.memory_space<vmem>>, vector<16xf32>,
          %swap3A_279 = arith.constant 112 : index
          %swap3A_280 = tpu.vector_load %arg16[%swap3A_279] {strides = array<i32>} : memref<256xf32, #tpu.memory_space<vmem>>, vector<16xf32>,
          tpu.vector_store %arg16[%swap3A_279], %mul3A_258 {add = true, strides = array<i32>} : memref<256xf32, #tpu.memory_space<vmem>>, vector<16xf32>,
          %swap3A_281 = arith.constant 128 : index
          %swap3A_282 = tpu.vector_load %arg16[%swap3A_281] {strides = array<i32>} : memref<256xf32, #tpu.memory_space<vmem>>, vector<16xf32>,
          tpu.vector_store %arg16[%swap3A_281], %mul3A_259 {add = true, strides = array<i32>} : memref<256xf32, #tpu.memory_space<vmem>>, vector<16xf32>,
          %swap3A_283 = arith.constant 144 : index
          %swap3A_284 = tpu.vector_load %arg16[%swap3A_283] {strides = array<i32>} : memref<256xf32, #tpu.memory_space<vmem>>, vector<16xf32>,
          tpu.vector_store %arg16[%swap3A_283], %mul3A_260 {add = true, strides = array<i32>} : memref<256xf32, #tpu.memory_space<vmem>>, vector<16xf32>,
          %swap3A_285 = arith.constant 160 : index
          %swap3A_286 = tpu.vector_load %arg16[%swap3A_285] {strides = array<i32>} : memref<256xf32, #tpu.memory_space<vmem>>, vector<16xf32>,
          tpu.vector_store %arg16[%swap3A_285], %mul3A_261 {add = true, strides = array<i32>} : memref<256xf32, #tpu.memory_space<vmem>>, vector<16xf32>,
          %swap3A_287 = arith.constant 176 : index
          %swap3A_288 = tpu.vector_load %arg16[%swap3A_287] {strides = array<i32>} : memref<256xf32, #tpu.memory_space<vmem>>, vector<16xf32>,
          tpu.vector_store %arg16[%swap3A_287], %mul3A_262 {add = true, strides = array<i32>} : memref<256xf32, #tpu.memory_space<vmem>>, vector<16xf32>,
          %swap3A_289 = arith.constant 192 : index
          %swap3A_290 = tpu.vector_load %arg16[%swap3A_289] {strides = array<i32>} : memref<256xf32, #tpu.memory_space<vmem>>, vector<16xf32>,
          tpu.vector_store %arg16[%swap3A_289], %mul3A_263 {add = true, strides = array<i32>} : memref<256xf32, #tpu.memory_space<vmem>>, vector<16xf32>,
          %swap3A_291 = arith.constant 208 : index
          %swap3A_292 = tpu.vector_load %arg16[%swap3A_291] {strides = array<i32>} : memref<256xf32, #tpu.memory_space<vmem>>, vector<16xf32>,
          tpu.vector_store %arg16[%swap3A_291], %mul3A_264 {add = true, strides = array<i32>} : memref<256xf32, #tpu.memory_space<vmem>>, vector<16xf32>,
          %while3A_293 = arith.constant 0 : i32
          scf.yield %while3A_293 : i32
        }
        %while3A_151 = arith.constant 8 : i32
        %while3A_152 = arith.constant 0 : i32
        %while3A_153 = arith.subi %while3A_151, %min3A_123 : i32
        %while3A_154 = arith.addi %min3A_123, %while3A_153 : i32
        %while3A_155 = arith.constant 1 : i32
        %while3A_156 = arith.divsi %while3A_153, %while3A_155 : i32
        %while3A_157 = arith.muli %while3A_156, %while3A_155 : i32
        %while3A_158 = arith.addi %min3A_123, %while3A_157 : i32
        %while3A_159 = arith.constant 1 : i32
        %while3A_160 = scf.for %while3A_163 = %min3A_123 to %while3A_158 step %while3A_159 iter_args(%while3A_164 = %while3A_152) -> (i32)  : i32 {
          %mul3A_165 = arith.constant 16 : i32
          %mul3A_166 = arith.muli %while3A_163, %mul3A_165 : i32
          %add3A_167 = arith.constant 0 : i32
          %add3A_168 = arith.addi %add3A_167, %mul3A_166 : i32
          %swap3A_169 = arith.index_cast %add3A_168 : i32 to index
          %swap3A_170 = tpu.vector_load %arg15[%swap3A_169] {strides = array<i32>} : memref<640xf32, #tpu.memory_space<vmem>>, vector<16xf32>,
          tpu.vector_store %arg15[%swap3A_169], %broadcast_in_dim3A_33 {strides = array<i32>} : memref<640xf32, #tpu.memory_space<vmem>>, vector<16xf32>,
          %add3A_171 = arith.constant 128 : i32
          %add3A_172 = arith.addi %add3A_171, %mul3A_166 : i32
          %swap3A_173 = arith.index_cast %add3A_172 : i32 to index
          %swap3A_174 = tpu.vector_load %arg15[%swap3A_173] {strides = array<i32>} : memref<640xf32, #tpu.memory_space<vmem>>, vector<16xf32>,
          tpu.vector_store %arg15[%swap3A_173], %broadcast_in_dim3A_33 {strides = array<i32>} : memref<640xf32, #tpu.memory_space<vmem>>, vector<16xf32>,
          %add3A_175 = arith.constant 256 : i32
          %add3A_176 = arith.addi %add3A_175, %mul3A_166 : i32
          %swap3A_177 = arith.index_cast %add3A_176 : i32 to index
          %swap3A_178 = tpu.vector_load %arg15[%swap3A_177] {strides = array<i32>} : memref<640xf32, #tpu.memory_space<vmem>>, vector<16xf32>,
          tpu.vector_store %arg15[%swap3A_177], %broadcast_in_dim3A_33 {strides = array<i32>} : memref<640xf32, #tpu.memory_space<vmem>>, vector<16xf32>,
          %add3A_179 = arith.constant 384 : i32
          %add3A_180 = arith.addi %add3A_179, %mul3A_166 : i32
          %swap3A_181 = arith.index_cast %add3A_180 : i32 to index
          %swap3A_182 = tpu.vector_load %arg15[%swap3A_181] {strides = array<i32>} : memref<640xf32, #tpu.memory_space<vmem>>, vector<16xf32>,
          tpu.vector_store %arg15[%swap3A_181], %broadcast_in_dim3A_33 {strides = array<i32>} : memref<640xf32, #tpu.memory_space<vmem>>, vector<16xf32>,
          %add3A_183 = arith.constant 512 : i32
          %add3A_184 = arith.addi %add3A_183, %mul3A_166 : i32
          %swap3A_185 = arith.index_cast %add3A_184 : i32 to index
          %swap3A_186 = tpu.vector_load %arg15[%swap3A_185] {strides = array<i32>} : memref<640xf32, #tpu.memory_space<vmem>>, vector<16xf32>,
          tpu.vector_store %arg15[%swap3A_185], %broadcast_in_dim3A_33 {strides = array<i32>} : memref<640xf32, #tpu.memory_space<vmem>>, vector<16xf32>,
          %while3A_187 = arith.constant 0 : i32
          scf.yield %while3A_187 : i32
        }
        %while3A_161 = arith.constant 1 : i32
        %while3A_162 = scf.for %while3A_163 = %while3A_158 to %while3A_154 step %while3A_161 iter_args(%while3A_164 = %while3A_160) -> (i32)  : i32 {
          %mul3A_165 = arith.constant 16 : i32
          %mul3A_166 = arith.muli %while3A_163, %mul3A_165 : i32
          %add3A_167 = arith.constant 0 : i32
          %add3A_168 = arith.addi %add3A_167, %mul3A_166 : i32
          %swap3A_169 = arith.index_cast %add3A_168 : i32 to index
          %swap3A_170 = tpu.vector_load %arg15[%swap3A_169] {strides = array<i32>} : memref<640xf32, #tpu.memory_space<vmem>>, vector<16xf32>,
          tpu.vector_store %arg15[%swap3A_169], %broadcast_in_dim3A_33 {strides = array<i32>} : memref<640xf32, #tpu.memory_space<vmem>>, vector<16xf32>,
          %add3A_171 = arith.constant 128 : i32
          %add3A_172 = arith.addi %add3A_171, %mul3A_166 : i32
          %swap3A_173 = arith.index_cast %add3A_172 : i32 to index
          %swap3A_174 = tpu.vector_load %arg15[%swap3A_173] {strides = array<i32>} : memref<640xf32, #tpu.memory_space<vmem>>, vector<16xf32>,
          tpu.vector_store %arg15[%swap3A_173], %broadcast_in_dim3A_33 {strides = array<i32>} : memref<640xf32, #tpu.memory_space<vmem>>, vector<16xf32>,
          %add3A_175 = arith.constant 256 : i32
          %add3A_176 = arith.addi %add3A_175, %mul3A_166 : i32
          %swap3A_177 = arith.index_cast %add3A_176 : i32 to index
          %swap3A_178 = tpu.vector_load %arg15[%swap3A_177] {strides = array<i32>} : memref<640xf32, #tpu.memory_space<vmem>>, vector<16xf32>,
          tpu.vector_store %arg15[%swap3A_177], %broadcast_in_dim3A_33 {strides = array<i32>} : memref<640xf32, #tpu.memory_space<vmem>>, vector<16xf32>,
          %add3A_179 = arith.constant 384 : i32
          %add3A_180 = arith.addi %add3A_179, %mul3A_166 : i32
          %swap3A_181 = arith.index_cast %add3A_180 : i32 to index
          %swap3A_182 = tpu.vector_load %arg15[%swap3A_181] {strides = array<i32>} : memref<640xf32, #tpu.memory_space<vmem>>, vector<16xf32>,
          tpu.vector_store %arg15[%swap3A_181], %broadcast_in_dim3A_33 {strides = array<i32>} : memref<640xf32, #tpu.memory_space<vmem>>, vector<16xf32>,
          %add3A_183 = arith.constant 512 : i32
          %add3A_184 = arith.addi %add3A_183, %mul3A_166 : i32
          %swap3A_185 = arith.index_cast %add3A_184 : i32 to index
          %swap3A_186 = tpu.vector_load %arg15[%swap3A_185] {strides = array<i32>} : memref<640xf32, #tpu.memory_space<vmem>>, vector<16xf32>,
          tpu.vector_store %arg15[%swap3A_185], %broadcast_in_dim3A_33 {strides = array<i32>} : memref<640xf32, #tpu.memory_space<vmem>>, vector<16xf32>,
          %while3A_187 = arith.constant 0 : i32
          scf.yield %while3A_187 : i32
        }
        "tpu.region"() ({
          %run_scoped3A = tpu.sem_alloc : memref<!tpu.dma_semaphore, #tpu.memory_space<semaphore_mem>>
          %dma_start3A = arith.constant 0 : i32
          %dma_start3A_163 = tpu.memref_slice %arg7[%add3A_85, %dma_start3A] : memref<10240x640xf32, #tpu.memory_space<hbm>> -> memref<1x640xf32, #tpu.memory_space<hbm>>
          %dma_start3A_164 = tpu.memref_squeeze %dma_start3A_163 : memref<1x640xf32, #tpu.memory_space<hbm>> -> memref<640xf32, #tpu.memory_space<hbm>>
          %dma_start3A_165 = arith.constant 0 : i32
          %dma_start3A_166 = tpu.memref_slice %arg7[%add3A_85, %dma_start3A_165] : memref<10240x640xf32, #tpu.memory_space<hbm>> -> memref<1x640xf32, #tpu.memory_space<hbm>>
          %dma_start3A_167 = tpu.memref_squeeze %dma_start3A_166 : memref<1x640xf32, #tpu.memory_space<hbm>> -> memref<640xf32, #tpu.memory_space<hbm>>
          tpu.enqueue_dma source(%arg15 : memref<640xf32, #tpu.memory_space<vmem>>) target(%dma_start3A_167 : memref<640xf32, #tpu.memory_space<hbm>>) target_semaphore(%run_scoped3A : memref<!tpu.dma_semaphore, #tpu.memory_space<semaphore_mem>>)
          %dma_wait3A = arith.constant 0 : i32
          %dma_wait3A_168 = tpu.memref_slice %arg7[%add3A_85, %dma_wait3A] : memref<10240x640xf32, #tpu.memory_space<hbm>> -> memref<1x640xf32, #tpu.memory_space<hbm>>
          %dma_wait3A_169 = tpu.memref_squeeze %dma_wait3A_168 : memref<1x640xf32, #tpu.memory_space<hbm>> -> memref<640xf32, #tpu.memory_space<hbm>>
          %dma_wait3A_170 = arith.constant 0 : i32
          %dma_wait3A_171 = tpu.memref_slice %arg7[%add3A_85, %dma_wait3A_170] : memref<10240x640xf32, #tpu.memory_space<hbm>> -> memref<1x640xf32, #tpu.memory_space<hbm>>
          %dma_wait3A_172 = tpu.memref_squeeze %dma_wait3A_171 : memref<1x640xf32, #tpu.memory_space<hbm>> -> memref<640xf32, #tpu.memory_space<hbm>>
          tpu.wait_dma2 semaphore(%run_scoped3A : memref<!tpu.dma_semaphore, #tpu.memory_space<semaphore_mem>>) src(%arg15 : memref<640xf32, #tpu.memory_space<vmem>>) dst(%dma_wait3A_172 : memref<640xf32, #tpu.memory_space<hbm>>)
          tpu.yield
        }) : () -> ()
      } else {
      }
      %scan3A_89 = arith.constant 0 : i32
      scf.yield %scan3A_89 : i32
    }
    %scan3A_79 = arith.constant 320 : i32
    "tpu.region"() ({
      %run_scoped3A = tpu.sem_alloc : memref<!tpu.dma_semaphore, #tpu.memory_space<semaphore_mem>>
      %dma_start3A = arith.constant 0 : i32
      %dma_start3A_80 = tpu.memref_slice %arg8[%add3A, %dma_start3A] : memref<32x256xf32, #tpu.memory_space<hbm>> -> memref<1x256xf32, #tpu.memory_space<hbm>>
      %dma_start3A_81 = tpu.memref_squeeze %dma_start3A_80 : memref<1x256xf32, #tpu.memory_space<hbm>> -> memref<256xf32, #tpu.memory_space<hbm>>
      %dma_start3A_82 = arith.constant 0 : i32
      %dma_start3A_83 = tpu.memref_slice %arg8[%add3A, %dma_start3A_82] : memref<32x256xf32, #tpu.memory_space<hbm>> -> memref<1x256xf32, #tpu.memory_space<hbm>>
      %dma_start3A_84 = tpu.memref_squeeze %dma_start3A_83 : memref<1x256xf32, #tpu.memory_space<hbm>> -> memref<256xf32, #tpu.memory_space<hbm>>
      tpu.enqueue_dma source(%arg16 : memref<256xf32, #tpu.memory_space<vmem>>) target(%dma_start3A_84 : memref<256xf32, #tpu.memory_space<hbm>>) target_semaphore(%run_scoped3A : memref<!tpu.dma_semaphore, #tpu.memory_space<semaphore_mem>>)
      %dma_wait3A = arith.constant 0 : i32
      %dma_wait3A_85 = tpu.memref_slice %arg8[%add3A, %dma_wait3A] : memref<32x256xf32, #tpu.memory_space<hbm>> -> memref<1x256xf32, #tpu.memory_space<hbm>>
      %dma_wait3A_86 = tpu.memref_squeeze %dma_wait3A_85 : memref<1x256xf32, #tpu.memory_space<hbm>> -> memref<256xf32, #tpu.memory_space<hbm>>
      %dma_wait3A_87 = arith.constant 0 : i32
      %dma_wait3A_88 = tpu.memref_slice %arg8[%add3A, %dma_wait3A_87] : memref<32x256xf32, #tpu.memory_space<hbm>> -> memref<1x256xf32, #tpu.memory_space<hbm>>
      %dma_wait3A_89 = tpu.memref_squeeze %dma_wait3A_88 : memref<1x256xf32, #tpu.memory_space<hbm>> -> memref<256xf32, #tpu.memory_space<hbm>>
      tpu.wait_dma2 semaphore(%run_scoped3A : memref<!tpu.dma_semaphore, #tpu.memory_space<semaphore_mem>>) src(%arg16 : memref<256xf32, #tpu.memory_space<vmem>>) dst(%dma_wait3A_89 : memref<256xf32, #tpu.memory_space<hbm>>)
      tpu.yield
    }) : () -> ()
    return
  }
}

module attributes {stable_mosaic.version = 14 : i64} {
  func.func @_knn_body(%arg0: i32, %arg1: i32, %arg2: memref<1x8x2560xf32, #tpu.memory_space<vmem>>, %arg3: memref<1x8x256xf32, #tpu.memory_space<vmem>>, %arg4: memref<1x256x128xf32, #tpu.memory_space<vmem>>, %arg5: memref<1x1x2560xf32, #tpu.memory_space<vmem>>, %arg6: memref<1x256x2560xi32, #tpu.memory_space<vmem>>, %arg7: memref<1x256x128xi32, #tpu.memory_space<vmem>>) attributes {dimension_semantics = [#tpu.dimension_semantics<arbitrary>, #tpu.dimension_semantics<arbitrary>], iteration_bounds = array<i64: 4, 10>, scalar_prefetch = 0 : i64, scratch_operands = 0 : i64, tpu.core_type = #tpu.core_type<tc>, window_params = [{transform_indices = @transform_0, window_bounds = array<i64: 1, 8, 2560>}, {transform_indices = @transform_1, window_bounds = array<i64: 1, 8, 256>}, {transform_indices = @transform_2, window_bounds = array<i64: 1, 256, 128>}, {transform_indices = @transform_3, window_bounds = array<i64: 1, 1, 2560>}, {transform_indices = @transform_4, window_bounds = array<i64: 1, 256, 2560>}, {transform_indices = @transform_5, window_bounds = array<i64: 1, 256, 128>}]} {
    %get3A = arith.constant 0 : index
    %get3A_0 = arith.constant 0 : index
    %get3A_1 = arith.constant 0 : index
    %get3A_2 = vector.load %arg2[%get3A, %get3A_0, %get3A_1] : memref<1x8x2560xf32, #tpu.memory_space<vmem>>, vector<1x8x2560xf32>
    %get3A_3 = vector.shape_cast %get3A_2 : vector<1x8x2560xf32> to vector<8x2560xf32>
    %get3A_4 = arith.constant 0 : index
    %get3A_5 = arith.constant 0 : index
    %get3A_6 = arith.constant 0 : index
    %get3A_7 = vector.load %arg3[%get3A_4, %get3A_5, %get3A_6] : memref<1x8x256xf32, #tpu.memory_space<vmem>>, vector<1x8x256xf32>
    %get3A_8 = vector.shape_cast %get3A_7 : vector<1x8x256xf32> to vector<8x256xf32>
    %get3A_9 = arith.constant 0 : index
    %get3A_10 = arith.constant 0 : index
    %get3A_11 = arith.constant 0 : index
    %get3A_12 = vector.load %arg5[%get3A_9, %get3A_10, %get3A_11] : memref<1x1x2560xf32, #tpu.memory_space<vmem>>, vector<1x1x2560xf32>
    %get3A_13 = vector.shape_cast %get3A_12 : vector<1x1x2560xf32> to vector<1x2560xf32>
    %get3A_14 = arith.constant 0 : index
    %get3A_15 = arith.constant 0 : index
    %get3A_16 = arith.constant 0 : index
    %get3A_17 = vector.load %arg4[%get3A_14, %get3A_15, %get3A_16] : memref<1x256x128xf32, #tpu.memory_space<vmem>>, vector<1x256x128xf32>
    %get3A_18 = vector.shape_cast %get3A_17 : vector<1x256x128xf32> to vector<256x128xf32>
    %slice3A = vector.extract_strided_slice %get3A_18 {offsets = [0, 0], sizes = [256, 1], strides = [1, 1]} : vector<256x128xf32> to vector<256x1xf32>
    %convert_element_type3A = arith.truncf %get3A_8 : vector<8x256xf32> to vector<8x256xbf16>
    %convert_element_type3A_19 = arith.truncf %get3A_3 : vector<8x2560xf32> to vector<8x2560xbf16>
    %dot_general3A = arith.constant dense<0.000000e+00> : vector<256x2560xf32>
    %dot_general3A_20 = tpu.matmul %convert_element_type3A, %convert_element_type3A_19, %dot_general3A {dimension_numbers = #tpu.dot_dimension_numbers<[0], [0], [1], [1], [0, 1, 1, 1], [], []>, transpose_lhs_hint = false} : vector<8x256xbf16>, vector<8x2560xbf16>, vector<256x2560xf32> -> vector<256x2560xf32>
    %add3A = vector.broadcast %slice3A : vector<256x1xf32> to vector<256x2560xf32>
    %add3A_21 = vector.broadcast %get3A_13 : vector<1x2560xf32> to vector<256x2560xf32>
    %add3A_22 = arith.addf %add3A, %add3A_21 : vector<256x2560xf32>
    %mul3A = arith.constant 2.000000e+00 : f32
    %mul3A_23 = vector.broadcast %mul3A : f32 to vector<256x2560xf32>
    %mul3A_24 = arith.mulf %mul3A_23, %dot_general3A_20 : vector<256x2560xf32>
    %sub3A = arith.subf %add3A_22, %mul3A_24 : vector<256x2560xf32>
    %iota3A = tpu.iota {dimensions = array<i32: 0>} : vector<256x2560xi32>
    %mul3A_25 = arith.constant 256 : i32
    %mul3A_26 = arith.muli %arg1, %mul3A_25 : i32
    %add3A_27 = vector.broadcast %mul3A_26 : i32 to vector<256x2560xi32>
    %add3A_28 = arith.addi %iota3A, %add3A_27 : vector<256x2560xi32>
    %iota3A_29 = tpu.iota {dimensions = array<i32: 1>} : vector<256x2560xi32>
    %eq3A = arith.cmpi eq, %iota3A_29, %add3A_28 : vector<256x2560xi32>
    %jit3A = arith.constant 1.000000e+10 : f32
    %jit3A_30 = arith.constant 0.000000e+00 : f32
    %broadcast_in_dim3A = vector.broadcast %jit3A : f32 to vector<256x2560xf32>
    %broadcast_in_dim3A_31 = vector.broadcast %jit3A_30 : f32 to vector<256x2560xf32>
    %select_n3A = arith.select %eq3A, %broadcast_in_dim3A, %broadcast_in_dim3A_31 : vector<256x2560xi1>, vector<256x2560xf32>
    %add3A_32 = arith.addf %sub3A, %select_n3A : vector<256x2560xf32>
    %bitcast_convert_type3A = tpu.bitcast %add3A_32 : vector<256x2560xf32> -> vector<256x2560xi32>
    %lt3A = arith.constant 0 : i32
    %lt3A_33 = vector.broadcast %lt3A : i32 to vector<256x2560xi32>
    %lt3A_34 = arith.cmpi slt, %bitcast_convert_type3A, %lt3A_33 : vector<256x2560xi32>
    %sub3A_35 = arith.constant -2147483648 : i32
    %sub3A_36 = vector.broadcast %sub3A_35 : i32 to vector<256x2560xi32>
    %sub3A_37 = arith.subi %sub3A_36, %bitcast_convert_type3A : vector<256x2560xi32>
    %select_n3A_38 = arith.select %lt3A_34, %sub3A_37, %bitcast_convert_type3A : vector<256x2560xi1>, vector<256x2560xi32>
    %ge3A = arith.constant 2500 : i32
    %ge3A_39 = vector.broadcast %ge3A : i32 to vector<256x2560xi32>
    %ge3A_40 = arith.cmpi sge, %iota3A_29, %ge3A_39 : vector<256x2560xi32>
    %jit3A_41 = arith.constant 2147483647 : i32
    %broadcast_in_dim3A_42 = vector.broadcast %jit3A_41 : i32 to vector<256x2560xi32>
    %select_n3A_43 = arith.select %ge3A_40, %broadcast_in_dim3A_42, %select_n3A_38 : vector<256x2560xi1>, vector<256x2560xi32>
    %broadcast_in_dim3A_44 = arith.constant 1.000000e+00 : f32
    %broadcast_in_dim3A_45 = vector.broadcast %broadcast_in_dim3A_44 : f32 to vector<2560x128xf32>
    %broadcast_in_dim3A_46 = arith.constant -2147483648 : i32
    %broadcast_in_dim3A_47 = vector.broadcast %broadcast_in_dim3A_46 : i32 to vector<256x1xi32>
    %broadcast_in_dim3A_48 = arith.constant 2147483647 : i32
    %broadcast_in_dim3A_49 = vector.broadcast %broadcast_in_dim3A_48 : i32 to vector<256x1xi32>
    %scan3A = arith.constant 0 : i32
    %scan3A_50 = arith.constant 32 : i32
    %scan3A_51 = arith.addi %scan3A, %scan3A_50 : i32
    %scan3A_52 = arith.constant 1 : i32
    %scan3A_53:2 = scf.for %scan3A_67 = %scan3A to %scan3A_51 step %scan3A_52 iter_args(%scan3A_68 = %broadcast_in_dim3A_47, %scan3A_69 = %broadcast_in_dim3A_49) -> (vector<256x1xi32>, vector<256x1xi32>)  : i32 {
      %shift_right_arithmetic3A = arith.constant 1 : i32
      %shift_right_arithmetic3A_70 = vector.broadcast %shift_right_arithmetic3A : i32 to vector<256x1xi32>
      %shift_right_arithmetic3A_71 = arith.shrsi %scan3A_68, %shift_right_arithmetic3A_70 : vector<256x1xi32>
      %shift_right_arithmetic3A_72 = arith.constant 1 : i32
      %shift_right_arithmetic3A_73 = vector.broadcast %shift_right_arithmetic3A_72 : i32 to vector<256x1xi32>
      %shift_right_arithmetic3A_74 = arith.shrsi %scan3A_69, %shift_right_arithmetic3A_73 : vector<256x1xi32>
      %add3A_75 = arith.addi %shift_right_arithmetic3A_71, %shift_right_arithmetic3A_74 : vector<256x1xi32>
      %and3A = arith.andi %scan3A_68, %scan3A_69 : vector<256x1xi32>
      %and3A_76 = arith.constant 1 : i32
      %and3A_77 = vector.broadcast %and3A_76 : i32 to vector<256x1xi32>
      %and3A_78 = arith.andi %and3A, %and3A_77 : vector<256x1xi32>
      %add3A_79 = arith.addi %add3A_75, %and3A_78 : vector<256x1xi32>
      %le3A = vector.broadcast %add3A_79 : vector<256x1xi32> to vector<256x2560xi32>
      %le3A_80 = arith.cmpi sle, %select_n3A_43, %le3A : vector<256x2560xi32>
      %convert_element_type3A_81 = arith.extui %le3A_80 : vector<256x2560xi1> to vector<256x2560xi32>
      %convert_element_type3A_82 = arith.sitofp %convert_element_type3A_81 : vector<256x2560xi32> to vector<256x2560xf32>
      %dot_general3A_83 = arith.constant dense<0.000000e+00> : vector<256x128xf32>
      %dot_general3A_84 = tpu.matmul %convert_element_type3A_82, %broadcast_in_dim3A_45, %dot_general3A_83 {dimension_numbers = #tpu.dot_dimension_numbers<[1], [0], [0], [1], [0, 0, 1, 1], [], []>, transpose_lhs_hint = false} : vector<256x2560xf32>, vector<2560x128xf32>, vector<256x128xf32> -> vector<256x128xf32>
      %slice3A_85 = vector.extract_strided_slice %dot_general3A_84 {offsets = [0, 0], sizes = [256, 1], strides = [1, 1]} : vector<256x128xf32> to vector<256x1xf32>
      %ge3A_86 = arith.constant 6.400000e+01 : f32
      %ge3A_87 = vector.broadcast %ge3A_86 : f32 to vector<256x1xf32>
      %ge3A_88 = arith.cmpf oge, %slice3A_85, %ge3A_87 : vector<256x1xf32>
      %select_n3A_89 = arith.select %ge3A_88, %scan3A_68, %add3A_79 : vector<256x1xi1>, vector<256x1xi32>
      %select_n3A_90 = arith.select %ge3A_88, %add3A_79, %scan3A_69 : vector<256x1xi1>, vector<256x1xi32>
      scf.yield %select_n3A_89, %select_n3A_90 : vector<256x1xi32>, vector<256x1xi32>
    }
    %swap3A = arith.constant 0 : index
    %swap3A_54 = arith.constant 0 : index
    %swap3A_55 = arith.constant 0 : index
    %swap3A_56 = vector.load %arg6[%swap3A, %swap3A_54, %swap3A_55] : memref<1x256x2560xi32, #tpu.memory_space<vmem>>, vector<1x256x2560xi32>
    %swap3A_57 = vector.shape_cast %swap3A_56 : vector<1x256x2560xi32> to vector<256x2560xi32>
    %swap3A_58 = vector.shape_cast %select_n3A_43 : vector<256x2560xi32> to vector<1x256x2560xi32>
    tpu.vector_store %arg6[%swap3A, %swap3A_54, %swap3A_55], %swap3A_58 {strides = array<i32>} : memref<1x256x2560xi32, #tpu.memory_space<vmem>>, vector<1x256x2560xi32>,
    %broadcast_in_dim3A_59 = vector.shape_cast %scan3A_53#1 : vector<256x1xi32> to vector<256x1xi32>
    %broadcast_in_dim3A_60 = vector.broadcast %broadcast_in_dim3A_59 : vector<256x1xi32> to vector<256x128xi32>
    %swap3A_61 = arith.constant 0 : index
    %swap3A_62 = arith.constant 0 : index
    %swap3A_63 = arith.constant 0 : index
    %swap3A_64 = vector.load %arg7[%swap3A_61, %swap3A_62, %swap3A_63] : memref<1x256x128xi32, #tpu.memory_space<vmem>>, vector<1x256x128xi32>
    %swap3A_65 = vector.shape_cast %swap3A_64 : vector<1x256x128xi32> to vector<256x128xi32>
    %swap3A_66 = vector.shape_cast %broadcast_in_dim3A_60 : vector<256x128xi32> to vector<1x256x128xi32>
    tpu.vector_store %arg7[%swap3A_61, %swap3A_62, %swap3A_63], %swap3A_66 {strides = array<i32>} : memref<1x256x128xi32, #tpu.memory_space<vmem>>, vector<1x256x128xi32>,
    return
  }
  func.func @transform_0(%arg0: i32, %arg1: i32) -> (i32, i32, i32) {
    %c0_i32 = arith.constant 0 : i32
    %c0_i32_0 = arith.constant 0 : i32
    %c0_i32_1 = arith.constant 0 : i32
    return %arg0, %c0_i32, %c0_i32_0 : i32, i32, i32
  }
  func.func @transform_1(%arg0: i32, %arg1: i32) -> (i32, i32, i32) {
    %c0_i32 = arith.constant 0 : i32
    %c0_i32_0 = arith.constant 0 : i32
    return %arg0, %c0_i32, %arg1 : i32, i32, i32
  }
  func.func @transform_2(%arg0: i32, %arg1: i32) -> (i32, i32, i32) {
    %c0_i32 = arith.constant 0 : i32
    %c0_i32_0 = arith.constant 0 : i32
    return %arg0, %arg1, %c0_i32 : i32, i32, i32
  }
  func.func @transform_3(%arg0: i32, %arg1: i32) -> (i32, i32, i32) {
    %c0_i32 = arith.constant 0 : i32
    %c0_i32_0 = arith.constant 0 : i32
    %c0_i32_1 = arith.constant 0 : i32
    return %arg0, %c0_i32, %c0_i32_0 : i32, i32, i32
  }
  func.func @transform_4(%arg0: i32, %arg1: i32) -> (i32, i32, i32) {
    %c0_i32 = arith.constant 0 : i32
    %c0_i32_0 = arith.constant 0 : i32
    return %arg0, %arg1, %c0_i32 : i32, i32, i32
  }
  func.func @transform_5(%arg0: i32, %arg1: i32) -> (i32, i32, i32) {
    %c0_i32 = arith.constant 0 : i32
    %c0_i32_0 = arith.constant 0 : i32
    return %arg0, %arg1, %c0_i32 : i32, i32, i32
  }
}

module attributes {stable_mosaic.version = 14 : i64} {
  func.func @_mlp_body(%arg0: i32, %arg1: memref<128x640xf32, #tpu.memory_space<vmem>>, %arg2: memref<8x128xf32, #tpu.memory_space<vmem>>, %arg3: memref<1x128xf32, #tpu.memory_space<vmem>>, %arg4: memref<128x64xf32, #tpu.memory_space<vmem>>) attributes {dimension_semantics = [#tpu.dimension_semantics<arbitrary>], iteration_bounds = array<i64: 80>, scalar_prefetch = 0 : i64, scratch_operands = 0 : i64, tpu.core_type = #tpu.core_type<tc>, window_params = [{transform_indices = @transform_0, window_bounds = array<i64: 128, 640>}, {pipeline_mode = #tpu.pipeline_mode<synchronous>, transform_indices = @transform_1, window_bounds = array<i64: 8, 128>}, {pipeline_mode = #tpu.pipeline_mode<synchronous>, transform_indices = @transform_2, window_bounds = array<i64: 1, 128>}, {transform_indices = @transform_3, window_bounds = array<i64: 128, 64>}]} {
    %get3A = arith.constant 0 : index
    %get3A_0 = arith.constant 0 : index
    %get3A_1 = vector.load %arg1[%get3A, %get3A_0] : memref<128x640xf32, #tpu.memory_space<vmem>>, vector<128x640xf32>
    %reshape3A = vector.shape_cast %get3A_1 : vector<128x640xf32> to vector<128x5x128xf32>
    %get3A_2 = arith.constant 0 : index
    %get3A_3 = arith.constant 0 : index
    %get3A_4 = vector.load %arg2[%get3A_2, %get3A_3] : memref<8x128xf32, #tpu.memory_space<vmem>>, vector<8x128xf32>
    %get3A_5 = arith.constant 0 : index
    %get3A_6 = arith.constant 0 : index
    %get3A_7 = vector.load %arg3[%get3A_5, %get3A_6] : memref<1x128xf32, #tpu.memory_space<vmem>>, vector<1x128xf32>
    %slice3A = vector.extract_strided_slice %reshape3A {offsets = [0, 0, 0], sizes = [128, 1, 128], strides = [1, 1, 1]} : vector<128x5x128xf32> to vector<128x1x128xf32>
    %squeeze3A = vector.shape_cast %slice3A : vector<128x1x128xf32> to vector<128x128xf32>
    %slice3A_8 = vector.extract_strided_slice %reshape3A {offsets = [0, 1, 0], sizes = [128, 1, 128], strides = [1, 1, 1]} : vector<128x5x128xf32> to vector<128x1x128xf32>
    %squeeze3A_9 = vector.shape_cast %slice3A_8 : vector<128x1x128xf32> to vector<128x128xf32>
    %slice3A_10 = vector.extract_strided_slice %reshape3A {offsets = [0, 2, 0], sizes = [128, 1, 128], strides = [1, 1, 1]} : vector<128x5x128xf32> to vector<128x1x128xf32>
    %squeeze3A_11 = vector.shape_cast %slice3A_10 : vector<128x1x128xf32> to vector<128x128xf32>
    %slice3A_12 = vector.extract_strided_slice %reshape3A {offsets = [0, 3, 0], sizes = [128, 1, 128], strides = [1, 1, 1]} : vector<128x5x128xf32> to vector<128x1x128xf32>
    %squeeze3A_13 = vector.shape_cast %slice3A_12 : vector<128x1x128xf32> to vector<128x128xf32>
    %slice3A_14 = vector.extract_strided_slice %reshape3A {offsets = [0, 4, 0], sizes = [128, 1, 128], strides = [1, 1, 1]} : vector<128x5x128xf32> to vector<128x1x128xf32>
    %squeeze3A_15 = vector.shape_cast %slice3A_14 : vector<128x1x128xf32> to vector<128x128xf32>
    %broadcast_in_dim3A = arith.constant 1.000000e+00 : f32
    %broadcast_in_dim3A_16 = vector.broadcast %broadcast_in_dim3A : f32 to vector<128x128xf32>
    %slice3A_17 = vector.extract_strided_slice %get3A_4 {offsets = [0, 0], sizes = [1, 1], strides = [1, 1]} : vector<8x128xf32> to vector<1x1xf32>
    %squeeze3A_18 = vector.extract %slice3A_17[0, 0] : f32 from vector<1x1xf32>
    %mul3A = vector.broadcast %squeeze3A_18 : f32 to vector<128x128xf32>
    %mul3A_19 = arith.mulf %squeeze3A, %mul3A : vector<128x128xf32>
    %slice3A_20 = vector.extract_strided_slice %get3A_4 {offsets = [1, 0], sizes = [1, 1], strides = [1, 1]} : vector<8x128xf32> to vector<1x1xf32>
    %squeeze3A_21 = vector.extract %slice3A_20[0, 0] : f32 from vector<1x1xf32>
    %mul3A_22 = vector.broadcast %squeeze3A_21 : f32 to vector<128x128xf32>
    %mul3A_23 = arith.mulf %squeeze3A_9, %mul3A_22 : vector<128x128xf32>
    %add3A = arith.addf %mul3A_19, %mul3A_23 : vector<128x128xf32>
    %slice3A_24 = vector.extract_strided_slice %get3A_4 {offsets = [2, 0], sizes = [1, 1], strides = [1, 1]} : vector<8x128xf32> to vector<1x1xf32>
    %squeeze3A_25 = vector.extract %slice3A_24[0, 0] : f32 from vector<1x1xf32>
    %mul3A_26 = vector.broadcast %squeeze3A_25 : f32 to vector<128x128xf32>
    %mul3A_27 = arith.mulf %squeeze3A_11, %mul3A_26 : vector<128x128xf32>
    %add3A_28 = arith.addf %add3A, %mul3A_27 : vector<128x128xf32>
    %slice3A_29 = vector.extract_strided_slice %get3A_4 {offsets = [3, 0], sizes = [1, 1], strides = [1, 1]} : vector<8x128xf32> to vector<1x1xf32>
    %squeeze3A_30 = vector.extract %slice3A_29[0, 0] : f32 from vector<1x1xf32>
    %mul3A_31 = vector.broadcast %squeeze3A_30 : f32 to vector<128x128xf32>
    %mul3A_32 = arith.mulf %squeeze3A_13, %mul3A_31 : vector<128x128xf32>
    %add3A_33 = arith.addf %add3A_28, %mul3A_32 : vector<128x128xf32>
    %slice3A_34 = vector.extract_strided_slice %get3A_7 {offsets = [0, 0], sizes = [1, 1], strides = [1, 1]} : vector<1x128xf32> to vector<1x1xf32>
    %squeeze3A_35 = vector.extract %slice3A_34[0, 0] : f32 from vector<1x1xf32>
    %add3A_36 = vector.broadcast %squeeze3A_35 : f32 to vector<128x128xf32>
    %add3A_37 = arith.addf %add3A_33, %add3A_36 : vector<128x128xf32>
    %max3A = arith.constant 0.000000e+00 : f32
    %max3A_38 = vector.broadcast %max3A : f32 to vector<128x128xf32>
    %max3A_39 = arith.maximumf %add3A_37, %max3A_38 : vector<128x128xf32>
    %mul3A_40 = arith.mulf %max3A_39, %squeeze3A_15 : vector<128x128xf32>
    %dot_general3A = arith.constant dense<0.000000e+00> : vector<128x128xf32>
    %dot_general3A_41 = tpu.matmul %mul3A_40, %broadcast_in_dim3A_16, %dot_general3A {dimension_numbers = #tpu.dot_dimension_numbers<[1], [0], [0], [1], [0, 0, 1, 1], [], []>, precision = #tpu.contract_precision<fp32>, transpose_lhs_hint = false} : vector<128x128xf32>, vector<128x128xf32>, vector<128x128xf32> -> vector<128x128xf32>
    %slice3A_42 = vector.extract_strided_slice %dot_general3A_41 {offsets = [0, 0], sizes = [128, 1], strides = [1, 1]} : vector<128x128xf32> to vector<128x1xf32>
    %slice3A_43 = vector.extract_strided_slice %get3A_4 {offsets = [0, 1], sizes = [1, 1], strides = [1, 1]} : vector<8x128xf32> to vector<1x1xf32>
    %squeeze3A_44 = vector.extract %slice3A_43[0, 0] : f32 from vector<1x1xf32>
    %mul3A_45 = vector.broadcast %squeeze3A_44 : f32 to vector<128x128xf32>
    %mul3A_46 = arith.mulf %squeeze3A, %mul3A_45 : vector<128x128xf32>
    %slice3A_47 = vector.extract_strided_slice %get3A_4 {offsets = [1, 1], sizes = [1, 1], strides = [1, 1]} : vector<8x128xf32> to vector<1x1xf32>
    %squeeze3A_48 = vector.extract %slice3A_47[0, 0] : f32 from vector<1x1xf32>
    %mul3A_49 = vector.broadcast %squeeze3A_48 : f32 to vector<128x128xf32>
    %mul3A_50 = arith.mulf %squeeze3A_9, %mul3A_49 : vector<128x128xf32>
    %add3A_51 = arith.addf %mul3A_46, %mul3A_50 : vector<128x128xf32>
    %slice3A_52 = vector.extract_strided_slice %get3A_4 {offsets = [2, 1], sizes = [1, 1], strides = [1, 1]} : vector<8x128xf32> to vector<1x1xf32>
    %squeeze3A_53 = vector.extract %slice3A_52[0, 0] : f32 from vector<1x1xf32>
    %mul3A_54 = vector.broadcast %squeeze3A_53 : f32 to vector<128x128xf32>
    %mul3A_55 = arith.mulf %squeeze3A_11, %mul3A_54 : vector<128x128xf32>
    %add3A_56 = arith.addf %add3A_51, %mul3A_55 : vector<128x128xf32>
    %slice3A_57 = vector.extract_strided_slice %get3A_4 {offsets = [3, 1], sizes = [1, 1], strides = [1, 1]} : vector<8x128xf32> to vector<1x1xf32>
    %squeeze3A_58 = vector.extract %slice3A_57[0, 0] : f32 from vector<1x1xf32>
    %mul3A_59 = vector.broadcast %squeeze3A_58 : f32 to vector<128x128xf32>
    %mul3A_60 = arith.mulf %squeeze3A_13, %mul3A_59 : vector<128x128xf32>
    %add3A_61 = arith.addf %add3A_56, %mul3A_60 : vector<128x128xf32>
    %slice3A_62 = vector.extract_strided_slice %get3A_7 {offsets = [0, 1], sizes = [1, 1], strides = [1, 1]} : vector<1x128xf32> to vector<1x1xf32>
    %squeeze3A_63 = vector.extract %slice3A_62[0, 0] : f32 from vector<1x1xf32>
    %add3A_64 = vector.broadcast %squeeze3A_63 : f32 to vector<128x128xf32>
    %add3A_65 = arith.addf %add3A_61, %add3A_64 : vector<128x128xf32>
    %max3A_66 = arith.constant 0.000000e+00 : f32
    %max3A_67 = vector.broadcast %max3A_66 : f32 to vector<128x128xf32>
    %max3A_68 = arith.maximumf %add3A_65, %max3A_67 : vector<128x128xf32>
    %mul3A_69 = arith.mulf %max3A_68, %squeeze3A_15 : vector<128x128xf32>
    %dot_general3A_70 = arith.constant dense<0.000000e+00> : vector<128x128xf32>
    %dot_general3A_71 = tpu.matmul %mul3A_69, %broadcast_in_dim3A_16, %dot_general3A_70 {dimension_numbers = #tpu.dot_dimension_numbers<[1], [0], [0], [1], [0, 0, 1, 1], [], []>, precision = #tpu.contract_precision<fp32>, transpose_lhs_hint = false} : vector<128x128xf32>, vector<128x128xf32>, vector<128x128xf32> -> vector<128x128xf32>
    %slice3A_72 = vector.extract_strided_slice %dot_general3A_71 {offsets = [0, 0], sizes = [128, 1], strides = [1, 1]} : vector<128x128xf32> to vector<128x1xf32>
    %slice3A_73 = vector.extract_strided_slice %get3A_4 {offsets = [0, 2], sizes = [1, 1], strides = [1, 1]} : vector<8x128xf32> to vector<1x1xf32>
    %squeeze3A_74 = vector.extract %slice3A_73[0, 0] : f32 from vector<1x1xf32>
    %mul3A_75 = vector.broadcast %squeeze3A_74 : f32 to vector<128x128xf32>
    %mul3A_76 = arith.mulf %squeeze3A, %mul3A_75 : vector<128x128xf32>
    %slice3A_77 = vector.extract_strided_slice %get3A_4 {offsets = [1, 2], sizes = [1, 1], strides = [1, 1]} : vector<8x128xf32> to vector<1x1xf32>
    %squeeze3A_78 = vector.extract %slice3A_77[0, 0] : f32 from vector<1x1xf32>
    %mul3A_79 = vector.broadcast %squeeze3A_78 : f32 to vector<128x128xf32>
    %mul3A_80 = arith.mulf %squeeze3A_9, %mul3A_79 : vector<128x128xf32>
    %add3A_81 = arith.addf %mul3A_76, %mul3A_80 : vector<128x128xf32>
    %slice3A_82 = vector.extract_strided_slice %get3A_4 {offsets = [2, 2], sizes = [1, 1], strides = [1, 1]} : vector<8x128xf32> to vector<1x1xf32>
    %squeeze3A_83 = vector.extract %slice3A_82[0, 0] : f32 from vector<1x1xf32>
    %mul3A_84 = vector.broadcast %squeeze3A_83 : f32 to vector<128x128xf32>
    %mul3A_85 = arith.mulf %squeeze3A_11, %mul3A_84 : vector<128x128xf32>
    %add3A_86 = arith.addf %add3A_81, %mul3A_85 : vector<128x128xf32>
    %slice3A_87 = vector.extract_strided_slice %get3A_4 {offsets = [3, 2], sizes = [1, 1], strides = [1, 1]} : vector<8x128xf32> to vector<1x1xf32>
    %squeeze3A_88 = vector.extract %slice3A_87[0, 0] : f32 from vector<1x1xf32>
    %mul3A_89 = vector.broadcast %squeeze3A_88 : f32 to vector<128x128xf32>
    %mul3A_90 = arith.mulf %squeeze3A_13, %mul3A_89 : vector<128x128xf32>
    %add3A_91 = arith.addf %add3A_86, %mul3A_90 : vector<128x128xf32>
    %slice3A_92 = vector.extract_strided_slice %get3A_7 {offsets = [0, 2], sizes = [1, 1], strides = [1, 1]} : vector<1x128xf32> to vector<1x1xf32>
    %squeeze3A_93 = vector.extract %slice3A_92[0, 0] : f32 from vector<1x1xf32>
    %add3A_94 = vector.broadcast %squeeze3A_93 : f32 to vector<128x128xf32>
    %add3A_95 = arith.addf %add3A_91, %add3A_94 : vector<128x128xf32>
    %max3A_96 = arith.constant 0.000000e+00 : f32
    %max3A_97 = vector.broadcast %max3A_96 : f32 to vector<128x128xf32>
    %max3A_98 = arith.maximumf %add3A_95, %max3A_97 : vector<128x128xf32>
    %mul3A_99 = arith.mulf %max3A_98, %squeeze3A_15 : vector<128x128xf32>
    %dot_general3A_100 = arith.constant dense<0.000000e+00> : vector<128x128xf32>
    %dot_general3A_101 = tpu.matmul %mul3A_99, %broadcast_in_dim3A_16, %dot_general3A_100 {dimension_numbers = #tpu.dot_dimension_numbers<[1], [0], [0], [1], [0, 0, 1, 1], [], []>, precision = #tpu.contract_precision<fp32>, transpose_lhs_hint = false} : vector<128x128xf32>, vector<128x128xf32>, vector<128x128xf32> -> vector<128x128xf32>
    %slice3A_102 = vector.extract_strided_slice %dot_general3A_101 {offsets = [0, 0], sizes = [128, 1], strides = [1, 1]} : vector<128x128xf32> to vector<128x1xf32>
    %slice3A_103 = vector.extract_strided_slice %get3A_4 {offsets = [0, 3], sizes = [1, 1], strides = [1, 1]} : vector<8x128xf32> to vector<1x1xf32>
    %squeeze3A_104 = vector.extract %slice3A_103[0, 0] : f32 from vector<1x1xf32>
    %mul3A_105 = vector.broadcast %squeeze3A_104 : f32 to vector<128x128xf32>
    %mul3A_106 = arith.mulf %squeeze3A, %mul3A_105 : vector<128x128xf32>
    %slice3A_107 = vector.extract_strided_slice %get3A_4 {offsets = [1, 3], sizes = [1, 1], strides = [1, 1]} : vector<8x128xf32> to vector<1x1xf32>
    %squeeze3A_108 = vector.extract %slice3A_107[0, 0] : f32 from vector<1x1xf32>
    %mul3A_109 = vector.broadcast %squeeze3A_108 : f32 to vector<128x128xf32>
    %mul3A_110 = arith.mulf %squeeze3A_9, %mul3A_109 : vector<128x128xf32>
    %add3A_111 = arith.addf %mul3A_106, %mul3A_110 : vector<128x128xf32>
    %slice3A_112 = vector.extract_strided_slice %get3A_4 {offsets = [2, 3], sizes = [1, 1], strides = [1, 1]} : vector<8x128xf32> to vector<1x1xf32>
    %squeeze3A_113 = vector.extract %slice3A_112[0, 0] : f32 from vector<1x1xf32>
    %mul3A_114 = vector.broadcast %squeeze3A_113 : f32 to vector<128x128xf32>
    %mul3A_115 = arith.mulf %squeeze3A_11, %mul3A_114 : vector<128x128xf32>
    %add3A_116 = arith.addf %add3A_111, %mul3A_115 : vector<128x128xf32>
    %slice3A_117 = vector.extract_strided_slice %get3A_4 {offsets = [3, 3], sizes = [1, 1], strides = [1, 1]} : vector<8x128xf32> to vector<1x1xf32>
    %squeeze3A_118 = vector.extract %slice3A_117[0, 0] : f32 from vector<1x1xf32>
    %mul3A_119 = vector.broadcast %squeeze3A_118 : f32 to vector<128x128xf32>
    %mul3A_120 = arith.mulf %squeeze3A_13, %mul3A_119 : vector<128x128xf32>
    %add3A_121 = arith.addf %add3A_116, %mul3A_120 : vector<128x128xf32>
    %slice3A_122 = vector.extract_strided_slice %get3A_7 {offsets = [0, 3], sizes = [1, 1], strides = [1, 1]} : vector<1x128xf32> to vector<1x1xf32>
    %squeeze3A_123 = vector.extract %slice3A_122[0, 0] : f32 from vector<1x1xf32>
    %add3A_124 = vector.broadcast %squeeze3A_123 : f32 to vector<128x128xf32>
    %add3A_125 = arith.addf %add3A_121, %add3A_124 : vector<128x128xf32>
    %max3A_126 = arith.constant 0.000000e+00 : f32
    %max3A_127 = vector.broadcast %max3A_126 : f32 to vector<128x128xf32>
    %max3A_128 = arith.maximumf %add3A_125, %max3A_127 : vector<128x128xf32>
    %mul3A_129 = arith.mulf %max3A_128, %squeeze3A_15 : vector<128x128xf32>
    %dot_general3A_130 = arith.constant dense<0.000000e+00> : vector<128x128xf32>
    %dot_general3A_131 = tpu.matmul %mul3A_129, %broadcast_in_dim3A_16, %dot_general3A_130 {dimension_numbers = #tpu.dot_dimension_numbers<[1], [0], [0], [1], [0, 0, 1, 1], [], []>, precision = #tpu.contract_precision<fp32>, transpose_lhs_hint = false} : vector<128x128xf32>, vector<128x128xf32>, vector<128x128xf32> -> vector<128x128xf32>
    %slice3A_132 = vector.extract_strided_slice %dot_general3A_131 {offsets = [0, 0], sizes = [128, 1], strides = [1, 1]} : vector<128x128xf32> to vector<128x1xf32>
    %slice3A_133 = vector.extract_strided_slice %get3A_4 {offsets = [0, 4], sizes = [1, 1], strides = [1, 1]} : vector<8x128xf32> to vector<1x1xf32>
    %squeeze3A_134 = vector.extract %slice3A_133[0, 0] : f32 from vector<1x1xf32>
    %mul3A_135 = vector.broadcast %squeeze3A_134 : f32 to vector<128x128xf32>
    %mul3A_136 = arith.mulf %squeeze3A, %mul3A_135 : vector<128x128xf32>
    %slice3A_137 = vector.extract_strided_slice %get3A_4 {offsets = [1, 4], sizes = [1, 1], strides = [1, 1]} : vector<8x128xf32> to vector<1x1xf32>
    %squeeze3A_138 = vector.extract %slice3A_137[0, 0] : f32 from vector<1x1xf32>
    %mul3A_139 = vector.broadcast %squeeze3A_138 : f32 to vector<128x128xf32>
    %mul3A_140 = arith.mulf %squeeze3A_9, %mul3A_139 : vector<128x128xf32>
    %add3A_141 = arith.addf %mul3A_136, %mul3A_140 : vector<128x128xf32>
    %slice3A_142 = vector.extract_strided_slice %get3A_4 {offsets = [2, 4], sizes = [1, 1], strides = [1, 1]} : vector<8x128xf32> to vector<1x1xf32>
    %squeeze3A_143 = vector.extract %slice3A_142[0, 0] : f32 from vector<1x1xf32>
    %mul3A_144 = vector.broadcast %squeeze3A_143 : f32 to vector<128x128xf32>
    %mul3A_145 = arith.mulf %squeeze3A_11, %mul3A_144 : vector<128x128xf32>
    %add3A_146 = arith.addf %add3A_141, %mul3A_145 : vector<128x128xf32>
    %slice3A_147 = vector.extract_strided_slice %get3A_4 {offsets = [3, 4], sizes = [1, 1], strides = [1, 1]} : vector<8x128xf32> to vector<1x1xf32>
    %squeeze3A_148 = vector.extract %slice3A_147[0, 0] : f32 from vector<1x1xf32>
    %mul3A_149 = vector.broadcast %squeeze3A_148 : f32 to vector<128x128xf32>
    %mul3A_150 = arith.mulf %squeeze3A_13, %mul3A_149 : vector<128x128xf32>
    %add3A_151 = arith.addf %add3A_146, %mul3A_150 : vector<128x128xf32>
    %slice3A_152 = vector.extract_strided_slice %get3A_7 {offsets = [0, 4], sizes = [1, 1], strides = [1, 1]} : vector<1x128xf32> to vector<1x1xf32>
    %squeeze3A_153 = vector.extract %slice3A_152[0, 0] : f32 from vector<1x1xf32>
    %add3A_154 = vector.broadcast %squeeze3A_153 : f32 to vector<128x128xf32>
    %add3A_155 = arith.addf %add3A_151, %add3A_154 : vector<128x128xf32>
    %max3A_156 = arith.constant 0.000000e+00 : f32
    %max3A_157 = vector.broadcast %max3A_156 : f32 to vector<128x128xf32>
    %max3A_158 = arith.maximumf %add3A_155, %max3A_157 : vector<128x128xf32>
    %mul3A_159 = arith.mulf %max3A_158, %squeeze3A_15 : vector<128x128xf32>
    %dot_general3A_160 = arith.constant dense<0.000000e+00> : vector<128x128xf32>
    %dot_general3A_161 = tpu.matmul %mul3A_159, %broadcast_in_dim3A_16, %dot_general3A_160 {dimension_numbers = #tpu.dot_dimension_numbers<[1], [0], [0], [1], [0, 0, 1, 1], [], []>, precision = #tpu.contract_precision<fp32>, transpose_lhs_hint = false} : vector<128x128xf32>, vector<128x128xf32>, vector<128x128xf32> -> vector<128x128xf32>
    %slice3A_162 = vector.extract_strided_slice %dot_general3A_161 {offsets = [0, 0], sizes = [128, 1], strides = [1, 1]} : vector<128x128xf32> to vector<128x1xf32>
    %slice3A_163 = vector.extract_strided_slice %get3A_4 {offsets = [0, 5], sizes = [1, 1], strides = [1, 1]} : vector<8x128xf32> to vector<1x1xf32>
    %squeeze3A_164 = vector.extract %slice3A_163[0, 0] : f32 from vector<1x1xf32>
    %mul3A_165 = vector.broadcast %squeeze3A_164 : f32 to vector<128x128xf32>
    %mul3A_166 = arith.mulf %squeeze3A, %mul3A_165 : vector<128x128xf32>
    %slice3A_167 = vector.extract_strided_slice %get3A_4 {offsets = [1, 5], sizes = [1, 1], strides = [1, 1]} : vector<8x128xf32> to vector<1x1xf32>
    %squeeze3A_168 = vector.extract %slice3A_167[0, 0] : f32 from vector<1x1xf32>
    %mul3A_169 = vector.broadcast %squeeze3A_168 : f32 to vector<128x128xf32>
    %mul3A_170 = arith.mulf %squeeze3A_9, %mul3A_169 : vector<128x128xf32>
    %add3A_171 = arith.addf %mul3A_166, %mul3A_170 : vector<128x128xf32>
    %slice3A_172 = vector.extract_strided_slice %get3A_4 {offsets = [2, 5], sizes = [1, 1], strides = [1, 1]} : vector<8x128xf32> to vector<1x1xf32>
    %squeeze3A_173 = vector.extract %slice3A_172[0, 0] : f32 from vector<1x1xf32>
    %mul3A_174 = vector.broadcast %squeeze3A_173 : f32 to vector<128x128xf32>
    %mul3A_175 = arith.mulf %squeeze3A_11, %mul3A_174 : vector<128x128xf32>
    %add3A_176 = arith.addf %add3A_171, %mul3A_175 : vector<128x128xf32>
    %slice3A_177 = vector.extract_strided_slice %get3A_4 {offsets = [3, 5], sizes = [1, 1], strides = [1, 1]} : vector<8x128xf32> to vector<1x1xf32>
    %squeeze3A_178 = vector.extract %slice3A_177[0, 0] : f32 from vector<1x1xf32>
    %mul3A_179 = vector.broadcast %squeeze3A_178 : f32 to vector<128x128xf32>
    %mul3A_180 = arith.mulf %squeeze3A_13, %mul3A_179 : vector<128x128xf32>
    %add3A_181 = arith.addf %add3A_176, %mul3A_180 : vector<128x128xf32>
    %slice3A_182 = vector.extract_strided_slice %get3A_7 {offsets = [0, 5], sizes = [1, 1], strides = [1, 1]} : vector<1x128xf32> to vector<1x1xf32>
    %squeeze3A_183 = vector.extract %slice3A_182[0, 0] : f32 from vector<1x1xf32>
    %add3A_184 = vector.broadcast %squeeze3A_183 : f32 to vector<128x128xf32>
    %add3A_185 = arith.addf %add3A_181, %add3A_184 : vector<128x128xf32>
    %max3A_186 = arith.constant 0.000000e+00 : f32
    %max3A_187 = vector.broadcast %max3A_186 : f32 to vector<128x128xf32>
    %max3A_188 = arith.maximumf %add3A_185, %max3A_187 : vector<128x128xf32>
    %mul3A_189 = arith.mulf %max3A_188, %squeeze3A_15 : vector<128x128xf32>
    %dot_general3A_190 = arith.constant dense<0.000000e+00> : vector<128x128xf32>
    %dot_general3A_191 = tpu.matmul %mul3A_189, %broadcast_in_dim3A_16, %dot_general3A_190 {dimension_numbers = #tpu.dot_dimension_numbers<[1], [0], [0], [1], [0, 0, 1, 1], [], []>, precision = #tpu.contract_precision<fp32>, transpose_lhs_hint = false} : vector<128x128xf32>, vector<128x128xf32>, vector<128x128xf32> -> vector<128x128xf32>
    %slice3A_192 = vector.extract_strided_slice %dot_general3A_191 {offsets = [0, 0], sizes = [128, 1], strides = [1, 1]} : vector<128x128xf32> to vector<128x1xf32>
    %slice3A_193 = vector.extract_strided_slice %get3A_4 {offsets = [0, 6], sizes = [1, 1], strides = [1, 1]} : vector<8x128xf32> to vector<1x1xf32>
    %squeeze3A_194 = vector.extract %slice3A_193[0, 0] : f32 from vector<1x1xf32>
    %mul3A_195 = vector.broadcast %squeeze3A_194 : f32 to vector<128x128xf32>
    %mul3A_196 = arith.mulf %squeeze3A, %mul3A_195 : vector<128x128xf32>
    %slice3A_197 = vector.extract_strided_slice %get3A_4 {offsets = [1, 6], sizes = [1, 1], strides = [1, 1]} : vector<8x128xf32> to vector<1x1xf32>
    %squeeze3A_198 = vector.extract %slice3A_197[0, 0] : f32 from vector<1x1xf32>
    %mul3A_199 = vector.broadcast %squeeze3A_198 : f32 to vector<128x128xf32>
    %mul3A_200 = arith.mulf %squeeze3A_9, %mul3A_199 : vector<128x128xf32>
    %add3A_201 = arith.addf %mul3A_196, %mul3A_200 : vector<128x128xf32>
    %slice3A_202 = vector.extract_strided_slice %get3A_4 {offsets = [2, 6], sizes = [1, 1], strides = [1, 1]} : vector<8x128xf32> to vector<1x1xf32>
    %squeeze3A_203 = vector.extract %slice3A_202[0, 0] : f32 from vector<1x1xf32>
    %mul3A_204 = vector.broadcast %squeeze3A_203 : f32 to vector<128x128xf32>
    %mul3A_205 = arith.mulf %squeeze3A_11, %mul3A_204 : vector<128x128xf32>
    %add3A_206 = arith.addf %add3A_201, %mul3A_205 : vector<128x128xf32>
    %slice3A_207 = vector.extract_strided_slice %get3A_4 {offsets = [3, 6], sizes = [1, 1], strides = [1, 1]} : vector<8x128xf32> to vector<1x1xf32>
    %squeeze3A_208 = vector.extract %slice3A_207[0, 0] : f32 from vector<1x1xf32>
    %mul3A_209 = vector.broadcast %squeeze3A_208 : f32 to vector<128x128xf32>
    %mul3A_210 = arith.mulf %squeeze3A_13, %mul3A_209 : vector<128x128xf32>
    %add3A_211 = arith.addf %add3A_206, %mul3A_210 : vector<128x128xf32>
    %slice3A_212 = vector.extract_strided_slice %get3A_7 {offsets = [0, 6], sizes = [1, 1], strides = [1, 1]} : vector<1x128xf32> to vector<1x1xf32>
    %squeeze3A_213 = vector.extract %slice3A_212[0, 0] : f32 from vector<1x1xf32>
    %add3A_214 = vector.broadcast %squeeze3A_213 : f32 to vector<128x128xf32>
    %add3A_215 = arith.addf %add3A_211, %add3A_214 : vector<128x128xf32>
    %max3A_216 = arith.constant 0.000000e+00 : f32
    %max3A_217 = vector.broadcast %max3A_216 : f32 to vector<128x128xf32>
    %max3A_218 = arith.maximumf %add3A_215, %max3A_217 : vector<128x128xf32>
    %mul3A_219 = arith.mulf %max3A_218, %squeeze3A_15 : vector<128x128xf32>
    %dot_general3A_220 = arith.constant dense<0.000000e+00> : vector<128x128xf32>
    %dot_general3A_221 = tpu.matmul %mul3A_219, %broadcast_in_dim3A_16, %dot_general3A_220 {dimension_numbers = #tpu.dot_dimension_numbers<[1], [0], [0], [1], [0, 0, 1, 1], [], []>, precision = #tpu.contract_precision<fp32>, transpose_lhs_hint = false} : vector<128x128xf32>, vector<128x128xf32>, vector<128x128xf32> -> vector<128x128xf32>
    %slice3A_222 = vector.extract_strided_slice %dot_general3A_221 {offsets = [0, 0], sizes = [128, 1], strides = [1, 1]} : vector<128x128xf32> to vector<128x1xf32>
    %slice3A_223 = vector.extract_strided_slice %get3A_4 {offsets = [0, 7], sizes = [1, 1], strides = [1, 1]} : vector<8x128xf32> to vector<1x1xf32>
    %squeeze3A_224 = vector.extract %slice3A_223[0, 0] : f32 from vector<1x1xf32>
    %mul3A_225 = vector.broadcast %squeeze3A_224 : f32 to vector<128x128xf32>
    %mul3A_226 = arith.mulf %squeeze3A, %mul3A_225 : vector<128x128xf32>
    %slice3A_227 = vector.extract_strided_slice %get3A_4 {offsets = [1, 7], sizes = [1, 1], strides = [1, 1]} : vector<8x128xf32> to vector<1x1xf32>
    %squeeze3A_228 = vector.extract %slice3A_227[0, 0] : f32 from vector<1x1xf32>
    %mul3A_229 = vector.broadcast %squeeze3A_228 : f32 to vector<128x128xf32>
    %mul3A_230 = arith.mulf %squeeze3A_9, %mul3A_229 : vector<128x128xf32>
    %add3A_231 = arith.addf %mul3A_226, %mul3A_230 : vector<128x128xf32>
    %slice3A_232 = vector.extract_strided_slice %get3A_4 {offsets = [2, 7], sizes = [1, 1], strides = [1, 1]} : vector<8x128xf32> to vector<1x1xf32>
    %squeeze3A_233 = vector.extract %slice3A_232[0, 0] : f32 from vector<1x1xf32>
    %mul3A_234 = vector.broadcast %squeeze3A_233 : f32 to vector<128x128xf32>
    %mul3A_235 = arith.mulf %squeeze3A_11, %mul3A_234 : vector<128x128xf32>
    %add3A_236 = arith.addf %add3A_231, %mul3A_235 : vector<128x128xf32>
    %slice3A_237 = vector.extract_strided_slice %get3A_4 {offsets = [3, 7], sizes = [1, 1], strides = [1, 1]} : vector<8x128xf32> to vector<1x1xf32>
    %squeeze3A_238 = vector.extract %slice3A_237[0, 0] : f32 from vector<1x1xf32>
    %mul3A_239 = vector.broadcast %squeeze3A_238 : f32 to vector<128x128xf32>
    %mul3A_240 = arith.mulf %squeeze3A_13, %mul3A_239 : vector<128x128xf32>
    %add3A_241 = arith.addf %add3A_236, %mul3A_240 : vector<128x128xf32>
    %slice3A_242 = vector.extract_strided_slice %get3A_7 {offsets = [0, 7], sizes = [1, 1], strides = [1, 1]} : vector<1x128xf32> to vector<1x1xf32>
    %squeeze3A_243 = vector.extract %slice3A_242[0, 0] : f32 from vector<1x1xf32>
    %add3A_244 = vector.broadcast %squeeze3A_243 : f32 to vector<128x128xf32>
    %add3A_245 = arith.addf %add3A_241, %add3A_244 : vector<128x128xf32>
    %max3A_246 = arith.constant 0.000000e+00 : f32
    %max3A_247 = vector.broadcast %max3A_246 : f32 to vector<128x128xf32>
    %max3A_248 = arith.maximumf %add3A_245, %max3A_247 : vector<128x128xf32>
    %mul3A_249 = arith.mulf %max3A_248, %squeeze3A_15 : vector<128x128xf32>
    %dot_general3A_250 = arith.constant dense<0.000000e+00> : vector<128x128xf32>
    %dot_general3A_251 = tpu.matmul %mul3A_249, %broadcast_in_dim3A_16, %dot_general3A_250 {dimension_numbers = #tpu.dot_dimension_numbers<[1], [0], [0], [1], [0, 0, 1, 1], [], []>, precision = #tpu.contract_precision<fp32>, transpose_lhs_hint = false} : vector<128x128xf32>, vector<128x128xf32>, vector<128x128xf32> -> vector<128x128xf32>
    %slice3A_252 = vector.extract_strided_slice %dot_general3A_251 {offsets = [0, 0], sizes = [128, 1], strides = [1, 1]} : vector<128x128xf32> to vector<128x1xf32>
    %slice3A_253 = vector.extract_strided_slice %get3A_4 {offsets = [0, 8], sizes = [1, 1], strides = [1, 1]} : vector<8x128xf32> to vector<1x1xf32>
    %squeeze3A_254 = vector.extract %slice3A_253[0, 0] : f32 from vector<1x1xf32>
    %mul3A_255 = vector.broadcast %squeeze3A_254 : f32 to vector<128x128xf32>
    %mul3A_256 = arith.mulf %squeeze3A, %mul3A_255 : vector<128x128xf32>
    %slice3A_257 = vector.extract_strided_slice %get3A_4 {offsets = [1, 8], sizes = [1, 1], strides = [1, 1]} : vector<8x128xf32> to vector<1x1xf32>
    %squeeze3A_258 = vector.extract %slice3A_257[0, 0] : f32 from vector<1x1xf32>
    %mul3A_259 = vector.broadcast %squeeze3A_258 : f32 to vector<128x128xf32>
    %mul3A_260 = arith.mulf %squeeze3A_9, %mul3A_259 : vector<128x128xf32>
    %add3A_261 = arith.addf %mul3A_256, %mul3A_260 : vector<128x128xf32>
    %slice3A_262 = vector.extract_strided_slice %get3A_4 {offsets = [2, 8], sizes = [1, 1], strides = [1, 1]} : vector<8x128xf32> to vector<1x1xf32>
    %squeeze3A_263 = vector.extract %slice3A_262[0, 0] : f32 from vector<1x1xf32>
    %mul3A_264 = vector.broadcast %squeeze3A_263 : f32 to vector<128x128xf32>
    %mul3A_265 = arith.mulf %squeeze3A_11, %mul3A_264 : vector<128x128xf32>
    %add3A_266 = arith.addf %add3A_261, %mul3A_265 : vector<128x128xf32>
    %slice3A_267 = vector.extract_strided_slice %get3A_4 {offsets = [3, 8], sizes = [1, 1], strides = [1, 1]} : vector<8x128xf32> to vector<1x1xf32>
    %squeeze3A_268 = vector.extract %slice3A_267[0, 0] : f32 from vector<1x1xf32>
    %mul3A_269 = vector.broadcast %squeeze3A_268 : f32 to vector<128x128xf32>
    %mul3A_270 = arith.mulf %squeeze3A_13, %mul3A_269 : vector<128x128xf32>
    %add3A_271 = arith.addf %add3A_266, %mul3A_270 : vector<128x128xf32>
    %slice3A_272 = vector.extract_strided_slice %get3A_7 {offsets = [0, 8], sizes = [1, 1], strides = [1, 1]} : vector<1x128xf32> to vector<1x1xf32>
    %squeeze3A_273 = vector.extract %slice3A_272[0, 0] : f32 from vector<1x1xf32>
    %add3A_274 = vector.broadcast %squeeze3A_273 : f32 to vector<128x128xf32>
    %add3A_275 = arith.addf %add3A_271, %add3A_274 : vector<128x128xf32>
    %max3A_276 = arith.constant 0.000000e+00 : f32
    %max3A_277 = vector.broadcast %max3A_276 : f32 to vector<128x128xf32>
    %max3A_278 = arith.maximumf %add3A_275, %max3A_277 : vector<128x128xf32>
    %mul3A_279 = arith.mulf %max3A_278, %squeeze3A_15 : vector<128x128xf32>
    %dot_general3A_280 = arith.constant dense<0.000000e+00> : vector<128x128xf32>
    %dot_general3A_281 = tpu.matmul %mul3A_279, %broadcast_in_dim3A_16, %dot_general3A_280 {dimension_numbers = #tpu.dot_dimension_numbers<[1], [0], [0], [1], [0, 0, 1, 1], [], []>, precision = #tpu.contract_precision<fp32>, transpose_lhs_hint = false} : vector<128x128xf32>, vector<128x128xf32>, vector<128x128xf32> -> vector<128x128xf32>
    %slice3A_282 = vector.extract_strided_slice %dot_general3A_281 {offsets = [0, 0], sizes = [128, 1], strides = [1, 1]} : vector<128x128xf32> to vector<128x1xf32>
    %slice3A_283 = vector.extract_strided_slice %get3A_4 {offsets = [0, 9], sizes = [1, 1], strides = [1, 1]} : vector<8x128xf32> to vector<1x1xf32>
    %squeeze3A_284 = vector.extract %slice3A_283[0, 0] : f32 from vector<1x1xf32>
    %mul3A_285 = vector.broadcast %squeeze3A_284 : f32 to vector<128x128xf32>
    %mul3A_286 = arith.mulf %squeeze3A, %mul3A_285 : vector<128x128xf32>
    %slice3A_287 = vector.extract_strided_slice %get3A_4 {offsets = [1, 9], sizes = [1, 1], strides = [1, 1]} : vector<8x128xf32> to vector<1x1xf32>
    %squeeze3A_288 = vector.extract %slice3A_287[0, 0] : f32 from vector<1x1xf32>
    %mul3A_289 = vector.broadcast %squeeze3A_288 : f32 to vector<128x128xf32>
    %mul3A_290 = arith.mulf %squeeze3A_9, %mul3A_289 : vector<128x128xf32>
    %add3A_291 = arith.addf %mul3A_286, %mul3A_290 : vector<128x128xf32>
    %slice3A_292 = vector.extract_strided_slice %get3A_4 {offsets = [2, 9], sizes = [1, 1], strides = [1, 1]} : vector<8x128xf32> to vector<1x1xf32>
    %squeeze3A_293 = vector.extract %slice3A_292[0, 0] : f32 from vector<1x1xf32>
    %mul3A_294 = vector.broadcast %squeeze3A_293 : f32 to vector<128x128xf32>
    %mul3A_295 = arith.mulf %squeeze3A_11, %mul3A_294 : vector<128x128xf32>
    %add3A_296 = arith.addf %add3A_291, %mul3A_295 : vector<128x128xf32>
    %slice3A_297 = vector.extract_strided_slice %get3A_4 {offsets = [3, 9], sizes = [1, 1], strides = [1, 1]} : vector<8x128xf32> to vector<1x1xf32>
    %squeeze3A_298 = vector.extract %slice3A_297[0, 0] : f32 from vector<1x1xf32>
    %mul3A_299 = vector.broadcast %squeeze3A_298 : f32 to vector<128x128xf32>
    %mul3A_300 = arith.mulf %squeeze3A_13, %mul3A_299 : vector<128x128xf32>
    %add3A_301 = arith.addf %add3A_296, %mul3A_300 : vector<128x128xf32>
    %slice3A_302 = vector.extract_strided_slice %get3A_7 {offsets = [0, 9], sizes = [1, 1], strides = [1, 1]} : vector<1x128xf32> to vector<1x1xf32>
    %squeeze3A_303 = vector.extract %slice3A_302[0, 0] : f32 from vector<1x1xf32>
    %add3A_304 = vector.broadcast %squeeze3A_303 : f32 to vector<128x128xf32>
    %add3A_305 = arith.addf %add3A_301, %add3A_304 : vector<128x128xf32>
    %max3A_306 = arith.constant 0.000000e+00 : f32
    %max3A_307 = vector.broadcast %max3A_306 : f32 to vector<128x128xf32>
    %max3A_308 = arith.maximumf %add3A_305, %max3A_307 : vector<128x128xf32>
    %mul3A_309 = arith.mulf %max3A_308, %squeeze3A_15 : vector<128x128xf32>
    %dot_general3A_310 = arith.constant dense<0.000000e+00> : vector<128x128xf32>
    %dot_general3A_311 = tpu.matmul %mul3A_309, %broadcast_in_dim3A_16, %dot_general3A_310 {dimension_numbers = #tpu.dot_dimension_numbers<[1], [0], [0], [1], [0, 0, 1, 1], [], []>, precision = #tpu.contract_precision<fp32>, transpose_lhs_hint = false} : vector<128x128xf32>, vector<128x128xf32>, vector<128x128xf32> -> vector<128x128xf32>
    %slice3A_312 = vector.extract_strided_slice %dot_general3A_311 {offsets = [0, 0], sizes = [128, 1], strides = [1, 1]} : vector<128x128xf32> to vector<128x1xf32>
    %slice3A_313 = vector.extract_strided_slice %get3A_4 {offsets = [0, 10], sizes = [1, 1], strides = [1, 1]} : vector<8x128xf32> to vector<1x1xf32>
    %squeeze3A_314 = vector.extract %slice3A_313[0, 0] : f32 from vector<1x1xf32>
    %mul3A_315 = vector.broadcast %squeeze3A_314 : f32 to vector<128x128xf32>
    %mul3A_316 = arith.mulf %squeeze3A, %mul3A_315 : vector<128x128xf32>
    %slice3A_317 = vector.extract_strided_slice %get3A_4 {offsets = [1, 10], sizes = [1, 1], strides = [1, 1]} : vector<8x128xf32> to vector<1x1xf32>
    %squeeze3A_318 = vector.extract %slice3A_317[0, 0] : f32 from vector<1x1xf32>
    %mul3A_319 = vector.broadcast %squeeze3A_318 : f32 to vector<128x128xf32>
    %mul3A_320 = arith.mulf %squeeze3A_9, %mul3A_319 : vector<128x128xf32>
    %add3A_321 = arith.addf %mul3A_316, %mul3A_320 : vector<128x128xf32>
    %slice3A_322 = vector.extract_strided_slice %get3A_4 {offsets = [2, 10], sizes = [1, 1], strides = [1, 1]} : vector<8x128xf32> to vector<1x1xf32>
    %squeeze3A_323 = vector.extract %slice3A_322[0, 0] : f32 from vector<1x1xf32>
    %mul3A_324 = vector.broadcast %squeeze3A_323 : f32 to vector<128x128xf32>
    %mul3A_325 = arith.mulf %squeeze3A_11, %mul3A_324 : vector<128x128xf32>
    %add3A_326 = arith.addf %add3A_321, %mul3A_325 : vector<128x128xf32>
    %slice3A_327 = vector.extract_strided_slice %get3A_4 {offsets = [3, 10], sizes = [1, 1], strides = [1, 1]} : vector<8x128xf32> to vector<1x1xf32>
    %squeeze3A_328 = vector.extract %slice3A_327[0, 0] : f32 from vector<1x1xf32>
    %mul3A_329 = vector.broadcast %squeeze3A_328 : f32 to vector<128x128xf32>
    %mul3A_330 = arith.mulf %squeeze3A_13, %mul3A_329 : vector<128x128xf32>
    %add3A_331 = arith.addf %add3A_326, %mul3A_330 : vector<128x128xf32>
    %slice3A_332 = vector.extract_strided_slice %get3A_7 {offsets = [0, 10], sizes = [1, 1], strides = [1, 1]} : vector<1x128xf32> to vector<1x1xf32>
    %squeeze3A_333 = vector.extract %slice3A_332[0, 0] : f32 from vector<1x1xf32>
    %add3A_334 = vector.broadcast %squeeze3A_333 : f32 to vector<128x128xf32>
    %add3A_335 = arith.addf %add3A_331, %add3A_334 : vector<128x128xf32>
    %max3A_336 = arith.constant 0.000000e+00 : f32
    %max3A_337 = vector.broadcast %max3A_336 : f32 to vector<128x128xf32>
    %max3A_338 = arith.maximumf %add3A_335, %max3A_337 : vector<128x128xf32>
    %mul3A_339 = arith.mulf %max3A_338, %squeeze3A_15 : vector<128x128xf32>
    %dot_general3A_340 = arith.constant dense<0.000000e+00> : vector<128x128xf32>
    %dot_general3A_341 = tpu.matmul %mul3A_339, %broadcast_in_dim3A_16, %dot_general3A_340 {dimension_numbers = #tpu.dot_dimension_numbers<[1], [0], [0], [1], [0, 0, 1, 1], [], []>, precision = #tpu.contract_precision<fp32>, transpose_lhs_hint = false} : vector<128x128xf32>, vector<128x128xf32>, vector<128x128xf32> -> vector<128x128xf32>
    %slice3A_342 = vector.extract_strided_slice %dot_general3A_341 {offsets = [0, 0], sizes = [128, 1], strides = [1, 1]} : vector<128x128xf32> to vector<128x1xf32>
    %slice3A_343 = vector.extract_strided_slice %get3A_4 {offsets = [0, 11], sizes = [1, 1], strides = [1, 1]} : vector<8x128xf32> to vector<1x1xf32>
    %squeeze3A_344 = vector.extract %slice3A_343[0, 0] : f32 from vector<1x1xf32>
    %mul3A_345 = vector.broadcast %squeeze3A_344 : f32 to vector<128x128xf32>
    %mul3A_346 = arith.mulf %squeeze3A, %mul3A_345 : vector<128x128xf32>
    %slice3A_347 = vector.extract_strided_slice %get3A_4 {offsets = [1, 11], sizes = [1, 1], strides = [1, 1]} : vector<8x128xf32> to vector<1x1xf32>
    %squeeze3A_348 = vector.extract %slice3A_347[0, 0] : f32 from vector<1x1xf32>
    %mul3A_349 = vector.broadcast %squeeze3A_348 : f32 to vector<128x128xf32>
    %mul3A_350 = arith.mulf %squeeze3A_9, %mul3A_349 : vector<128x128xf32>
    %add3A_351 = arith.addf %mul3A_346, %mul3A_350 : vector<128x128xf32>
    %slice3A_352 = vector.extract_strided_slice %get3A_4 {offsets = [2, 11], sizes = [1, 1], strides = [1, 1]} : vector<8x128xf32> to vector<1x1xf32>
    %squeeze3A_353 = vector.extract %slice3A_352[0, 0] : f32 from vector<1x1xf32>
    %mul3A_354 = vector.broadcast %squeeze3A_353 : f32 to vector<128x128xf32>
    %mul3A_355 = arith.mulf %squeeze3A_11, %mul3A_354 : vector<128x128xf32>
    %add3A_356 = arith.addf %add3A_351, %mul3A_355 : vector<128x128xf32>
    %slice3A_357 = vector.extract_strided_slice %get3A_4 {offsets = [3, 11], sizes = [1, 1], strides = [1, 1]} : vector<8x128xf32> to vector<1x1xf32>
    %squeeze3A_358 = vector.extract %slice3A_357[0, 0] : f32 from vector<1x1xf32>
    %mul3A_359 = vector.broadcast %squeeze3A_358 : f32 to vector<128x128xf32>
    %mul3A_360 = arith.mulf %squeeze3A_13, %mul3A_359 : vector<128x128xf32>
    %add3A_361 = arith.addf %add3A_356, %mul3A_360 : vector<128x128xf32>
    %slice3A_362 = vector.extract_strided_slice %get3A_7 {offsets = [0, 11], sizes = [1, 1], strides = [1, 1]} : vector<1x128xf32> to vector<1x1xf32>
    %squeeze3A_363 = vector.extract %slice3A_362[0, 0] : f32 from vector<1x1xf32>
    %add3A_364 = vector.broadcast %squeeze3A_363 : f32 to vector<128x128xf32>
    %add3A_365 = arith.addf %add3A_361, %add3A_364 : vector<128x128xf32>
    %max3A_366 = arith.constant 0.000000e+00 : f32
    %max3A_367 = vector.broadcast %max3A_366 : f32 to vector<128x128xf32>
    %max3A_368 = arith.maximumf %add3A_365, %max3A_367 : vector<128x128xf32>
    %mul3A_369 = arith.mulf %max3A_368, %squeeze3A_15 : vector<128x128xf32>
    %dot_general3A_370 = arith.constant dense<0.000000e+00> : vector<128x128xf32>
    %dot_general3A_371 = tpu.matmul %mul3A_369, %broadcast_in_dim3A_16, %dot_general3A_370 {dimension_numbers = #tpu.dot_dimension_numbers<[1], [0], [0], [1], [0, 0, 1, 1], [], []>, precision = #tpu.contract_precision<fp32>, transpose_lhs_hint = false} : vector<128x128xf32>, vector<128x128xf32>, vector<128x128xf32> -> vector<128x128xf32>
    %slice3A_372 = vector.extract_strided_slice %dot_general3A_371 {offsets = [0, 0], sizes = [128, 1], strides = [1, 1]} : vector<128x128xf32> to vector<128x1xf32>
    %slice3A_373 = vector.extract_strided_slice %get3A_4 {offsets = [0, 12], sizes = [1, 1], strides = [1, 1]} : vector<8x128xf32> to vector<1x1xf32>
    %squeeze3A_374 = vector.extract %slice3A_373[0, 0] : f32 from vector<1x1xf32>
    %mul3A_375 = vector.broadcast %squeeze3A_374 : f32 to vector<128x128xf32>
    %mul3A_376 = arith.mulf %squeeze3A, %mul3A_375 : vector<128x128xf32>
    %slice3A_377 = vector.extract_strided_slice %get3A_4 {offsets = [1, 12], sizes = [1, 1], strides = [1, 1]} : vector<8x128xf32> to vector<1x1xf32>
    %squeeze3A_378 = vector.extract %slice3A_377[0, 0] : f32 from vector<1x1xf32>
    %mul3A_379 = vector.broadcast %squeeze3A_378 : f32 to vector<128x128xf32>
    %mul3A_380 = arith.mulf %squeeze3A_9, %mul3A_379 : vector<128x128xf32>
    %add3A_381 = arith.addf %mul3A_376, %mul3A_380 : vector<128x128xf32>
    %slice3A_382 = vector.extract_strided_slice %get3A_4 {offsets = [2, 12], sizes = [1, 1], strides = [1, 1]} : vector<8x128xf32> to vector<1x1xf32>
    %squeeze3A_383 = vector.extract %slice3A_382[0, 0] : f32 from vector<1x1xf32>
    %mul3A_384 = vector.broadcast %squeeze3A_383 : f32 to vector<128x128xf32>
    %mul3A_385 = arith.mulf %squeeze3A_11, %mul3A_384 : vector<128x128xf32>
    %add3A_386 = arith.addf %add3A_381, %mul3A_385 : vector<128x128xf32>
    %slice3A_387 = vector.extract_strided_slice %get3A_4 {offsets = [3, 12], sizes = [1, 1], strides = [1, 1]} : vector<8x128xf32> to vector<1x1xf32>
    %squeeze3A_388 = vector.extract %slice3A_387[0, 0] : f32 from vector<1x1xf32>
    %mul3A_389 = vector.broadcast %squeeze3A_388 : f32 to vector<128x128xf32>
    %mul3A_390 = arith.mulf %squeeze3A_13, %mul3A_389 : vector<128x128xf32>
    %add3A_391 = arith.addf %add3A_386, %mul3A_390 : vector<128x128xf32>
    %slice3A_392 = vector.extract_strided_slice %get3A_7 {offsets = [0, 12], sizes = [1, 1], strides = [1, 1]} : vector<1x128xf32> to vector<1x1xf32>
    %squeeze3A_393 = vector.extract %slice3A_392[0, 0] : f32 from vector<1x1xf32>
    %add3A_394 = vector.broadcast %squeeze3A_393 : f32 to vector<128x128xf32>
    %add3A_395 = arith.addf %add3A_391, %add3A_394 : vector<128x128xf32>
    %max3A_396 = arith.constant 0.000000e+00 : f32
    %max3A_397 = vector.broadcast %max3A_396 : f32 to vector<128x128xf32>
    %max3A_398 = arith.maximumf %add3A_395, %max3A_397 : vector<128x128xf32>
    %mul3A_399 = arith.mulf %max3A_398, %squeeze3A_15 : vector<128x128xf32>
    %dot_general3A_400 = arith.constant dense<0.000000e+00> : vector<128x128xf32>
    %dot_general3A_401 = tpu.matmul %mul3A_399, %broadcast_in_dim3A_16, %dot_general3A_400 {dimension_numbers = #tpu.dot_dimension_numbers<[1], [0], [0], [1], [0, 0, 1, 1], [], []>, precision = #tpu.contract_precision<fp32>, transpose_lhs_hint = false} : vector<128x128xf32>, vector<128x128xf32>, vector<128x128xf32> -> vector<128x128xf32>
    %slice3A_402 = vector.extract_strided_slice %dot_general3A_401 {offsets = [0, 0], sizes = [128, 1], strides = [1, 1]} : vector<128x128xf32> to vector<128x1xf32>
    %slice3A_403 = vector.extract_strided_slice %get3A_4 {offsets = [0, 13], sizes = [1, 1], strides = [1, 1]} : vector<8x128xf32> to vector<1x1xf32>
    %squeeze3A_404 = vector.extract %slice3A_403[0, 0] : f32 from vector<1x1xf32>
    %mul3A_405 = vector.broadcast %squeeze3A_404 : f32 to vector<128x128xf32>
    %mul3A_406 = arith.mulf %squeeze3A, %mul3A_405 : vector<128x128xf32>
    %slice3A_407 = vector.extract_strided_slice %get3A_4 {offsets = [1, 13], sizes = [1, 1], strides = [1, 1]} : vector<8x128xf32> to vector<1x1xf32>
    %squeeze3A_408 = vector.extract %slice3A_407[0, 0] : f32 from vector<1x1xf32>
    %mul3A_409 = vector.broadcast %squeeze3A_408 : f32 to vector<128x128xf32>
    %mul3A_410 = arith.mulf %squeeze3A_9, %mul3A_409 : vector<128x128xf32>
    %add3A_411 = arith.addf %mul3A_406, %mul3A_410 : vector<128x128xf32>
    %slice3A_412 = vector.extract_strided_slice %get3A_4 {offsets = [2, 13], sizes = [1, 1], strides = [1, 1]} : vector<8x128xf32> to vector<1x1xf32>
    %squeeze3A_413 = vector.extract %slice3A_412[0, 0] : f32 from vector<1x1xf32>
    %mul3A_414 = vector.broadcast %squeeze3A_413 : f32 to vector<128x128xf32>
    %mul3A_415 = arith.mulf %squeeze3A_11, %mul3A_414 : vector<128x128xf32>
    %add3A_416 = arith.addf %add3A_411, %mul3A_415 : vector<128x128xf32>
    %slice3A_417 = vector.extract_strided_slice %get3A_4 {offsets = [3, 13], sizes = [1, 1], strides = [1, 1]} : vector<8x128xf32> to vector<1x1xf32>
    %squeeze3A_418 = vector.extract %slice3A_417[0, 0] : f32 from vector<1x1xf32>
    %mul3A_419 = vector.broadcast %squeeze3A_418 : f32 to vector<128x128xf32>
    %mul3A_420 = arith.mulf %squeeze3A_13, %mul3A_419 : vector<128x128xf32>
    %add3A_421 = arith.addf %add3A_416, %mul3A_420 : vector<128x128xf32>
    %slice3A_422 = vector.extract_strided_slice %get3A_7 {offsets = [0, 13], sizes = [1, 1], strides = [1, 1]} : vector<1x128xf32> to vector<1x1xf32>
    %squeeze3A_423 = vector.extract %slice3A_422[0, 0] : f32 from vector<1x1xf32>
    %add3A_424 = vector.broadcast %squeeze3A_423 : f32 to vector<128x128xf32>
    %add3A_425 = arith.addf %add3A_421, %add3A_424 : vector<128x128xf32>
    %max3A_426 = arith.constant 0.000000e+00 : f32
    %max3A_427 = vector.broadcast %max3A_426 : f32 to vector<128x128xf32>
    %max3A_428 = arith.maximumf %add3A_425, %max3A_427 : vector<128x128xf32>
    %mul3A_429 = arith.mulf %max3A_428, %squeeze3A_15 : vector<128x128xf32>
    %dot_general3A_430 = arith.constant dense<0.000000e+00> : vector<128x128xf32>
    %dot_general3A_431 = tpu.matmul %mul3A_429, %broadcast_in_dim3A_16, %dot_general3A_430 {dimension_numbers = #tpu.dot_dimension_numbers<[1], [0], [0], [1], [0, 0, 1, 1], [], []>, precision = #tpu.contract_precision<fp32>, transpose_lhs_hint = false} : vector<128x128xf32>, vector<128x128xf32>, vector<128x128xf32> -> vector<128x128xf32>
    %slice3A_432 = vector.extract_strided_slice %dot_general3A_431 {offsets = [0, 0], sizes = [128, 1], strides = [1, 1]} : vector<128x128xf32> to vector<128x1xf32>
    %slice3A_433 = vector.extract_strided_slice %get3A_4 {offsets = [0, 14], sizes = [1, 1], strides = [1, 1]} : vector<8x128xf32> to vector<1x1xf32>
    %squeeze3A_434 = vector.extract %slice3A_433[0, 0] : f32 from vector<1x1xf32>
    %mul3A_435 = vector.broadcast %squeeze3A_434 : f32 to vector<128x128xf32>
    %mul3A_436 = arith.mulf %squeeze3A, %mul3A_435 : vector<128x128xf32>
    %slice3A_437 = vector.extract_strided_slice %get3A_4 {offsets = [1, 14], sizes = [1, 1], strides = [1, 1]} : vector<8x128xf32> to vector<1x1xf32>
    %squeeze3A_438 = vector.extract %slice3A_437[0, 0] : f32 from vector<1x1xf32>
    %mul3A_439 = vector.broadcast %squeeze3A_438 : f32 to vector<128x128xf32>
    %mul3A_440 = arith.mulf %squeeze3A_9, %mul3A_439 : vector<128x128xf32>
    %add3A_441 = arith.addf %mul3A_436, %mul3A_440 : vector<128x128xf32>
    %slice3A_442 = vector.extract_strided_slice %get3A_4 {offsets = [2, 14], sizes = [1, 1], strides = [1, 1]} : vector<8x128xf32> to vector<1x1xf32>
    %squeeze3A_443 = vector.extract %slice3A_442[0, 0] : f32 from vector<1x1xf32>
    %mul3A_444 = vector.broadcast %squeeze3A_443 : f32 to vector<128x128xf32>
    %mul3A_445 = arith.mulf %squeeze3A_11, %mul3A_444 : vector<128x128xf32>
    %add3A_446 = arith.addf %add3A_441, %mul3A_445 : vector<128x128xf32>
    %slice3A_447 = vector.extract_strided_slice %get3A_4 {offsets = [3, 14], sizes = [1, 1], strides = [1, 1]} : vector<8x128xf32> to vector<1x1xf32>
    %squeeze3A_448 = vector.extract %slice3A_447[0, 0] : f32 from vector<1x1xf32>
    %mul3A_449 = vector.broadcast %squeeze3A_448 : f32 to vector<128x128xf32>
    %mul3A_450 = arith.mulf %squeeze3A_13, %mul3A_449 : vector<128x128xf32>
    %add3A_451 = arith.addf %add3A_446, %mul3A_450 : vector<128x128xf32>
    %slice3A_452 = vector.extract_strided_slice %get3A_7 {offsets = [0, 14], sizes = [1, 1], strides = [1, 1]} : vector<1x128xf32> to vector<1x1xf32>
    %squeeze3A_453 = vector.extract %slice3A_452[0, 0] : f32 from vector<1x1xf32>
    %add3A_454 = vector.broadcast %squeeze3A_453 : f32 to vector<128x128xf32>
    %add3A_455 = arith.addf %add3A_451, %add3A_454 : vector<128x128xf32>
    %max3A_456 = arith.constant 0.000000e+00 : f32
    %max3A_457 = vector.broadcast %max3A_456 : f32 to vector<128x128xf32>
    %max3A_458 = arith.maximumf %add3A_455, %max3A_457 : vector<128x128xf32>
    %mul3A_459 = arith.mulf %max3A_458, %squeeze3A_15 : vector<128x128xf32>
    %dot_general3A_460 = arith.constant dense<0.000000e+00> : vector<128x128xf32>
    %dot_general3A_461 = tpu.matmul %mul3A_459, %broadcast_in_dim3A_16, %dot_general3A_460 {dimension_numbers = #tpu.dot_dimension_numbers<[1], [0], [0], [1], [0, 0, 1, 1], [], []>, precision = #tpu.contract_precision<fp32>, transpose_lhs_hint = false} : vector<128x128xf32>, vector<128x128xf32>, vector<128x128xf32> -> vector<128x128xf32>
    %slice3A_462 = vector.extract_strided_slice %dot_general3A_461 {offsets = [0, 0], sizes = [128, 1], strides = [1, 1]} : vector<128x128xf32> to vector<128x1xf32>
    %slice3A_463 = vector.extract_strided_slice %get3A_4 {offsets = [0, 15], sizes = [1, 1], strides = [1, 1]} : vector<8x128xf32> to vector<1x1xf32>
    %squeeze3A_464 = vector.extract %slice3A_463[0, 0] : f32 from vector<1x1xf32>
    %mul3A_465 = vector.broadcast %squeeze3A_464 : f32 to vector<128x128xf32>
    %mul3A_466 = arith.mulf %squeeze3A, %mul3A_465 : vector<128x128xf32>
    %slice3A_467 = vector.extract_strided_slice %get3A_4 {offsets = [1, 15], sizes = [1, 1], strides = [1, 1]} : vector<8x128xf32> to vector<1x1xf32>
    %squeeze3A_468 = vector.extract %slice3A_467[0, 0] : f32 from vector<1x1xf32>
    %mul3A_469 = vector.broadcast %squeeze3A_468 : f32 to vector<128x128xf32>
    %mul3A_470 = arith.mulf %squeeze3A_9, %mul3A_469 : vector<128x128xf32>
    %add3A_471 = arith.addf %mul3A_466, %mul3A_470 : vector<128x128xf32>
    %slice3A_472 = vector.extract_strided_slice %get3A_4 {offsets = [2, 15], sizes = [1, 1], strides = [1, 1]} : vector<8x128xf32> to vector<1x1xf32>
    %squeeze3A_473 = vector.extract %slice3A_472[0, 0] : f32 from vector<1x1xf32>
    %mul3A_474 = vector.broadcast %squeeze3A_473 : f32 to vector<128x128xf32>
    %mul3A_475 = arith.mulf %squeeze3A_11, %mul3A_474 : vector<128x128xf32>
    %add3A_476 = arith.addf %add3A_471, %mul3A_475 : vector<128x128xf32>
    %slice3A_477 = vector.extract_strided_slice %get3A_4 {offsets = [3, 15], sizes = [1, 1], strides = [1, 1]} : vector<8x128xf32> to vector<1x1xf32>
    %squeeze3A_478 = vector.extract %slice3A_477[0, 0] : f32 from vector<1x1xf32>
    %mul3A_479 = vector.broadcast %squeeze3A_478 : f32 to vector<128x128xf32>
    %mul3A_480 = arith.mulf %squeeze3A_13, %mul3A_479 : vector<128x128xf32>
    %add3A_481 = arith.addf %add3A_476, %mul3A_480 : vector<128x128xf32>
    %slice3A_482 = vector.extract_strided_slice %get3A_7 {offsets = [0, 15], sizes = [1, 1], strides = [1, 1]} : vector<1x128xf32> to vector<1x1xf32>
    %squeeze3A_483 = vector.extract %slice3A_482[0, 0] : f32 from vector<1x1xf32>
    %add3A_484 = vector.broadcast %squeeze3A_483 : f32 to vector<128x128xf32>
    %add3A_485 = arith.addf %add3A_481, %add3A_484 : vector<128x128xf32>
    %max3A_486 = arith.constant 0.000000e+00 : f32
    %max3A_487 = vector.broadcast %max3A_486 : f32 to vector<128x128xf32>
    %max3A_488 = arith.maximumf %add3A_485, %max3A_487 : vector<128x128xf32>
    %mul3A_489 = arith.mulf %max3A_488, %squeeze3A_15 : vector<128x128xf32>
    %dot_general3A_490 = arith.constant dense<0.000000e+00> : vector<128x128xf32>
    %dot_general3A_491 = tpu.matmul %mul3A_489, %broadcast_in_dim3A_16, %dot_general3A_490 {dimension_numbers = #tpu.dot_dimension_numbers<[1], [0], [0], [1], [0, 0, 1, 1], [], []>, precision = #tpu.contract_precision<fp32>, transpose_lhs_hint = false} : vector<128x128xf32>, vector<128x128xf32>, vector<128x128xf32> -> vector<128x128xf32>
    %slice3A_492 = vector.extract_strided_slice %dot_general3A_491 {offsets = [0, 0], sizes = [128, 1], strides = [1, 1]} : vector<128x128xf32> to vector<128x1xf32>
    %slice3A_493 = vector.extract_strided_slice %get3A_4 {offsets = [0, 16], sizes = [1, 1], strides = [1, 1]} : vector<8x128xf32> to vector<1x1xf32>
    %squeeze3A_494 = vector.extract %slice3A_493[0, 0] : f32 from vector<1x1xf32>
    %mul3A_495 = vector.broadcast %squeeze3A_494 : f32 to vector<128x128xf32>
    %mul3A_496 = arith.mulf %squeeze3A, %mul3A_495 : vector<128x128xf32>
    %slice3A_497 = vector.extract_strided_slice %get3A_4 {offsets = [1, 16], sizes = [1, 1], strides = [1, 1]} : vector<8x128xf32> to vector<1x1xf32>
    %squeeze3A_498 = vector.extract %slice3A_497[0, 0] : f32 from vector<1x1xf32>
    %mul3A_499 = vector.broadcast %squeeze3A_498 : f32 to vector<128x128xf32>
    %mul3A_500 = arith.mulf %squeeze3A_9, %mul3A_499 : vector<128x128xf32>
    %add3A_501 = arith.addf %mul3A_496, %mul3A_500 : vector<128x128xf32>
    %slice3A_502 = vector.extract_strided_slice %get3A_4 {offsets = [2, 16], sizes = [1, 1], strides = [1, 1]} : vector<8x128xf32> to vector<1x1xf32>
    %squeeze3A_503 = vector.extract %slice3A_502[0, 0] : f32 from vector<1x1xf32>
    %mul3A_504 = vector.broadcast %squeeze3A_503 : f32 to vector<128x128xf32>
    %mul3A_505 = arith.mulf %squeeze3A_11, %mul3A_504 : vector<128x128xf32>
    %add3A_506 = arith.addf %add3A_501, %mul3A_505 : vector<128x128xf32>
    %slice3A_507 = vector.extract_strided_slice %get3A_4 {offsets = [3, 16], sizes = [1, 1], strides = [1, 1]} : vector<8x128xf32> to vector<1x1xf32>
    %squeeze3A_508 = vector.extract %slice3A_507[0, 0] : f32 from vector<1x1xf32>
    %mul3A_509 = vector.broadcast %squeeze3A_508 : f32 to vector<128x128xf32>
    %mul3A_510 = arith.mulf %squeeze3A_13, %mul3A_509 : vector<128x128xf32>
    %add3A_511 = arith.addf %add3A_506, %mul3A_510 : vector<128x128xf32>
    %slice3A_512 = vector.extract_strided_slice %get3A_7 {offsets = [0, 16], sizes = [1, 1], strides = [1, 1]} : vector<1x128xf32> to vector<1x1xf32>
    %squeeze3A_513 = vector.extract %slice3A_512[0, 0] : f32 from vector<1x1xf32>
    %add3A_514 = vector.broadcast %squeeze3A_513 : f32 to vector<128x128xf32>
    %add3A_515 = arith.addf %add3A_511, %add3A_514 : vector<128x128xf32>
    %max3A_516 = arith.constant 0.000000e+00 : f32
    %max3A_517 = vector.broadcast %max3A_516 : f32 to vector<128x128xf32>
    %max3A_518 = arith.maximumf %add3A_515, %max3A_517 : vector<128x128xf32>
    %mul3A_519 = arith.mulf %max3A_518, %squeeze3A_15 : vector<128x128xf32>
    %dot_general3A_520 = arith.constant dense<0.000000e+00> : vector<128x128xf32>
    %dot_general3A_521 = tpu.matmul %mul3A_519, %broadcast_in_dim3A_16, %dot_general3A_520 {dimension_numbers = #tpu.dot_dimension_numbers<[1], [0], [0], [1], [0, 0, 1, 1], [], []>, precision = #tpu.contract_precision<fp32>, transpose_lhs_hint = false} : vector<128x128xf32>, vector<128x128xf32>, vector<128x128xf32> -> vector<128x128xf32>
    %slice3A_522 = vector.extract_strided_slice %dot_general3A_521 {offsets = [0, 0], sizes = [128, 1], strides = [1, 1]} : vector<128x128xf32> to vector<128x1xf32>
    %slice3A_523 = vector.extract_strided_slice %get3A_4 {offsets = [0, 17], sizes = [1, 1], strides = [1, 1]} : vector<8x128xf32> to vector<1x1xf32>
    %squeeze3A_524 = vector.extract %slice3A_523[0, 0] : f32 from vector<1x1xf32>
    %mul3A_525 = vector.broadcast %squeeze3A_524 : f32 to vector<128x128xf32>
    %mul3A_526 = arith.mulf %squeeze3A, %mul3A_525 : vector<128x128xf32>
    %slice3A_527 = vector.extract_strided_slice %get3A_4 {offsets = [1, 17], sizes = [1, 1], strides = [1, 1]} : vector<8x128xf32> to vector<1x1xf32>
    %squeeze3A_528 = vector.extract %slice3A_527[0, 0] : f32 from vector<1x1xf32>
    %mul3A_529 = vector.broadcast %squeeze3A_528 : f32 to vector<128x128xf32>
    %mul3A_530 = arith.mulf %squeeze3A_9, %mul3A_529 : vector<128x128xf32>
    %add3A_531 = arith.addf %mul3A_526, %mul3A_530 : vector<128x128xf32>
    %slice3A_532 = vector.extract_strided_slice %get3A_4 {offsets = [2, 17], sizes = [1, 1], strides = [1, 1]} : vector<8x128xf32> to vector<1x1xf32>
    %squeeze3A_533 = vector.extract %slice3A_532[0, 0] : f32 from vector<1x1xf32>
    %mul3A_534 = vector.broadcast %squeeze3A_533 : f32 to vector<128x128xf32>
    %mul3A_535 = arith.mulf %squeeze3A_11, %mul3A_534 : vector<128x128xf32>
    %add3A_536 = arith.addf %add3A_531, %mul3A_535 : vector<128x128xf32>
    %slice3A_537 = vector.extract_strided_slice %get3A_4 {offsets = [3, 17], sizes = [1, 1], strides = [1, 1]} : vector<8x128xf32> to vector<1x1xf32>
    %squeeze3A_538 = vector.extract %slice3A_537[0, 0] : f32 from vector<1x1xf32>
    %mul3A_539 = vector.broadcast %squeeze3A_538 : f32 to vector<128x128xf32>
    %mul3A_540 = arith.mulf %squeeze3A_13, %mul3A_539 : vector<128x128xf32>
    %add3A_541 = arith.addf %add3A_536, %mul3A_540 : vector<128x128xf32>
    %slice3A_542 = vector.extract_strided_slice %get3A_7 {offsets = [0, 17], sizes = [1, 1], strides = [1, 1]} : vector<1x128xf32> to vector<1x1xf32>
    %squeeze3A_543 = vector.extract %slice3A_542[0, 0] : f32 from vector<1x1xf32>
    %add3A_544 = vector.broadcast %squeeze3A_543 : f32 to vector<128x128xf32>
    %add3A_545 = arith.addf %add3A_541, %add3A_544 : vector<128x128xf32>
    %max3A_546 = arith.constant 0.000000e+00 : f32
    %max3A_547 = vector.broadcast %max3A_546 : f32 to vector<128x128xf32>
    %max3A_548 = arith.maximumf %add3A_545, %max3A_547 : vector<128x128xf32>
    %mul3A_549 = arith.mulf %max3A_548, %squeeze3A_15 : vector<128x128xf32>
    %dot_general3A_550 = arith.constant dense<0.000000e+00> : vector<128x128xf32>
    %dot_general3A_551 = tpu.matmul %mul3A_549, %broadcast_in_dim3A_16, %dot_general3A_550 {dimension_numbers = #tpu.dot_dimension_numbers<[1], [0], [0], [1], [0, 0, 1, 1], [], []>, precision = #tpu.contract_precision<fp32>, transpose_lhs_hint = false} : vector<128x128xf32>, vector<128x128xf32>, vector<128x128xf32> -> vector<128x128xf32>
    %slice3A_552 = vector.extract_strided_slice %dot_general3A_551 {offsets = [0, 0], sizes = [128, 1], strides = [1, 1]} : vector<128x128xf32> to vector<128x1xf32>
    %slice3A_553 = vector.extract_strided_slice %get3A_4 {offsets = [0, 18], sizes = [1, 1], strides = [1, 1]} : vector<8x128xf32> to vector<1x1xf32>
    %squeeze3A_554 = vector.extract %slice3A_553[0, 0] : f32 from vector<1x1xf32>
    %mul3A_555 = vector.broadcast %squeeze3A_554 : f32 to vector<128x128xf32>
    %mul3A_556 = arith.mulf %squeeze3A, %mul3A_555 : vector<128x128xf32>
    %slice3A_557 = vector.extract_strided_slice %get3A_4 {offsets = [1, 18], sizes = [1, 1], strides = [1, 1]} : vector<8x128xf32> to vector<1x1xf32>
    %squeeze3A_558 = vector.extract %slice3A_557[0, 0] : f32 from vector<1x1xf32>
    %mul3A_559 = vector.broadcast %squeeze3A_558 : f32 to vector<128x128xf32>
    %mul3A_560 = arith.mulf %squeeze3A_9, %mul3A_559 : vector<128x128xf32>
    %add3A_561 = arith.addf %mul3A_556, %mul3A_560 : vector<128x128xf32>
    %slice3A_562 = vector.extract_strided_slice %get3A_4 {offsets = [2, 18], sizes = [1, 1], strides = [1, 1]} : vector<8x128xf32> to vector<1x1xf32>
    %squeeze3A_563 = vector.extract %slice3A_562[0, 0] : f32 from vector<1x1xf32>
    %mul3A_564 = vector.broadcast %squeeze3A_563 : f32 to vector<128x128xf32>
    %mul3A_565 = arith.mulf %squeeze3A_11, %mul3A_564 : vector<128x128xf32>
    %add3A_566 = arith.addf %add3A_561, %mul3A_565 : vector<128x128xf32>
    %slice3A_567 = vector.extract_strided_slice %get3A_4 {offsets = [3, 18], sizes = [1, 1], strides = [1, 1]} : vector<8x128xf32> to vector<1x1xf32>
    %squeeze3A_568 = vector.extract %slice3A_567[0, 0] : f32 from vector<1x1xf32>
    %mul3A_569 = vector.broadcast %squeeze3A_568 : f32 to vector<128x128xf32>
    %mul3A_570 = arith.mulf %squeeze3A_13, %mul3A_569 : vector<128x128xf32>
    %add3A_571 = arith.addf %add3A_566, %mul3A_570 : vector<128x128xf32>
    %slice3A_572 = vector.extract_strided_slice %get3A_7 {offsets = [0, 18], sizes = [1, 1], strides = [1, 1]} : vector<1x128xf32> to vector<1x1xf32>
    %squeeze3A_573 = vector.extract %slice3A_572[0, 0] : f32 from vector<1x1xf32>
    %add3A_574 = vector.broadcast %squeeze3A_573 : f32 to vector<128x128xf32>
    %add3A_575 = arith.addf %add3A_571, %add3A_574 : vector<128x128xf32>
    %max3A_576 = arith.constant 0.000000e+00 : f32
    %max3A_577 = vector.broadcast %max3A_576 : f32 to vector<128x128xf32>
    %max3A_578 = arith.maximumf %add3A_575, %max3A_577 : vector<128x128xf32>
    %mul3A_579 = arith.mulf %max3A_578, %squeeze3A_15 : vector<128x128xf32>
    %dot_general3A_580 = arith.constant dense<0.000000e+00> : vector<128x128xf32>
    %dot_general3A_581 = tpu.matmul %mul3A_579, %broadcast_in_dim3A_16, %dot_general3A_580 {dimension_numbers = #tpu.dot_dimension_numbers<[1], [0], [0], [1], [0, 0, 1, 1], [], []>, precision = #tpu.contract_precision<fp32>, transpose_lhs_hint = false} : vector<128x128xf32>, vector<128x128xf32>, vector<128x128xf32> -> vector<128x128xf32>
    %slice3A_582 = vector.extract_strided_slice %dot_general3A_581 {offsets = [0, 0], sizes = [128, 1], strides = [1, 1]} : vector<128x128xf32> to vector<128x1xf32>
    %slice3A_583 = vector.extract_strided_slice %get3A_4 {offsets = [0, 19], sizes = [1, 1], strides = [1, 1]} : vector<8x128xf32> to vector<1x1xf32>
    %squeeze3A_584 = vector.extract %slice3A_583[0, 0] : f32 from vector<1x1xf32>
    %mul3A_585 = vector.broadcast %squeeze3A_584 : f32 to vector<128x128xf32>
    %mul3A_586 = arith.mulf %squeeze3A, %mul3A_585 : vector<128x128xf32>
    %slice3A_587 = vector.extract_strided_slice %get3A_4 {offsets = [1, 19], sizes = [1, 1], strides = [1, 1]} : vector<8x128xf32> to vector<1x1xf32>
    %squeeze3A_588 = vector.extract %slice3A_587[0, 0] : f32 from vector<1x1xf32>
    %mul3A_589 = vector.broadcast %squeeze3A_588 : f32 to vector<128x128xf32>
    %mul3A_590 = arith.mulf %squeeze3A_9, %mul3A_589 : vector<128x128xf32>
    %add3A_591 = arith.addf %mul3A_586, %mul3A_590 : vector<128x128xf32>
    %slice3A_592 = vector.extract_strided_slice %get3A_4 {offsets = [2, 19], sizes = [1, 1], strides = [1, 1]} : vector<8x128xf32> to vector<1x1xf32>
    %squeeze3A_593 = vector.extract %slice3A_592[0, 0] : f32 from vector<1x1xf32>
    %mul3A_594 = vector.broadcast %squeeze3A_593 : f32 to vector<128x128xf32>
    %mul3A_595 = arith.mulf %squeeze3A_11, %mul3A_594 : vector<128x128xf32>
    %add3A_596 = arith.addf %add3A_591, %mul3A_595 : vector<128x128xf32>
    %slice3A_597 = vector.extract_strided_slice %get3A_4 {offsets = [3, 19], sizes = [1, 1], strides = [1, 1]} : vector<8x128xf32> to vector<1x1xf32>
    %squeeze3A_598 = vector.extract %slice3A_597[0, 0] : f32 from vector<1x1xf32>
    %mul3A_599 = vector.broadcast %squeeze3A_598 : f32 to vector<128x128xf32>
    %mul3A_600 = arith.mulf %squeeze3A_13, %mul3A_599 : vector<128x128xf32>
    %add3A_601 = arith.addf %add3A_596, %mul3A_600 : vector<128x128xf32>
    %slice3A_602 = vector.extract_strided_slice %get3A_7 {offsets = [0, 19], sizes = [1, 1], strides = [1, 1]} : vector<1x128xf32> to vector<1x1xf32>
    %squeeze3A_603 = vector.extract %slice3A_602[0, 0] : f32 from vector<1x1xf32>
    %add3A_604 = vector.broadcast %squeeze3A_603 : f32 to vector<128x128xf32>
    %add3A_605 = arith.addf %add3A_601, %add3A_604 : vector<128x128xf32>
    %max3A_606 = arith.constant 0.000000e+00 : f32
    %max3A_607 = vector.broadcast %max3A_606 : f32 to vector<128x128xf32>
    %max3A_608 = arith.maximumf %add3A_605, %max3A_607 : vector<128x128xf32>
    %mul3A_609 = arith.mulf %max3A_608, %squeeze3A_15 : vector<128x128xf32>
    %dot_general3A_610 = arith.constant dense<0.000000e+00> : vector<128x128xf32>
    %dot_general3A_611 = tpu.matmul %mul3A_609, %broadcast_in_dim3A_16, %dot_general3A_610 {dimension_numbers = #tpu.dot_dimension_numbers<[1], [0], [0], [1], [0, 0, 1, 1], [], []>, precision = #tpu.contract_precision<fp32>, transpose_lhs_hint = false} : vector<128x128xf32>, vector<128x128xf32>, vector<128x128xf32> -> vector<128x128xf32>
    %slice3A_612 = vector.extract_strided_slice %dot_general3A_611 {offsets = [0, 0], sizes = [128, 1], strides = [1, 1]} : vector<128x128xf32> to vector<128x1xf32>
    %slice3A_613 = vector.extract_strided_slice %get3A_4 {offsets = [0, 20], sizes = [1, 1], strides = [1, 1]} : vector<8x128xf32> to vector<1x1xf32>
    %squeeze3A_614 = vector.extract %slice3A_613[0, 0] : f32 from vector<1x1xf32>
    %mul3A_615 = vector.broadcast %squeeze3A_614 : f32 to vector<128x128xf32>
    %mul3A_616 = arith.mulf %squeeze3A, %mul3A_615 : vector<128x128xf32>
    %slice3A_617 = vector.extract_strided_slice %get3A_4 {offsets = [1, 20], sizes = [1, 1], strides = [1, 1]} : vector<8x128xf32> to vector<1x1xf32>
    %squeeze3A_618 = vector.extract %slice3A_617[0, 0] : f32 from vector<1x1xf32>
    %mul3A_619 = vector.broadcast %squeeze3A_618 : f32 to vector<128x128xf32>
    %mul3A_620 = arith.mulf %squeeze3A_9, %mul3A_619 : vector<128x128xf32>
    %add3A_621 = arith.addf %mul3A_616, %mul3A_620 : vector<128x128xf32>
    %slice3A_622 = vector.extract_strided_slice %get3A_4 {offsets = [2, 20], sizes = [1, 1], strides = [1, 1]} : vector<8x128xf32> to vector<1x1xf32>
    %squeeze3A_623 = vector.extract %slice3A_622[0, 0] : f32 from vector<1x1xf32>
    %mul3A_624 = vector.broadcast %squeeze3A_623 : f32 to vector<128x128xf32>
    %mul3A_625 = arith.mulf %squeeze3A_11, %mul3A_624 : vector<128x128xf32>
    %add3A_626 = arith.addf %add3A_621, %mul3A_625 : vector<128x128xf32>
    %slice3A_627 = vector.extract_strided_slice %get3A_4 {offsets = [3, 20], sizes = [1, 1], strides = [1, 1]} : vector<8x128xf32> to vector<1x1xf32>
    %squeeze3A_628 = vector.extract %slice3A_627[0, 0] : f32 from vector<1x1xf32>
    %mul3A_629 = vector.broadcast %squeeze3A_628 : f32 to vector<128x128xf32>
    %mul3A_630 = arith.mulf %squeeze3A_13, %mul3A_629 : vector<128x128xf32>
    %add3A_631 = arith.addf %add3A_626, %mul3A_630 : vector<128x128xf32>
    %slice3A_632 = vector.extract_strided_slice %get3A_7 {offsets = [0, 20], sizes = [1, 1], strides = [1, 1]} : vector<1x128xf32> to vector<1x1xf32>
    %squeeze3A_633 = vector.extract %slice3A_632[0, 0] : f32 from vector<1x1xf32>
    %add3A_634 = vector.broadcast %squeeze3A_633 : f32 to vector<128x128xf32>
    %add3A_635 = arith.addf %add3A_631, %add3A_634 : vector<128x128xf32>
    %max3A_636 = arith.constant 0.000000e+00 : f32
    %max3A_637 = vector.broadcast %max3A_636 : f32 to vector<128x128xf32>
    %max3A_638 = arith.maximumf %add3A_635, %max3A_637 : vector<128x128xf32>
    %mul3A_639 = arith.mulf %max3A_638, %squeeze3A_15 : vector<128x128xf32>
    %dot_general3A_640 = arith.constant dense<0.000000e+00> : vector<128x128xf32>
    %dot_general3A_641 = tpu.matmul %mul3A_639, %broadcast_in_dim3A_16, %dot_general3A_640 {dimension_numbers = #tpu.dot_dimension_numbers<[1], [0], [0], [1], [0, 0, 1, 1], [], []>, precision = #tpu.contract_precision<fp32>, transpose_lhs_hint = false} : vector<128x128xf32>, vector<128x128xf32>, vector<128x128xf32> -> vector<128x128xf32>
    %slice3A_642 = vector.extract_strided_slice %dot_general3A_641 {offsets = [0, 0], sizes = [128, 1], strides = [1, 1]} : vector<128x128xf32> to vector<128x1xf32>
    %slice3A_643 = vector.extract_strided_slice %get3A_4 {offsets = [0, 21], sizes = [1, 1], strides = [1, 1]} : vector<8x128xf32> to vector<1x1xf32>
    %squeeze3A_644 = vector.extract %slice3A_643[0, 0] : f32 from vector<1x1xf32>
    %mul3A_645 = vector.broadcast %squeeze3A_644 : f32 to vector<128x128xf32>
    %mul3A_646 = arith.mulf %squeeze3A, %mul3A_645 : vector<128x128xf32>
    %slice3A_647 = vector.extract_strided_slice %get3A_4 {offsets = [1, 21], sizes = [1, 1], strides = [1, 1]} : vector<8x128xf32> to vector<1x1xf32>
    %squeeze3A_648 = vector.extract %slice3A_647[0, 0] : f32 from vector<1x1xf32>
    %mul3A_649 = vector.broadcast %squeeze3A_648 : f32 to vector<128x128xf32>
    %mul3A_650 = arith.mulf %squeeze3A_9, %mul3A_649 : vector<128x128xf32>
    %add3A_651 = arith.addf %mul3A_646, %mul3A_650 : vector<128x128xf32>
    %slice3A_652 = vector.extract_strided_slice %get3A_4 {offsets = [2, 21], sizes = [1, 1], strides = [1, 1]} : vector<8x128xf32> to vector<1x1xf32>
    %squeeze3A_653 = vector.extract %slice3A_652[0, 0] : f32 from vector<1x1xf32>
    %mul3A_654 = vector.broadcast %squeeze3A_653 : f32 to vector<128x128xf32>
    %mul3A_655 = arith.mulf %squeeze3A_11, %mul3A_654 : vector<128x128xf32>
    %add3A_656 = arith.addf %add3A_651, %mul3A_655 : vector<128x128xf32>
    %slice3A_657 = vector.extract_strided_slice %get3A_4 {offsets = [3, 21], sizes = [1, 1], strides = [1, 1]} : vector<8x128xf32> to vector<1x1xf32>
    %squeeze3A_658 = vector.extract %slice3A_657[0, 0] : f32 from vector<1x1xf32>
    %mul3A_659 = vector.broadcast %squeeze3A_658 : f32 to vector<128x128xf32>
    %mul3A_660 = arith.mulf %squeeze3A_13, %mul3A_659 : vector<128x128xf32>
    %add3A_661 = arith.addf %add3A_656, %mul3A_660 : vector<128x128xf32>
    %slice3A_662 = vector.extract_strided_slice %get3A_7 {offsets = [0, 21], sizes = [1, 1], strides = [1, 1]} : vector<1x128xf32> to vector<1x1xf32>
    %squeeze3A_663 = vector.extract %slice3A_662[0, 0] : f32 from vector<1x1xf32>
    %add3A_664 = vector.broadcast %squeeze3A_663 : f32 to vector<128x128xf32>
    %add3A_665 = arith.addf %add3A_661, %add3A_664 : vector<128x128xf32>
    %max3A_666 = arith.constant 0.000000e+00 : f32
    %max3A_667 = vector.broadcast %max3A_666 : f32 to vector<128x128xf32>
    %max3A_668 = arith.maximumf %add3A_665, %max3A_667 : vector<128x128xf32>
    %mul3A_669 = arith.mulf %max3A_668, %squeeze3A_15 : vector<128x128xf32>
    %dot_general3A_670 = arith.constant dense<0.000000e+00> : vector<128x128xf32>
    %dot_general3A_671 = tpu.matmul %mul3A_669, %broadcast_in_dim3A_16, %dot_general3A_670 {dimension_numbers = #tpu.dot_dimension_numbers<[1], [0], [0], [1], [0, 0, 1, 1], [], []>, precision = #tpu.contract_precision<fp32>, transpose_lhs_hint = false} : vector<128x128xf32>, vector<128x128xf32>, vector<128x128xf32> -> vector<128x128xf32>
    %slice3A_672 = vector.extract_strided_slice %dot_general3A_671 {offsets = [0, 0], sizes = [128, 1], strides = [1, 1]} : vector<128x128xf32> to vector<128x1xf32>
    %slice3A_673 = vector.extract_strided_slice %get3A_4 {offsets = [0, 22], sizes = [1, 1], strides = [1, 1]} : vector<8x128xf32> to vector<1x1xf32>
    %squeeze3A_674 = vector.extract %slice3A_673[0, 0] : f32 from vector<1x1xf32>
    %mul3A_675 = vector.broadcast %squeeze3A_674 : f32 to vector<128x128xf32>
    %mul3A_676 = arith.mulf %squeeze3A, %mul3A_675 : vector<128x128xf32>
    %slice3A_677 = vector.extract_strided_slice %get3A_4 {offsets = [1, 22], sizes = [1, 1], strides = [1, 1]} : vector<8x128xf32> to vector<1x1xf32>
    %squeeze3A_678 = vector.extract %slice3A_677[0, 0] : f32 from vector<1x1xf32>
    %mul3A_679 = vector.broadcast %squeeze3A_678 : f32 to vector<128x128xf32>
    %mul3A_680 = arith.mulf %squeeze3A_9, %mul3A_679 : vector<128x128xf32>
    %add3A_681 = arith.addf %mul3A_676, %mul3A_680 : vector<128x128xf32>
    %slice3A_682 = vector.extract_strided_slice %get3A_4 {offsets = [2, 22], sizes = [1, 1], strides = [1, 1]} : vector<8x128xf32> to vector<1x1xf32>
    %squeeze3A_683 = vector.extract %slice3A_682[0, 0] : f32 from vector<1x1xf32>
    %mul3A_684 = vector.broadcast %squeeze3A_683 : f32 to vector<128x128xf32>
    %mul3A_685 = arith.mulf %squeeze3A_11, %mul3A_684 : vector<128x128xf32>
    %add3A_686 = arith.addf %add3A_681, %mul3A_685 : vector<128x128xf32>
    %slice3A_687 = vector.extract_strided_slice %get3A_4 {offsets = [3, 22], sizes = [1, 1], strides = [1, 1]} : vector<8x128xf32> to vector<1x1xf32>
    %squeeze3A_688 = vector.extract %slice3A_687[0, 0] : f32 from vector<1x1xf32>
    %mul3A_689 = vector.broadcast %squeeze3A_688 : f32 to vector<128x128xf32>
    %mul3A_690 = arith.mulf %squeeze3A_13, %mul3A_689 : vector<128x128xf32>
    %add3A_691 = arith.addf %add3A_686, %mul3A_690 : vector<128x128xf32>
    %slice3A_692 = vector.extract_strided_slice %get3A_7 {offsets = [0, 22], sizes = [1, 1], strides = [1, 1]} : vector<1x128xf32> to vector<1x1xf32>
    %squeeze3A_693 = vector.extract %slice3A_692[0, 0] : f32 from vector<1x1xf32>
    %add3A_694 = vector.broadcast %squeeze3A_693 : f32 to vector<128x128xf32>
    %add3A_695 = arith.addf %add3A_691, %add3A_694 : vector<128x128xf32>
    %max3A_696 = arith.constant 0.000000e+00 : f32
    %max3A_697 = vector.broadcast %max3A_696 : f32 to vector<128x128xf32>
    %max3A_698 = arith.maximumf %add3A_695, %max3A_697 : vector<128x128xf32>
    %mul3A_699 = arith.mulf %max3A_698, %squeeze3A_15 : vector<128x128xf32>
    %dot_general3A_700 = arith.constant dense<0.000000e+00> : vector<128x128xf32>
    %dot_general3A_701 = tpu.matmul %mul3A_699, %broadcast_in_dim3A_16, %dot_general3A_700 {dimension_numbers = #tpu.dot_dimension_numbers<[1], [0], [0], [1], [0, 0, 1, 1], [], []>, precision = #tpu.contract_precision<fp32>, transpose_lhs_hint = false} : vector<128x128xf32>, vector<128x128xf32>, vector<128x128xf32> -> vector<128x128xf32>
    %slice3A_702 = vector.extract_strided_slice %dot_general3A_701 {offsets = [0, 0], sizes = [128, 1], strides = [1, 1]} : vector<128x128xf32> to vector<128x1xf32>
    %slice3A_703 = vector.extract_strided_slice %get3A_4 {offsets = [0, 23], sizes = [1, 1], strides = [1, 1]} : vector<8x128xf32> to vector<1x1xf32>
    %squeeze3A_704 = vector.extract %slice3A_703[0, 0] : f32 from vector<1x1xf32>
    %mul3A_705 = vector.broadcast %squeeze3A_704 : f32 to vector<128x128xf32>
    %mul3A_706 = arith.mulf %squeeze3A, %mul3A_705 : vector<128x128xf32>
    %slice3A_707 = vector.extract_strided_slice %get3A_4 {offsets = [1, 23], sizes = [1, 1], strides = [1, 1]} : vector<8x128xf32> to vector<1x1xf32>
    %squeeze3A_708 = vector.extract %slice3A_707[0, 0] : f32 from vector<1x1xf32>
    %mul3A_709 = vector.broadcast %squeeze3A_708 : f32 to vector<128x128xf32>
    %mul3A_710 = arith.mulf %squeeze3A_9, %mul3A_709 : vector<128x128xf32>
    %add3A_711 = arith.addf %mul3A_706, %mul3A_710 : vector<128x128xf32>
    %slice3A_712 = vector.extract_strided_slice %get3A_4 {offsets = [2, 23], sizes = [1, 1], strides = [1, 1]} : vector<8x128xf32> to vector<1x1xf32>
    %squeeze3A_713 = vector.extract %slice3A_712[0, 0] : f32 from vector<1x1xf32>
    %mul3A_714 = vector.broadcast %squeeze3A_713 : f32 to vector<128x128xf32>
    %mul3A_715 = arith.mulf %squeeze3A_11, %mul3A_714 : vector<128x128xf32>
    %add3A_716 = arith.addf %add3A_711, %mul3A_715 : vector<128x128xf32>
    %slice3A_717 = vector.extract_strided_slice %get3A_4 {offsets = [3, 23], sizes = [1, 1], strides = [1, 1]} : vector<8x128xf32> to vector<1x1xf32>
    %squeeze3A_718 = vector.extract %slice3A_717[0, 0] : f32 from vector<1x1xf32>
    %mul3A_719 = vector.broadcast %squeeze3A_718 : f32 to vector<128x128xf32>
    %mul3A_720 = arith.mulf %squeeze3A_13, %mul3A_719 : vector<128x128xf32>
    %add3A_721 = arith.addf %add3A_716, %mul3A_720 : vector<128x128xf32>
    %slice3A_722 = vector.extract_strided_slice %get3A_7 {offsets = [0, 23], sizes = [1, 1], strides = [1, 1]} : vector<1x128xf32> to vector<1x1xf32>
    %squeeze3A_723 = vector.extract %slice3A_722[0, 0] : f32 from vector<1x1xf32>
    %add3A_724 = vector.broadcast %squeeze3A_723 : f32 to vector<128x128xf32>
    %add3A_725 = arith.addf %add3A_721, %add3A_724 : vector<128x128xf32>
    %max3A_726 = arith.constant 0.000000e+00 : f32
    %max3A_727 = vector.broadcast %max3A_726 : f32 to vector<128x128xf32>
    %max3A_728 = arith.maximumf %add3A_725, %max3A_727 : vector<128x128xf32>
    %mul3A_729 = arith.mulf %max3A_728, %squeeze3A_15 : vector<128x128xf32>
    %dot_general3A_730 = arith.constant dense<0.000000e+00> : vector<128x128xf32>
    %dot_general3A_731 = tpu.matmul %mul3A_729, %broadcast_in_dim3A_16, %dot_general3A_730 {dimension_numbers = #tpu.dot_dimension_numbers<[1], [0], [0], [1], [0, 0, 1, 1], [], []>, precision = #tpu.contract_precision<fp32>, transpose_lhs_hint = false} : vector<128x128xf32>, vector<128x128xf32>, vector<128x128xf32> -> vector<128x128xf32>
    %slice3A_732 = vector.extract_strided_slice %dot_general3A_731 {offsets = [0, 0], sizes = [128, 1], strides = [1, 1]} : vector<128x128xf32> to vector<128x1xf32>
    %slice3A_733 = vector.extract_strided_slice %get3A_4 {offsets = [0, 24], sizes = [1, 1], strides = [1, 1]} : vector<8x128xf32> to vector<1x1xf32>
    %squeeze3A_734 = vector.extract %slice3A_733[0, 0] : f32 from vector<1x1xf32>
    %mul3A_735 = vector.broadcast %squeeze3A_734 : f32 to vector<128x128xf32>
    %mul3A_736 = arith.mulf %squeeze3A, %mul3A_735 : vector<128x128xf32>
    %slice3A_737 = vector.extract_strided_slice %get3A_4 {offsets = [1, 24], sizes = [1, 1], strides = [1, 1]} : vector<8x128xf32> to vector<1x1xf32>
    %squeeze3A_738 = vector.extract %slice3A_737[0, 0] : f32 from vector<1x1xf32>
    %mul3A_739 = vector.broadcast %squeeze3A_738 : f32 to vector<128x128xf32>
    %mul3A_740 = arith.mulf %squeeze3A_9, %mul3A_739 : vector<128x128xf32>
    %add3A_741 = arith.addf %mul3A_736, %mul3A_740 : vector<128x128xf32>
    %slice3A_742 = vector.extract_strided_slice %get3A_4 {offsets = [2, 24], sizes = [1, 1], strides = [1, 1]} : vector<8x128xf32> to vector<1x1xf32>
    %squeeze3A_743 = vector.extract %slice3A_742[0, 0] : f32 from vector<1x1xf32>
    %mul3A_744 = vector.broadcast %squeeze3A_743 : f32 to vector<128x128xf32>
    %mul3A_745 = arith.mulf %squeeze3A_11, %mul3A_744 : vector<128x128xf32>
    %add3A_746 = arith.addf %add3A_741, %mul3A_745 : vector<128x128xf32>
    %slice3A_747 = vector.extract_strided_slice %get3A_4 {offsets = [3, 24], sizes = [1, 1], strides = [1, 1]} : vector<8x128xf32> to vector<1x1xf32>
    %squeeze3A_748 = vector.extract %slice3A_747[0, 0] : f32 from vector<1x1xf32>
    %mul3A_749 = vector.broadcast %squeeze3A_748 : f32 to vector<128x128xf32>
    %mul3A_750 = arith.mulf %squeeze3A_13, %mul3A_749 : vector<128x128xf32>
    %add3A_751 = arith.addf %add3A_746, %mul3A_750 : vector<128x128xf32>
    %slice3A_752 = vector.extract_strided_slice %get3A_7 {offsets = [0, 24], sizes = [1, 1], strides = [1, 1]} : vector<1x128xf32> to vector<1x1xf32>
    %squeeze3A_753 = vector.extract %slice3A_752[0, 0] : f32 from vector<1x1xf32>
    %add3A_754 = vector.broadcast %squeeze3A_753 : f32 to vector<128x128xf32>
    %add3A_755 = arith.addf %add3A_751, %add3A_754 : vector<128x128xf32>
    %max3A_756 = arith.constant 0.000000e+00 : f32
    %max3A_757 = vector.broadcast %max3A_756 : f32 to vector<128x128xf32>
    %max3A_758 = arith.maximumf %add3A_755, %max3A_757 : vector<128x128xf32>
    %mul3A_759 = arith.mulf %max3A_758, %squeeze3A_15 : vector<128x128xf32>
    %dot_general3A_760 = arith.constant dense<0.000000e+00> : vector<128x128xf32>
    %dot_general3A_761 = tpu.matmul %mul3A_759, %broadcast_in_dim3A_16, %dot_general3A_760 {dimension_numbers = #tpu.dot_dimension_numbers<[1], [0], [0], [1], [0, 0, 1, 1], [], []>, precision = #tpu.contract_precision<fp32>, transpose_lhs_hint = false} : vector<128x128xf32>, vector<128x128xf32>, vector<128x128xf32> -> vector<128x128xf32>
    %slice3A_762 = vector.extract_strided_slice %dot_general3A_761 {offsets = [0, 0], sizes = [128, 1], strides = [1, 1]} : vector<128x128xf32> to vector<128x1xf32>
    %slice3A_763 = vector.extract_strided_slice %get3A_4 {offsets = [0, 25], sizes = [1, 1], strides = [1, 1]} : vector<8x128xf32> to vector<1x1xf32>
    %squeeze3A_764 = vector.extract %slice3A_763[0, 0] : f32 from vector<1x1xf32>
    %mul3A_765 = vector.broadcast %squeeze3A_764 : f32 to vector<128x128xf32>
    %mul3A_766 = arith.mulf %squeeze3A, %mul3A_765 : vector<128x128xf32>
    %slice3A_767 = vector.extract_strided_slice %get3A_4 {offsets = [1, 25], sizes = [1, 1], strides = [1, 1]} : vector<8x128xf32> to vector<1x1xf32>
    %squeeze3A_768 = vector.extract %slice3A_767[0, 0] : f32 from vector<1x1xf32>
    %mul3A_769 = vector.broadcast %squeeze3A_768 : f32 to vector<128x128xf32>
    %mul3A_770 = arith.mulf %squeeze3A_9, %mul3A_769 : vector<128x128xf32>
    %add3A_771 = arith.addf %mul3A_766, %mul3A_770 : vector<128x128xf32>
    %slice3A_772 = vector.extract_strided_slice %get3A_4 {offsets = [2, 25], sizes = [1, 1], strides = [1, 1]} : vector<8x128xf32> to vector<1x1xf32>
    %squeeze3A_773 = vector.extract %slice3A_772[0, 0] : f32 from vector<1x1xf32>
    %mul3A_774 = vector.broadcast %squeeze3A_773 : f32 to vector<128x128xf32>
    %mul3A_775 = arith.mulf %squeeze3A_11, %mul3A_774 : vector<128x128xf32>
    %add3A_776 = arith.addf %add3A_771, %mul3A_775 : vector<128x128xf32>
    %slice3A_777 = vector.extract_strided_slice %get3A_4 {offsets = [3, 25], sizes = [1, 1], strides = [1, 1]} : vector<8x128xf32> to vector<1x1xf32>
    %squeeze3A_778 = vector.extract %slice3A_777[0, 0] : f32 from vector<1x1xf32>
    %mul3A_779 = vector.broadcast %squeeze3A_778 : f32 to vector<128x128xf32>
    %mul3A_780 = arith.mulf %squeeze3A_13, %mul3A_779 : vector<128x128xf32>
    %add3A_781 = arith.addf %add3A_776, %mul3A_780 : vector<128x128xf32>
    %slice3A_782 = vector.extract_strided_slice %get3A_7 {offsets = [0, 25], sizes = [1, 1], strides = [1, 1]} : vector<1x128xf32> to vector<1x1xf32>
    %squeeze3A_783 = vector.extract %slice3A_782[0, 0] : f32 from vector<1x1xf32>
    %add3A_784 = vector.broadcast %squeeze3A_783 : f32 to vector<128x128xf32>
    %add3A_785 = arith.addf %add3A_781, %add3A_784 : vector<128x128xf32>
    %max3A_786 = arith.constant 0.000000e+00 : f32
    %max3A_787 = vector.broadcast %max3A_786 : f32 to vector<128x128xf32>
    %max3A_788 = arith.maximumf %add3A_785, %max3A_787 : vector<128x128xf32>
    %mul3A_789 = arith.mulf %max3A_788, %squeeze3A_15 : vector<128x128xf32>
    %dot_general3A_790 = arith.constant dense<0.000000e+00> : vector<128x128xf32>
    %dot_general3A_791 = tpu.matmul %mul3A_789, %broadcast_in_dim3A_16, %dot_general3A_790 {dimension_numbers = #tpu.dot_dimension_numbers<[1], [0], [0], [1], [0, 0, 1, 1], [], []>, precision = #tpu.contract_precision<fp32>, transpose_lhs_hint = false} : vector<128x128xf32>, vector<128x128xf32>, vector<128x128xf32> -> vector<128x128xf32>
    %slice3A_792 = vector.extract_strided_slice %dot_general3A_791 {offsets = [0, 0], sizes = [128, 1], strides = [1, 1]} : vector<128x128xf32> to vector<128x1xf32>
    %slice3A_793 = vector.extract_strided_slice %get3A_4 {offsets = [0, 26], sizes = [1, 1], strides = [1, 1]} : vector<8x128xf32> to vector<1x1xf32>
    %squeeze3A_794 = vector.extract %slice3A_793[0, 0] : f32 from vector<1x1xf32>
    %mul3A_795 = vector.broadcast %squeeze3A_794 : f32 to vector<128x128xf32>
    %mul3A_796 = arith.mulf %squeeze3A, %mul3A_795 : vector<128x128xf32>
    %slice3A_797 = vector.extract_strided_slice %get3A_4 {offsets = [1, 26], sizes = [1, 1], strides = [1, 1]} : vector<8x128xf32> to vector<1x1xf32>
    %squeeze3A_798 = vector.extract %slice3A_797[0, 0] : f32 from vector<1x1xf32>
    %mul3A_799 = vector.broadcast %squeeze3A_798 : f32 to vector<128x128xf32>
    %mul3A_800 = arith.mulf %squeeze3A_9, %mul3A_799 : vector<128x128xf32>
    %add3A_801 = arith.addf %mul3A_796, %mul3A_800 : vector<128x128xf32>
    %slice3A_802 = vector.extract_strided_slice %get3A_4 {offsets = [2, 26], sizes = [1, 1], strides = [1, 1]} : vector<8x128xf32> to vector<1x1xf32>
    %squeeze3A_803 = vector.extract %slice3A_802[0, 0] : f32 from vector<1x1xf32>
    %mul3A_804 = vector.broadcast %squeeze3A_803 : f32 to vector<128x128xf32>
    %mul3A_805 = arith.mulf %squeeze3A_11, %mul3A_804 : vector<128x128xf32>
    %add3A_806 = arith.addf %add3A_801, %mul3A_805 : vector<128x128xf32>
    %slice3A_807 = vector.extract_strided_slice %get3A_4 {offsets = [3, 26], sizes = [1, 1], strides = [1, 1]} : vector<8x128xf32> to vector<1x1xf32>
    %squeeze3A_808 = vector.extract %slice3A_807[0, 0] : f32 from vector<1x1xf32>
    %mul3A_809 = vector.broadcast %squeeze3A_808 : f32 to vector<128x128xf32>
    %mul3A_810 = arith.mulf %squeeze3A_13, %mul3A_809 : vector<128x128xf32>
    %add3A_811 = arith.addf %add3A_806, %mul3A_810 : vector<128x128xf32>
    %slice3A_812 = vector.extract_strided_slice %get3A_7 {offsets = [0, 26], sizes = [1, 1], strides = [1, 1]} : vector<1x128xf32> to vector<1x1xf32>
    %squeeze3A_813 = vector.extract %slice3A_812[0, 0] : f32 from vector<1x1xf32>
    %add3A_814 = vector.broadcast %squeeze3A_813 : f32 to vector<128x128xf32>
    %add3A_815 = arith.addf %add3A_811, %add3A_814 : vector<128x128xf32>
    %max3A_816 = arith.constant 0.000000e+00 : f32
    %max3A_817 = vector.broadcast %max3A_816 : f32 to vector<128x128xf32>
    %max3A_818 = arith.maximumf %add3A_815, %max3A_817 : vector<128x128xf32>
    %mul3A_819 = arith.mulf %max3A_818, %squeeze3A_15 : vector<128x128xf32>
    %dot_general3A_820 = arith.constant dense<0.000000e+00> : vector<128x128xf32>
    %dot_general3A_821 = tpu.matmul %mul3A_819, %broadcast_in_dim3A_16, %dot_general3A_820 {dimension_numbers = #tpu.dot_dimension_numbers<[1], [0], [0], [1], [0, 0, 1, 1], [], []>, precision = #tpu.contract_precision<fp32>, transpose_lhs_hint = false} : vector<128x128xf32>, vector<128x128xf32>, vector<128x128xf32> -> vector<128x128xf32>
    %slice3A_822 = vector.extract_strided_slice %dot_general3A_821 {offsets = [0, 0], sizes = [128, 1], strides = [1, 1]} : vector<128x128xf32> to vector<128x1xf32>
    %slice3A_823 = vector.extract_strided_slice %get3A_4 {offsets = [0, 27], sizes = [1, 1], strides = [1, 1]} : vector<8x128xf32> to vector<1x1xf32>
    %squeeze3A_824 = vector.extract %slice3A_823[0, 0] : f32 from vector<1x1xf32>
    %mul3A_825 = vector.broadcast %squeeze3A_824 : f32 to vector<128x128xf32>
    %mul3A_826 = arith.mulf %squeeze3A, %mul3A_825 : vector<128x128xf32>
    %slice3A_827 = vector.extract_strided_slice %get3A_4 {offsets = [1, 27], sizes = [1, 1], strides = [1, 1]} : vector<8x128xf32> to vector<1x1xf32>
    %squeeze3A_828 = vector.extract %slice3A_827[0, 0] : f32 from vector<1x1xf32>
    %mul3A_829 = vector.broadcast %squeeze3A_828 : f32 to vector<128x128xf32>
    %mul3A_830 = arith.mulf %squeeze3A_9, %mul3A_829 : vector<128x128xf32>
    %add3A_831 = arith.addf %mul3A_826, %mul3A_830 : vector<128x128xf32>
    %slice3A_832 = vector.extract_strided_slice %get3A_4 {offsets = [2, 27], sizes = [1, 1], strides = [1, 1]} : vector<8x128xf32> to vector<1x1xf32>
    %squeeze3A_833 = vector.extract %slice3A_832[0, 0] : f32 from vector<1x1xf32>
    %mul3A_834 = vector.broadcast %squeeze3A_833 : f32 to vector<128x128xf32>
    %mul3A_835 = arith.mulf %squeeze3A_11, %mul3A_834 : vector<128x128xf32>
    %add3A_836 = arith.addf %add3A_831, %mul3A_835 : vector<128x128xf32>
    %slice3A_837 = vector.extract_strided_slice %get3A_4 {offsets = [3, 27], sizes = [1, 1], strides = [1, 1]} : vector<8x128xf32> to vector<1x1xf32>
    %squeeze3A_838 = vector.extract %slice3A_837[0, 0] : f32 from vector<1x1xf32>
    %mul3A_839 = vector.broadcast %squeeze3A_838 : f32 to vector<128x128xf32>
    %mul3A_840 = arith.mulf %squeeze3A_13, %mul3A_839 : vector<128x128xf32>
    %add3A_841 = arith.addf %add3A_836, %mul3A_840 : vector<128x128xf32>
    %slice3A_842 = vector.extract_strided_slice %get3A_7 {offsets = [0, 27], sizes = [1, 1], strides = [1, 1]} : vector<1x128xf32> to vector<1x1xf32>
    %squeeze3A_843 = vector.extract %slice3A_842[0, 0] : f32 from vector<1x1xf32>
    %add3A_844 = vector.broadcast %squeeze3A_843 : f32 to vector<128x128xf32>
    %add3A_845 = arith.addf %add3A_841, %add3A_844 : vector<128x128xf32>
    %max3A_846 = arith.constant 0.000000e+00 : f32
    %max3A_847 = vector.broadcast %max3A_846 : f32 to vector<128x128xf32>
    %max3A_848 = arith.maximumf %add3A_845, %max3A_847 : vector<128x128xf32>
    %mul3A_849 = arith.mulf %max3A_848, %squeeze3A_15 : vector<128x128xf32>
    %dot_general3A_850 = arith.constant dense<0.000000e+00> : vector<128x128xf32>
    %dot_general3A_851 = tpu.matmul %mul3A_849, %broadcast_in_dim3A_16, %dot_general3A_850 {dimension_numbers = #tpu.dot_dimension_numbers<[1], [0], [0], [1], [0, 0, 1, 1], [], []>, precision = #tpu.contract_precision<fp32>, transpose_lhs_hint = false} : vector<128x128xf32>, vector<128x128xf32>, vector<128x128xf32> -> vector<128x128xf32>
    %slice3A_852 = vector.extract_strided_slice %dot_general3A_851 {offsets = [0, 0], sizes = [128, 1], strides = [1, 1]} : vector<128x128xf32> to vector<128x1xf32>
    %slice3A_853 = vector.extract_strided_slice %get3A_4 {offsets = [0, 28], sizes = [1, 1], strides = [1, 1]} : vector<8x128xf32> to vector<1x1xf32>
    %squeeze3A_854 = vector.extract %slice3A_853[0, 0] : f32 from vector<1x1xf32>
    %mul3A_855 = vector.broadcast %squeeze3A_854 : f32 to vector<128x128xf32>
    %mul3A_856 = arith.mulf %squeeze3A, %mul3A_855 : vector<128x128xf32>
    %slice3A_857 = vector.extract_strided_slice %get3A_4 {offsets = [1, 28], sizes = [1, 1], strides = [1, 1]} : vector<8x128xf32> to vector<1x1xf32>
    %squeeze3A_858 = vector.extract %slice3A_857[0, 0] : f32 from vector<1x1xf32>
    %mul3A_859 = vector.broadcast %squeeze3A_858 : f32 to vector<128x128xf32>
    %mul3A_860 = arith.mulf %squeeze3A_9, %mul3A_859 : vector<128x128xf32>
    %add3A_861 = arith.addf %mul3A_856, %mul3A_860 : vector<128x128xf32>
    %slice3A_862 = vector.extract_strided_slice %get3A_4 {offsets = [2, 28], sizes = [1, 1], strides = [1, 1]} : vector<8x128xf32> to vector<1x1xf32>
    %squeeze3A_863 = vector.extract %slice3A_862[0, 0] : f32 from vector<1x1xf32>
    %mul3A_864 = vector.broadcast %squeeze3A_863 : f32 to vector<128x128xf32>
    %mul3A_865 = arith.mulf %squeeze3A_11, %mul3A_864 : vector<128x128xf32>
    %add3A_866 = arith.addf %add3A_861, %mul3A_865 : vector<128x128xf32>
    %slice3A_867 = vector.extract_strided_slice %get3A_4 {offsets = [3, 28], sizes = [1, 1], strides = [1, 1]} : vector<8x128xf32> to vector<1x1xf32>
    %squeeze3A_868 = vector.extract %slice3A_867[0, 0] : f32 from vector<1x1xf32>
    %mul3A_869 = vector.broadcast %squeeze3A_868 : f32 to vector<128x128xf32>
    %mul3A_870 = arith.mulf %squeeze3A_13, %mul3A_869 : vector<128x128xf32>
    %add3A_871 = arith.addf %add3A_866, %mul3A_870 : vector<128x128xf32>
    %slice3A_872 = vector.extract_strided_slice %get3A_7 {offsets = [0, 28], sizes = [1, 1], strides = [1, 1]} : vector<1x128xf32> to vector<1x1xf32>
    %squeeze3A_873 = vector.extract %slice3A_872[0, 0] : f32 from vector<1x1xf32>
    %add3A_874 = vector.broadcast %squeeze3A_873 : f32 to vector<128x128xf32>
    %add3A_875 = arith.addf %add3A_871, %add3A_874 : vector<128x128xf32>
    %max3A_876 = arith.constant 0.000000e+00 : f32
    %max3A_877 = vector.broadcast %max3A_876 : f32 to vector<128x128xf32>
    %max3A_878 = arith.maximumf %add3A_875, %max3A_877 : vector<128x128xf32>
    %mul3A_879 = arith.mulf %max3A_878, %squeeze3A_15 : vector<128x128xf32>
    %dot_general3A_880 = arith.constant dense<0.000000e+00> : vector<128x128xf32>
    %dot_general3A_881 = tpu.matmul %mul3A_879, %broadcast_in_dim3A_16, %dot_general3A_880 {dimension_numbers = #tpu.dot_dimension_numbers<[1], [0], [0], [1], [0, 0, 1, 1], [], []>, precision = #tpu.contract_precision<fp32>, transpose_lhs_hint = false} : vector<128x128xf32>, vector<128x128xf32>, vector<128x128xf32> -> vector<128x128xf32>
    %slice3A_882 = vector.extract_strided_slice %dot_general3A_881 {offsets = [0, 0], sizes = [128, 1], strides = [1, 1]} : vector<128x128xf32> to vector<128x1xf32>
    %slice3A_883 = vector.extract_strided_slice %get3A_4 {offsets = [0, 29], sizes = [1, 1], strides = [1, 1]} : vector<8x128xf32> to vector<1x1xf32>
    %squeeze3A_884 = vector.extract %slice3A_883[0, 0] : f32 from vector<1x1xf32>
    %mul3A_885 = vector.broadcast %squeeze3A_884 : f32 to vector<128x128xf32>
    %mul3A_886 = arith.mulf %squeeze3A, %mul3A_885 : vector<128x128xf32>
    %slice3A_887 = vector.extract_strided_slice %get3A_4 {offsets = [1, 29], sizes = [1, 1], strides = [1, 1]} : vector<8x128xf32> to vector<1x1xf32>
    %squeeze3A_888 = vector.extract %slice3A_887[0, 0] : f32 from vector<1x1xf32>
    %mul3A_889 = vector.broadcast %squeeze3A_888 : f32 to vector<128x128xf32>
    %mul3A_890 = arith.mulf %squeeze3A_9, %mul3A_889 : vector<128x128xf32>
    %add3A_891 = arith.addf %mul3A_886, %mul3A_890 : vector<128x128xf32>
    %slice3A_892 = vector.extract_strided_slice %get3A_4 {offsets = [2, 29], sizes = [1, 1], strides = [1, 1]} : vector<8x128xf32> to vector<1x1xf32>
    %squeeze3A_893 = vector.extract %slice3A_892[0, 0] : f32 from vector<1x1xf32>
    %mul3A_894 = vector.broadcast %squeeze3A_893 : f32 to vector<128x128xf32>
    %mul3A_895 = arith.mulf %squeeze3A_11, %mul3A_894 : vector<128x128xf32>
    %add3A_896 = arith.addf %add3A_891, %mul3A_895 : vector<128x128xf32>
    %slice3A_897 = vector.extract_strided_slice %get3A_4 {offsets = [3, 29], sizes = [1, 1], strides = [1, 1]} : vector<8x128xf32> to vector<1x1xf32>
    %squeeze3A_898 = vector.extract %slice3A_897[0, 0] : f32 from vector<1x1xf32>
    %mul3A_899 = vector.broadcast %squeeze3A_898 : f32 to vector<128x128xf32>
    %mul3A_900 = arith.mulf %squeeze3A_13, %mul3A_899 : vector<128x128xf32>
    %add3A_901 = arith.addf %add3A_896, %mul3A_900 : vector<128x128xf32>
    %slice3A_902 = vector.extract_strided_slice %get3A_7 {offsets = [0, 29], sizes = [1, 1], strides = [1, 1]} : vector<1x128xf32> to vector<1x1xf32>
    %squeeze3A_903 = vector.extract %slice3A_902[0, 0] : f32 from vector<1x1xf32>
    %add3A_904 = vector.broadcast %squeeze3A_903 : f32 to vector<128x128xf32>
    %add3A_905 = arith.addf %add3A_901, %add3A_904 : vector<128x128xf32>
    %max3A_906 = arith.constant 0.000000e+00 : f32
    %max3A_907 = vector.broadcast %max3A_906 : f32 to vector<128x128xf32>
    %max3A_908 = arith.maximumf %add3A_905, %max3A_907 : vector<128x128xf32>
    %mul3A_909 = arith.mulf %max3A_908, %squeeze3A_15 : vector<128x128xf32>
    %dot_general3A_910 = arith.constant dense<0.000000e+00> : vector<128x128xf32>
    %dot_general3A_911 = tpu.matmul %mul3A_909, %broadcast_in_dim3A_16, %dot_general3A_910 {dimension_numbers = #tpu.dot_dimension_numbers<[1], [0], [0], [1], [0, 0, 1, 1], [], []>, precision = #tpu.contract_precision<fp32>, transpose_lhs_hint = false} : vector<128x128xf32>, vector<128x128xf32>, vector<128x128xf32> -> vector<128x128xf32>
    %slice3A_912 = vector.extract_strided_slice %dot_general3A_911 {offsets = [0, 0], sizes = [128, 1], strides = [1, 1]} : vector<128x128xf32> to vector<128x1xf32>
    %slice3A_913 = vector.extract_strided_slice %get3A_4 {offsets = [0, 30], sizes = [1, 1], strides = [1, 1]} : vector<8x128xf32> to vector<1x1xf32>
    %squeeze3A_914 = vector.extract %slice3A_913[0, 0] : f32 from vector<1x1xf32>
    %mul3A_915 = vector.broadcast %squeeze3A_914 : f32 to vector<128x128xf32>
    %mul3A_916 = arith.mulf %squeeze3A, %mul3A_915 : vector<128x128xf32>
    %slice3A_917 = vector.extract_strided_slice %get3A_4 {offsets = [1, 30], sizes = [1, 1], strides = [1, 1]} : vector<8x128xf32> to vector<1x1xf32>
    %squeeze3A_918 = vector.extract %slice3A_917[0, 0] : f32 from vector<1x1xf32>
    %mul3A_919 = vector.broadcast %squeeze3A_918 : f32 to vector<128x128xf32>
    %mul3A_920 = arith.mulf %squeeze3A_9, %mul3A_919 : vector<128x128xf32>
    %add3A_921 = arith.addf %mul3A_916, %mul3A_920 : vector<128x128xf32>
    %slice3A_922 = vector.extract_strided_slice %get3A_4 {offsets = [2, 30], sizes = [1, 1], strides = [1, 1]} : vector<8x128xf32> to vector<1x1xf32>
    %squeeze3A_923 = vector.extract %slice3A_922[0, 0] : f32 from vector<1x1xf32>
    %mul3A_924 = vector.broadcast %squeeze3A_923 : f32 to vector<128x128xf32>
    %mul3A_925 = arith.mulf %squeeze3A_11, %mul3A_924 : vector<128x128xf32>
    %add3A_926 = arith.addf %add3A_921, %mul3A_925 : vector<128x128xf32>
    %slice3A_927 = vector.extract_strided_slice %get3A_4 {offsets = [3, 30], sizes = [1, 1], strides = [1, 1]} : vector<8x128xf32> to vector<1x1xf32>
    %squeeze3A_928 = vector.extract %slice3A_927[0, 0] : f32 from vector<1x1xf32>
    %mul3A_929 = vector.broadcast %squeeze3A_928 : f32 to vector<128x128xf32>
    %mul3A_930 = arith.mulf %squeeze3A_13, %mul3A_929 : vector<128x128xf32>
    %add3A_931 = arith.addf %add3A_926, %mul3A_930 : vector<128x128xf32>
    %slice3A_932 = vector.extract_strided_slice %get3A_7 {offsets = [0, 30], sizes = [1, 1], strides = [1, 1]} : vector<1x128xf32> to vector<1x1xf32>
    %squeeze3A_933 = vector.extract %slice3A_932[0, 0] : f32 from vector<1x1xf32>
    %add3A_934 = vector.broadcast %squeeze3A_933 : f32 to vector<128x128xf32>
    %add3A_935 = arith.addf %add3A_931, %add3A_934 : vector<128x128xf32>
    %max3A_936 = arith.constant 0.000000e+00 : f32
    %max3A_937 = vector.broadcast %max3A_936 : f32 to vector<128x128xf32>
    %max3A_938 = arith.maximumf %add3A_935, %max3A_937 : vector<128x128xf32>
    %mul3A_939 = arith.mulf %max3A_938, %squeeze3A_15 : vector<128x128xf32>
    %dot_general3A_940 = arith.constant dense<0.000000e+00> : vector<128x128xf32>
    %dot_general3A_941 = tpu.matmul %mul3A_939, %broadcast_in_dim3A_16, %dot_general3A_940 {dimension_numbers = #tpu.dot_dimension_numbers<[1], [0], [0], [1], [0, 0, 1, 1], [], []>, precision = #tpu.contract_precision<fp32>, transpose_lhs_hint = false} : vector<128x128xf32>, vector<128x128xf32>, vector<128x128xf32> -> vector<128x128xf32>
    %slice3A_942 = vector.extract_strided_slice %dot_general3A_941 {offsets = [0, 0], sizes = [128, 1], strides = [1, 1]} : vector<128x128xf32> to vector<128x1xf32>
    %slice3A_943 = vector.extract_strided_slice %get3A_4 {offsets = [0, 31], sizes = [1, 1], strides = [1, 1]} : vector<8x128xf32> to vector<1x1xf32>
    %squeeze3A_944 = vector.extract %slice3A_943[0, 0] : f32 from vector<1x1xf32>
    %mul3A_945 = vector.broadcast %squeeze3A_944 : f32 to vector<128x128xf32>
    %mul3A_946 = arith.mulf %squeeze3A, %mul3A_945 : vector<128x128xf32>
    %slice3A_947 = vector.extract_strided_slice %get3A_4 {offsets = [1, 31], sizes = [1, 1], strides = [1, 1]} : vector<8x128xf32> to vector<1x1xf32>
    %squeeze3A_948 = vector.extract %slice3A_947[0, 0] : f32 from vector<1x1xf32>
    %mul3A_949 = vector.broadcast %squeeze3A_948 : f32 to vector<128x128xf32>
    %mul3A_950 = arith.mulf %squeeze3A_9, %mul3A_949 : vector<128x128xf32>
    %add3A_951 = arith.addf %mul3A_946, %mul3A_950 : vector<128x128xf32>
    %slice3A_952 = vector.extract_strided_slice %get3A_4 {offsets = [2, 31], sizes = [1, 1], strides = [1, 1]} : vector<8x128xf32> to vector<1x1xf32>
    %squeeze3A_953 = vector.extract %slice3A_952[0, 0] : f32 from vector<1x1xf32>
    %mul3A_954 = vector.broadcast %squeeze3A_953 : f32 to vector<128x128xf32>
    %mul3A_955 = arith.mulf %squeeze3A_11, %mul3A_954 : vector<128x128xf32>
    %add3A_956 = arith.addf %add3A_951, %mul3A_955 : vector<128x128xf32>
    %slice3A_957 = vector.extract_strided_slice %get3A_4 {offsets = [3, 31], sizes = [1, 1], strides = [1, 1]} : vector<8x128xf32> to vector<1x1xf32>
    %squeeze3A_958 = vector.extract %slice3A_957[0, 0] : f32 from vector<1x1xf32>
    %mul3A_959 = vector.broadcast %squeeze3A_958 : f32 to vector<128x128xf32>
    %mul3A_960 = arith.mulf %squeeze3A_13, %mul3A_959 : vector<128x128xf32>
    %add3A_961 = arith.addf %add3A_956, %mul3A_960 : vector<128x128xf32>
    %slice3A_962 = vector.extract_strided_slice %get3A_7 {offsets = [0, 31], sizes = [1, 1], strides = [1, 1]} : vector<1x128xf32> to vector<1x1xf32>
    %squeeze3A_963 = vector.extract %slice3A_962[0, 0] : f32 from vector<1x1xf32>
    %add3A_964 = vector.broadcast %squeeze3A_963 : f32 to vector<128x128xf32>
    %add3A_965 = arith.addf %add3A_961, %add3A_964 : vector<128x128xf32>
    %max3A_966 = arith.constant 0.000000e+00 : f32
    %max3A_967 = vector.broadcast %max3A_966 : f32 to vector<128x128xf32>
    %max3A_968 = arith.maximumf %add3A_965, %max3A_967 : vector<128x128xf32>
    %mul3A_969 = arith.mulf %max3A_968, %squeeze3A_15 : vector<128x128xf32>
    %dot_general3A_970 = arith.constant dense<0.000000e+00> : vector<128x128xf32>
    %dot_general3A_971 = tpu.matmul %mul3A_969, %broadcast_in_dim3A_16, %dot_general3A_970 {dimension_numbers = #tpu.dot_dimension_numbers<[1], [0], [0], [1], [0, 0, 1, 1], [], []>, precision = #tpu.contract_precision<fp32>, transpose_lhs_hint = false} : vector<128x128xf32>, vector<128x128xf32>, vector<128x128xf32> -> vector<128x128xf32>
    %slice3A_972 = vector.extract_strided_slice %dot_general3A_971 {offsets = [0, 0], sizes = [128, 1], strides = [1, 1]} : vector<128x128xf32> to vector<128x1xf32>
    %slice3A_973 = vector.extract_strided_slice %get3A_4 {offsets = [0, 32], sizes = [1, 1], strides = [1, 1]} : vector<8x128xf32> to vector<1x1xf32>
    %squeeze3A_974 = vector.extract %slice3A_973[0, 0] : f32 from vector<1x1xf32>
    %mul3A_975 = vector.broadcast %squeeze3A_974 : f32 to vector<128x128xf32>
    %mul3A_976 = arith.mulf %squeeze3A, %mul3A_975 : vector<128x128xf32>
    %slice3A_977 = vector.extract_strided_slice %get3A_4 {offsets = [1, 32], sizes = [1, 1], strides = [1, 1]} : vector<8x128xf32> to vector<1x1xf32>
    %squeeze3A_978 = vector.extract %slice3A_977[0, 0] : f32 from vector<1x1xf32>
    %mul3A_979 = vector.broadcast %squeeze3A_978 : f32 to vector<128x128xf32>
    %mul3A_980 = arith.mulf %squeeze3A_9, %mul3A_979 : vector<128x128xf32>
    %add3A_981 = arith.addf %mul3A_976, %mul3A_980 : vector<128x128xf32>
    %slice3A_982 = vector.extract_strided_slice %get3A_4 {offsets = [2, 32], sizes = [1, 1], strides = [1, 1]} : vector<8x128xf32> to vector<1x1xf32>
    %squeeze3A_983 = vector.extract %slice3A_982[0, 0] : f32 from vector<1x1xf32>
    %mul3A_984 = vector.broadcast %squeeze3A_983 : f32 to vector<128x128xf32>
    %mul3A_985 = arith.mulf %squeeze3A_11, %mul3A_984 : vector<128x128xf32>
    %add3A_986 = arith.addf %add3A_981, %mul3A_985 : vector<128x128xf32>
    %slice3A_987 = vector.extract_strided_slice %get3A_4 {offsets = [3, 32], sizes = [1, 1], strides = [1, 1]} : vector<8x128xf32> to vector<1x1xf32>
    %squeeze3A_988 = vector.extract %slice3A_987[0, 0] : f32 from vector<1x1xf32>
    %mul3A_989 = vector.broadcast %squeeze3A_988 : f32 to vector<128x128xf32>
    %mul3A_990 = arith.mulf %squeeze3A_13, %mul3A_989 : vector<128x128xf32>
    %add3A_991 = arith.addf %add3A_986, %mul3A_990 : vector<128x128xf32>
    %slice3A_992 = vector.extract_strided_slice %get3A_7 {offsets = [0, 32], sizes = [1, 1], strides = [1, 1]} : vector<1x128xf32> to vector<1x1xf32>
    %squeeze3A_993 = vector.extract %slice3A_992[0, 0] : f32 from vector<1x1xf32>
    %add3A_994 = vector.broadcast %squeeze3A_993 : f32 to vector<128x128xf32>
    %add3A_995 = arith.addf %add3A_991, %add3A_994 : vector<128x128xf32>
    %max3A_996 = arith.constant 0.000000e+00 : f32
    %max3A_997 = vector.broadcast %max3A_996 : f32 to vector<128x128xf32>
    %max3A_998 = arith.maximumf %add3A_995, %max3A_997 : vector<128x128xf32>
    %mul3A_999 = arith.mulf %max3A_998, %squeeze3A_15 : vector<128x128xf32>
    %dot_general3A_1000 = arith.constant dense<0.000000e+00> : vector<128x128xf32>
    %dot_general3A_1001 = tpu.matmul %mul3A_999, %broadcast_in_dim3A_16, %dot_general3A_1000 {dimension_numbers = #tpu.dot_dimension_numbers<[1], [0], [0], [1], [0, 0, 1, 1], [], []>, precision = #tpu.contract_precision<fp32>, transpose_lhs_hint = false} : vector<128x128xf32>, vector<128x128xf32>, vector<128x128xf32> -> vector<128x128xf32>
    %slice3A_1002 = vector.extract_strided_slice %dot_general3A_1001 {offsets = [0, 0], sizes = [128, 1], strides = [1, 1]} : vector<128x128xf32> to vector<128x1xf32>
    %slice3A_1003 = vector.extract_strided_slice %get3A_4 {offsets = [0, 33], sizes = [1, 1], strides = [1, 1]} : vector<8x128xf32> to vector<1x1xf32>
    %squeeze3A_1004 = vector.extract %slice3A_1003[0, 0] : f32 from vector<1x1xf32>
    %mul3A_1005 = vector.broadcast %squeeze3A_1004 : f32 to vector<128x128xf32>
    %mul3A_1006 = arith.mulf %squeeze3A, %mul3A_1005 : vector<128x128xf32>
    %slice3A_1007 = vector.extract_strided_slice %get3A_4 {offsets = [1, 33], sizes = [1, 1], strides = [1, 1]} : vector<8x128xf32> to vector<1x1xf32>
    %squeeze3A_1008 = vector.extract %slice3A_1007[0, 0] : f32 from vector<1x1xf32>
    %mul3A_1009 = vector.broadcast %squeeze3A_1008 : f32 to vector<128x128xf32>
    %mul3A_1010 = arith.mulf %squeeze3A_9, %mul3A_1009 : vector<128x128xf32>
    %add3A_1011 = arith.addf %mul3A_1006, %mul3A_1010 : vector<128x128xf32>
    %slice3A_1012 = vector.extract_strided_slice %get3A_4 {offsets = [2, 33], sizes = [1, 1], strides = [1, 1]} : vector<8x128xf32> to vector<1x1xf32>
    %squeeze3A_1013 = vector.extract %slice3A_1012[0, 0] : f32 from vector<1x1xf32>
    %mul3A_1014 = vector.broadcast %squeeze3A_1013 : f32 to vector<128x128xf32>
    %mul3A_1015 = arith.mulf %squeeze3A_11, %mul3A_1014 : vector<128x128xf32>
    %add3A_1016 = arith.addf %add3A_1011, %mul3A_1015 : vector<128x128xf32>
    %slice3A_1017 = vector.extract_strided_slice %get3A_4 {offsets = [3, 33], sizes = [1, 1], strides = [1, 1]} : vector<8x128xf32> to vector<1x1xf32>
    %squeeze3A_1018 = vector.extract %slice3A_1017[0, 0] : f32 from vector<1x1xf32>
    %mul3A_1019 = vector.broadcast %squeeze3A_1018 : f32 to vector<128x128xf32>
    %mul3A_1020 = arith.mulf %squeeze3A_13, %mul3A_1019 : vector<128x128xf32>
    %add3A_1021 = arith.addf %add3A_1016, %mul3A_1020 : vector<128x128xf32>
    %slice3A_1022 = vector.extract_strided_slice %get3A_7 {offsets = [0, 33], sizes = [1, 1], strides = [1, 1]} : vector<1x128xf32> to vector<1x1xf32>
    %squeeze3A_1023 = vector.extract %slice3A_1022[0, 0] : f32 from vector<1x1xf32>
    %add3A_1024 = vector.broadcast %squeeze3A_1023 : f32 to vector<128x128xf32>
    %add3A_1025 = arith.addf %add3A_1021, %add3A_1024 : vector<128x128xf32>
    %max3A_1026 = arith.constant 0.000000e+00 : f32
    %max3A_1027 = vector.broadcast %max3A_1026 : f32 to vector<128x128xf32>
    %max3A_1028 = arith.maximumf %add3A_1025, %max3A_1027 : vector<128x128xf32>
    %mul3A_1029 = arith.mulf %max3A_1028, %squeeze3A_15 : vector<128x128xf32>
    %dot_general3A_1030 = arith.constant dense<0.000000e+00> : vector<128x128xf32>
    %dot_general3A_1031 = tpu.matmul %mul3A_1029, %broadcast_in_dim3A_16, %dot_general3A_1030 {dimension_numbers = #tpu.dot_dimension_numbers<[1], [0], [0], [1], [0, 0, 1, 1], [], []>, precision = #tpu.contract_precision<fp32>, transpose_lhs_hint = false} : vector<128x128xf32>, vector<128x128xf32>, vector<128x128xf32> -> vector<128x128xf32>
    %slice3A_1032 = vector.extract_strided_slice %dot_general3A_1031 {offsets = [0, 0], sizes = [128, 1], strides = [1, 1]} : vector<128x128xf32> to vector<128x1xf32>
    %slice3A_1033 = vector.extract_strided_slice %get3A_4 {offsets = [0, 34], sizes = [1, 1], strides = [1, 1]} : vector<8x128xf32> to vector<1x1xf32>
    %squeeze3A_1034 = vector.extract %slice3A_1033[0, 0] : f32 from vector<1x1xf32>
    %mul3A_1035 = vector.broadcast %squeeze3A_1034 : f32 to vector<128x128xf32>
    %mul3A_1036 = arith.mulf %squeeze3A, %mul3A_1035 : vector<128x128xf32>
    %slice3A_1037 = vector.extract_strided_slice %get3A_4 {offsets = [1, 34], sizes = [1, 1], strides = [1, 1]} : vector<8x128xf32> to vector<1x1xf32>
    %squeeze3A_1038 = vector.extract %slice3A_1037[0, 0] : f32 from vector<1x1xf32>
    %mul3A_1039 = vector.broadcast %squeeze3A_1038 : f32 to vector<128x128xf32>
    %mul3A_1040 = arith.mulf %squeeze3A_9, %mul3A_1039 : vector<128x128xf32>
    %add3A_1041 = arith.addf %mul3A_1036, %mul3A_1040 : vector<128x128xf32>
    %slice3A_1042 = vector.extract_strided_slice %get3A_4 {offsets = [2, 34], sizes = [1, 1], strides = [1, 1]} : vector<8x128xf32> to vector<1x1xf32>
    %squeeze3A_1043 = vector.extract %slice3A_1042[0, 0] : f32 from vector<1x1xf32>
    %mul3A_1044 = vector.broadcast %squeeze3A_1043 : f32 to vector<128x128xf32>
    %mul3A_1045 = arith.mulf %squeeze3A_11, %mul3A_1044 : vector<128x128xf32>
    %add3A_1046 = arith.addf %add3A_1041, %mul3A_1045 : vector<128x128xf32>
    %slice3A_1047 = vector.extract_strided_slice %get3A_4 {offsets = [3, 34], sizes = [1, 1], strides = [1, 1]} : vector<8x128xf32> to vector<1x1xf32>
    %squeeze3A_1048 = vector.extract %slice3A_1047[0, 0] : f32 from vector<1x1xf32>
    %mul3A_1049 = vector.broadcast %squeeze3A_1048 : f32 to vector<128x128xf32>
    %mul3A_1050 = arith.mulf %squeeze3A_13, %mul3A_1049 : vector<128x128xf32>
    %add3A_1051 = arith.addf %add3A_1046, %mul3A_1050 : vector<128x128xf32>
    %slice3A_1052 = vector.extract_strided_slice %get3A_7 {offsets = [0, 34], sizes = [1, 1], strides = [1, 1]} : vector<1x128xf32> to vector<1x1xf32>
    %squeeze3A_1053 = vector.extract %slice3A_1052[0, 0] : f32 from vector<1x1xf32>
    %add3A_1054 = vector.broadcast %squeeze3A_1053 : f32 to vector<128x128xf32>
    %add3A_1055 = arith.addf %add3A_1051, %add3A_1054 : vector<128x128xf32>
    %max3A_1056 = arith.constant 0.000000e+00 : f32
    %max3A_1057 = vector.broadcast %max3A_1056 : f32 to vector<128x128xf32>
    %max3A_1058 = arith.maximumf %add3A_1055, %max3A_1057 : vector<128x128xf32>
    %mul3A_1059 = arith.mulf %max3A_1058, %squeeze3A_15 : vector<128x128xf32>
    %dot_general3A_1060 = arith.constant dense<0.000000e+00> : vector<128x128xf32>
    %dot_general3A_1061 = tpu.matmul %mul3A_1059, %broadcast_in_dim3A_16, %dot_general3A_1060 {dimension_numbers = #tpu.dot_dimension_numbers<[1], [0], [0], [1], [0, 0, 1, 1], [], []>, precision = #tpu.contract_precision<fp32>, transpose_lhs_hint = false} : vector<128x128xf32>, vector<128x128xf32>, vector<128x128xf32> -> vector<128x128xf32>
    %slice3A_1062 = vector.extract_strided_slice %dot_general3A_1061 {offsets = [0, 0], sizes = [128, 1], strides = [1, 1]} : vector<128x128xf32> to vector<128x1xf32>
    %slice3A_1063 = vector.extract_strided_slice %get3A_4 {offsets = [0, 35], sizes = [1, 1], strides = [1, 1]} : vector<8x128xf32> to vector<1x1xf32>
    %squeeze3A_1064 = vector.extract %slice3A_1063[0, 0] : f32 from vector<1x1xf32>
    %mul3A_1065 = vector.broadcast %squeeze3A_1064 : f32 to vector<128x128xf32>
    %mul3A_1066 = arith.mulf %squeeze3A, %mul3A_1065 : vector<128x128xf32>
    %slice3A_1067 = vector.extract_strided_slice %get3A_4 {offsets = [1, 35], sizes = [1, 1], strides = [1, 1]} : vector<8x128xf32> to vector<1x1xf32>
    %squeeze3A_1068 = vector.extract %slice3A_1067[0, 0] : f32 from vector<1x1xf32>
    %mul3A_1069 = vector.broadcast %squeeze3A_1068 : f32 to vector<128x128xf32>
    %mul3A_1070 = arith.mulf %squeeze3A_9, %mul3A_1069 : vector<128x128xf32>
    %add3A_1071 = arith.addf %mul3A_1066, %mul3A_1070 : vector<128x128xf32>
    %slice3A_1072 = vector.extract_strided_slice %get3A_4 {offsets = [2, 35], sizes = [1, 1], strides = [1, 1]} : vector<8x128xf32> to vector<1x1xf32>
    %squeeze3A_1073 = vector.extract %slice3A_1072[0, 0] : f32 from vector<1x1xf32>
    %mul3A_1074 = vector.broadcast %squeeze3A_1073 : f32 to vector<128x128xf32>
    %mul3A_1075 = arith.mulf %squeeze3A_11, %mul3A_1074 : vector<128x128xf32>
    %add3A_1076 = arith.addf %add3A_1071, %mul3A_1075 : vector<128x128xf32>
    %slice3A_1077 = vector.extract_strided_slice %get3A_4 {offsets = [3, 35], sizes = [1, 1], strides = [1, 1]} : vector<8x128xf32> to vector<1x1xf32>
    %squeeze3A_1078 = vector.extract %slice3A_1077[0, 0] : f32 from vector<1x1xf32>
    %mul3A_1079 = vector.broadcast %squeeze3A_1078 : f32 to vector<128x128xf32>
    %mul3A_1080 = arith.mulf %squeeze3A_13, %mul3A_1079 : vector<128x128xf32>
    %add3A_1081 = arith.addf %add3A_1076, %mul3A_1080 : vector<128x128xf32>
    %slice3A_1082 = vector.extract_strided_slice %get3A_7 {offsets = [0, 35], sizes = [1, 1], strides = [1, 1]} : vector<1x128xf32> to vector<1x1xf32>
    %squeeze3A_1083 = vector.extract %slice3A_1082[0, 0] : f32 from vector<1x1xf32>
    %add3A_1084 = vector.broadcast %squeeze3A_1083 : f32 to vector<128x128xf32>
    %add3A_1085 = arith.addf %add3A_1081, %add3A_1084 : vector<128x128xf32>
    %max3A_1086 = arith.constant 0.000000e+00 : f32
    %max3A_1087 = vector.broadcast %max3A_1086 : f32 to vector<128x128xf32>
    %max3A_1088 = arith.maximumf %add3A_1085, %max3A_1087 : vector<128x128xf32>
    %mul3A_1089 = arith.mulf %max3A_1088, %squeeze3A_15 : vector<128x128xf32>
    %dot_general3A_1090 = arith.constant dense<0.000000e+00> : vector<128x128xf32>
    %dot_general3A_1091 = tpu.matmul %mul3A_1089, %broadcast_in_dim3A_16, %dot_general3A_1090 {dimension_numbers = #tpu.dot_dimension_numbers<[1], [0], [0], [1], [0, 0, 1, 1], [], []>, precision = #tpu.contract_precision<fp32>, transpose_lhs_hint = false} : vector<128x128xf32>, vector<128x128xf32>, vector<128x128xf32> -> vector<128x128xf32>
    %slice3A_1092 = vector.extract_strided_slice %dot_general3A_1091 {offsets = [0, 0], sizes = [128, 1], strides = [1, 1]} : vector<128x128xf32> to vector<128x1xf32>
    %slice3A_1093 = vector.extract_strided_slice %get3A_4 {offsets = [0, 36], sizes = [1, 1], strides = [1, 1]} : vector<8x128xf32> to vector<1x1xf32>
    %squeeze3A_1094 = vector.extract %slice3A_1093[0, 0] : f32 from vector<1x1xf32>
    %mul3A_1095 = vector.broadcast %squeeze3A_1094 : f32 to vector<128x128xf32>
    %mul3A_1096 = arith.mulf %squeeze3A, %mul3A_1095 : vector<128x128xf32>
    %slice3A_1097 = vector.extract_strided_slice %get3A_4 {offsets = [1, 36], sizes = [1, 1], strides = [1, 1]} : vector<8x128xf32> to vector<1x1xf32>
    %squeeze3A_1098 = vector.extract %slice3A_1097[0, 0] : f32 from vector<1x1xf32>
    %mul3A_1099 = vector.broadcast %squeeze3A_1098 : f32 to vector<128x128xf32>
    %mul3A_1100 = arith.mulf %squeeze3A_9, %mul3A_1099 : vector<128x128xf32>
    %add3A_1101 = arith.addf %mul3A_1096, %mul3A_1100 : vector<128x128xf32>
    %slice3A_1102 = vector.extract_strided_slice %get3A_4 {offsets = [2, 36], sizes = [1, 1], strides = [1, 1]} : vector<8x128xf32> to vector<1x1xf32>
    %squeeze3A_1103 = vector.extract %slice3A_1102[0, 0] : f32 from vector<1x1xf32>
    %mul3A_1104 = vector.broadcast %squeeze3A_1103 : f32 to vector<128x128xf32>
    %mul3A_1105 = arith.mulf %squeeze3A_11, %mul3A_1104 : vector<128x128xf32>
    %add3A_1106 = arith.addf %add3A_1101, %mul3A_1105 : vector<128x128xf32>
    %slice3A_1107 = vector.extract_strided_slice %get3A_4 {offsets = [3, 36], sizes = [1, 1], strides = [1, 1]} : vector<8x128xf32> to vector<1x1xf32>
    %squeeze3A_1108 = vector.extract %slice3A_1107[0, 0] : f32 from vector<1x1xf32>
    %mul3A_1109 = vector.broadcast %squeeze3A_1108 : f32 to vector<128x128xf32>
    %mul3A_1110 = arith.mulf %squeeze3A_13, %mul3A_1109 : vector<128x128xf32>
    %add3A_1111 = arith.addf %add3A_1106, %mul3A_1110 : vector<128x128xf32>
    %slice3A_1112 = vector.extract_strided_slice %get3A_7 {offsets = [0, 36], sizes = [1, 1], strides = [1, 1]} : vector<1x128xf32> to vector<1x1xf32>
    %squeeze3A_1113 = vector.extract %slice3A_1112[0, 0] : f32 from vector<1x1xf32>
    %add3A_1114 = vector.broadcast %squeeze3A_1113 : f32 to vector<128x128xf32>
    %add3A_1115 = arith.addf %add3A_1111, %add3A_1114 : vector<128x128xf32>
    %max3A_1116 = arith.constant 0.000000e+00 : f32
    %max3A_1117 = vector.broadcast %max3A_1116 : f32 to vector<128x128xf32>
    %max3A_1118 = arith.maximumf %add3A_1115, %max3A_1117 : vector<128x128xf32>
    %mul3A_1119 = arith.mulf %max3A_1118, %squeeze3A_15 : vector<128x128xf32>
    %dot_general3A_1120 = arith.constant dense<0.000000e+00> : vector<128x128xf32>
    %dot_general3A_1121 = tpu.matmul %mul3A_1119, %broadcast_in_dim3A_16, %dot_general3A_1120 {dimension_numbers = #tpu.dot_dimension_numbers<[1], [0], [0], [1], [0, 0, 1, 1], [], []>, precision = #tpu.contract_precision<fp32>, transpose_lhs_hint = false} : vector<128x128xf32>, vector<128x128xf32>, vector<128x128xf32> -> vector<128x128xf32>
    %slice3A_1122 = vector.extract_strided_slice %dot_general3A_1121 {offsets = [0, 0], sizes = [128, 1], strides = [1, 1]} : vector<128x128xf32> to vector<128x1xf32>
    %slice3A_1123 = vector.extract_strided_slice %get3A_4 {offsets = [0, 37], sizes = [1, 1], strides = [1, 1]} : vector<8x128xf32> to vector<1x1xf32>
    %squeeze3A_1124 = vector.extract %slice3A_1123[0, 0] : f32 from vector<1x1xf32>
    %mul3A_1125 = vector.broadcast %squeeze3A_1124 : f32 to vector<128x128xf32>
    %mul3A_1126 = arith.mulf %squeeze3A, %mul3A_1125 : vector<128x128xf32>
    %slice3A_1127 = vector.extract_strided_slice %get3A_4 {offsets = [1, 37], sizes = [1, 1], strides = [1, 1]} : vector<8x128xf32> to vector<1x1xf32>
    %squeeze3A_1128 = vector.extract %slice3A_1127[0, 0] : f32 from vector<1x1xf32>
    %mul3A_1129 = vector.broadcast %squeeze3A_1128 : f32 to vector<128x128xf32>
    %mul3A_1130 = arith.mulf %squeeze3A_9, %mul3A_1129 : vector<128x128xf32>
    %add3A_1131 = arith.addf %mul3A_1126, %mul3A_1130 : vector<128x128xf32>
    %slice3A_1132 = vector.extract_strided_slice %get3A_4 {offsets = [2, 37], sizes = [1, 1], strides = [1, 1]} : vector<8x128xf32> to vector<1x1xf32>
    %squeeze3A_1133 = vector.extract %slice3A_1132[0, 0] : f32 from vector<1x1xf32>
    %mul3A_1134 = vector.broadcast %squeeze3A_1133 : f32 to vector<128x128xf32>
    %mul3A_1135 = arith.mulf %squeeze3A_11, %mul3A_1134 : vector<128x128xf32>
    %add3A_1136 = arith.addf %add3A_1131, %mul3A_1135 : vector<128x128xf32>
    %slice3A_1137 = vector.extract_strided_slice %get3A_4 {offsets = [3, 37], sizes = [1, 1], strides = [1, 1]} : vector<8x128xf32> to vector<1x1xf32>
    %squeeze3A_1138 = vector.extract %slice3A_1137[0, 0] : f32 from vector<1x1xf32>
    %mul3A_1139 = vector.broadcast %squeeze3A_1138 : f32 to vector<128x128xf32>
    %mul3A_1140 = arith.mulf %squeeze3A_13, %mul3A_1139 : vector<128x128xf32>
    %add3A_1141 = arith.addf %add3A_1136, %mul3A_1140 : vector<128x128xf32>
    %slice3A_1142 = vector.extract_strided_slice %get3A_7 {offsets = [0, 37], sizes = [1, 1], strides = [1, 1]} : vector<1x128xf32> to vector<1x1xf32>
    %squeeze3A_1143 = vector.extract %slice3A_1142[0, 0] : f32 from vector<1x1xf32>
    %add3A_1144 = vector.broadcast %squeeze3A_1143 : f32 to vector<128x128xf32>
    %add3A_1145 = arith.addf %add3A_1141, %add3A_1144 : vector<128x128xf32>
    %max3A_1146 = arith.constant 0.000000e+00 : f32
    %max3A_1147 = vector.broadcast %max3A_1146 : f32 to vector<128x128xf32>
    %max3A_1148 = arith.maximumf %add3A_1145, %max3A_1147 : vector<128x128xf32>
    %mul3A_1149 = arith.mulf %max3A_1148, %squeeze3A_15 : vector<128x128xf32>
    %dot_general3A_1150 = arith.constant dense<0.000000e+00> : vector<128x128xf32>
    %dot_general3A_1151 = tpu.matmul %mul3A_1149, %broadcast_in_dim3A_16, %dot_general3A_1150 {dimension_numbers = #tpu.dot_dimension_numbers<[1], [0], [0], [1], [0, 0, 1, 1], [], []>, precision = #tpu.contract_precision<fp32>, transpose_lhs_hint = false} : vector<128x128xf32>, vector<128x128xf32>, vector<128x128xf32> -> vector<128x128xf32>
    %slice3A_1152 = vector.extract_strided_slice %dot_general3A_1151 {offsets = [0, 0], sizes = [128, 1], strides = [1, 1]} : vector<128x128xf32> to vector<128x1xf32>
    %slice3A_1153 = vector.extract_strided_slice %get3A_4 {offsets = [0, 38], sizes = [1, 1], strides = [1, 1]} : vector<8x128xf32> to vector<1x1xf32>
    %squeeze3A_1154 = vector.extract %slice3A_1153[0, 0] : f32 from vector<1x1xf32>
    %mul3A_1155 = vector.broadcast %squeeze3A_1154 : f32 to vector<128x128xf32>
    %mul3A_1156 = arith.mulf %squeeze3A, %mul3A_1155 : vector<128x128xf32>
    %slice3A_1157 = vector.extract_strided_slice %get3A_4 {offsets = [1, 38], sizes = [1, 1], strides = [1, 1]} : vector<8x128xf32> to vector<1x1xf32>
    %squeeze3A_1158 = vector.extract %slice3A_1157[0, 0] : f32 from vector<1x1xf32>
    %mul3A_1159 = vector.broadcast %squeeze3A_1158 : f32 to vector<128x128xf32>
    %mul3A_1160 = arith.mulf %squeeze3A_9, %mul3A_1159 : vector<128x128xf32>
    %add3A_1161 = arith.addf %mul3A_1156, %mul3A_1160 : vector<128x128xf32>
    %slice3A_1162 = vector.extract_strided_slice %get3A_4 {offsets = [2, 38], sizes = [1, 1], strides = [1, 1]} : vector<8x128xf32> to vector<1x1xf32>
    %squeeze3A_1163 = vector.extract %slice3A_1162[0, 0] : f32 from vector<1x1xf32>
    %mul3A_1164 = vector.broadcast %squeeze3A_1163 : f32 to vector<128x128xf32>
    %mul3A_1165 = arith.mulf %squeeze3A_11, %mul3A_1164 : vector<128x128xf32>
    %add3A_1166 = arith.addf %add3A_1161, %mul3A_1165 : vector<128x128xf32>
    %slice3A_1167 = vector.extract_strided_slice %get3A_4 {offsets = [3, 38], sizes = [1, 1], strides = [1, 1]} : vector<8x128xf32> to vector<1x1xf32>
    %squeeze3A_1168 = vector.extract %slice3A_1167[0, 0] : f32 from vector<1x1xf32>
    %mul3A_1169 = vector.broadcast %squeeze3A_1168 : f32 to vector<128x128xf32>
    %mul3A_1170 = arith.mulf %squeeze3A_13, %mul3A_1169 : vector<128x128xf32>
    %add3A_1171 = arith.addf %add3A_1166, %mul3A_1170 : vector<128x128xf32>
    %slice3A_1172 = vector.extract_strided_slice %get3A_7 {offsets = [0, 38], sizes = [1, 1], strides = [1, 1]} : vector<1x128xf32> to vector<1x1xf32>
    %squeeze3A_1173 = vector.extract %slice3A_1172[0, 0] : f32 from vector<1x1xf32>
    %add3A_1174 = vector.broadcast %squeeze3A_1173 : f32 to vector<128x128xf32>
    %add3A_1175 = arith.addf %add3A_1171, %add3A_1174 : vector<128x128xf32>
    %max3A_1176 = arith.constant 0.000000e+00 : f32
    %max3A_1177 = vector.broadcast %max3A_1176 : f32 to vector<128x128xf32>
    %max3A_1178 = arith.maximumf %add3A_1175, %max3A_1177 : vector<128x128xf32>
    %mul3A_1179 = arith.mulf %max3A_1178, %squeeze3A_15 : vector<128x128xf32>
    %dot_general3A_1180 = arith.constant dense<0.000000e+00> : vector<128x128xf32>
    %dot_general3A_1181 = tpu.matmul %mul3A_1179, %broadcast_in_dim3A_16, %dot_general3A_1180 {dimension_numbers = #tpu.dot_dimension_numbers<[1], [0], [0], [1], [0, 0, 1, 1], [], []>, precision = #tpu.contract_precision<fp32>, transpose_lhs_hint = false} : vector<128x128xf32>, vector<128x128xf32>, vector<128x128xf32> -> vector<128x128xf32>
    %slice3A_1182 = vector.extract_strided_slice %dot_general3A_1181 {offsets = [0, 0], sizes = [128, 1], strides = [1, 1]} : vector<128x128xf32> to vector<128x1xf32>
    %slice3A_1183 = vector.extract_strided_slice %get3A_4 {offsets = [0, 39], sizes = [1, 1], strides = [1, 1]} : vector<8x128xf32> to vector<1x1xf32>
    %squeeze3A_1184 = vector.extract %slice3A_1183[0, 0] : f32 from vector<1x1xf32>
    %mul3A_1185 = vector.broadcast %squeeze3A_1184 : f32 to vector<128x128xf32>
    %mul3A_1186 = arith.mulf %squeeze3A, %mul3A_1185 : vector<128x128xf32>
    %slice3A_1187 = vector.extract_strided_slice %get3A_4 {offsets = [1, 39], sizes = [1, 1], strides = [1, 1]} : vector<8x128xf32> to vector<1x1xf32>
    %squeeze3A_1188 = vector.extract %slice3A_1187[0, 0] : f32 from vector<1x1xf32>
    %mul3A_1189 = vector.broadcast %squeeze3A_1188 : f32 to vector<128x128xf32>
    %mul3A_1190 = arith.mulf %squeeze3A_9, %mul3A_1189 : vector<128x128xf32>
    %add3A_1191 = arith.addf %mul3A_1186, %mul3A_1190 : vector<128x128xf32>
    %slice3A_1192 = vector.extract_strided_slice %get3A_4 {offsets = [2, 39], sizes = [1, 1], strides = [1, 1]} : vector<8x128xf32> to vector<1x1xf32>
    %squeeze3A_1193 = vector.extract %slice3A_1192[0, 0] : f32 from vector<1x1xf32>
    %mul3A_1194 = vector.broadcast %squeeze3A_1193 : f32 to vector<128x128xf32>
    %mul3A_1195 = arith.mulf %squeeze3A_11, %mul3A_1194 : vector<128x128xf32>
    %add3A_1196 = arith.addf %add3A_1191, %mul3A_1195 : vector<128x128xf32>
    %slice3A_1197 = vector.extract_strided_slice %get3A_4 {offsets = [3, 39], sizes = [1, 1], strides = [1, 1]} : vector<8x128xf32> to vector<1x1xf32>
    %squeeze3A_1198 = vector.extract %slice3A_1197[0, 0] : f32 from vector<1x1xf32>
    %mul3A_1199 = vector.broadcast %squeeze3A_1198 : f32 to vector<128x128xf32>
    %mul3A_1200 = arith.mulf %squeeze3A_13, %mul3A_1199 : vector<128x128xf32>
    %add3A_1201 = arith.addf %add3A_1196, %mul3A_1200 : vector<128x128xf32>
    %slice3A_1202 = vector.extract_strided_slice %get3A_7 {offsets = [0, 39], sizes = [1, 1], strides = [1, 1]} : vector<1x128xf32> to vector<1x1xf32>
    %squeeze3A_1203 = vector.extract %slice3A_1202[0, 0] : f32 from vector<1x1xf32>
    %add3A_1204 = vector.broadcast %squeeze3A_1203 : f32 to vector<128x128xf32>
    %add3A_1205 = arith.addf %add3A_1201, %add3A_1204 : vector<128x128xf32>
    %max3A_1206 = arith.constant 0.000000e+00 : f32
    %max3A_1207 = vector.broadcast %max3A_1206 : f32 to vector<128x128xf32>
    %max3A_1208 = arith.maximumf %add3A_1205, %max3A_1207 : vector<128x128xf32>
    %mul3A_1209 = arith.mulf %max3A_1208, %squeeze3A_15 : vector<128x128xf32>
    %dot_general3A_1210 = arith.constant dense<0.000000e+00> : vector<128x128xf32>
    %dot_general3A_1211 = tpu.matmul %mul3A_1209, %broadcast_in_dim3A_16, %dot_general3A_1210 {dimension_numbers = #tpu.dot_dimension_numbers<[1], [0], [0], [1], [0, 0, 1, 1], [], []>, precision = #tpu.contract_precision<fp32>, transpose_lhs_hint = false} : vector<128x128xf32>, vector<128x128xf32>, vector<128x128xf32> -> vector<128x128xf32>
    %slice3A_1212 = vector.extract_strided_slice %dot_general3A_1211 {offsets = [0, 0], sizes = [128, 1], strides = [1, 1]} : vector<128x128xf32> to vector<128x1xf32>
    %slice3A_1213 = vector.extract_strided_slice %get3A_4 {offsets = [0, 40], sizes = [1, 1], strides = [1, 1]} : vector<8x128xf32> to vector<1x1xf32>
    %squeeze3A_1214 = vector.extract %slice3A_1213[0, 0] : f32 from vector<1x1xf32>
    %mul3A_1215 = vector.broadcast %squeeze3A_1214 : f32 to vector<128x128xf32>
    %mul3A_1216 = arith.mulf %squeeze3A, %mul3A_1215 : vector<128x128xf32>
    %slice3A_1217 = vector.extract_strided_slice %get3A_4 {offsets = [1, 40], sizes = [1, 1], strides = [1, 1]} : vector<8x128xf32> to vector<1x1xf32>
    %squeeze3A_1218 = vector.extract %slice3A_1217[0, 0] : f32 from vector<1x1xf32>
    %mul3A_1219 = vector.broadcast %squeeze3A_1218 : f32 to vector<128x128xf32>
    %mul3A_1220 = arith.mulf %squeeze3A_9, %mul3A_1219 : vector<128x128xf32>
    %add3A_1221 = arith.addf %mul3A_1216, %mul3A_1220 : vector<128x128xf32>
    %slice3A_1222 = vector.extract_strided_slice %get3A_4 {offsets = [2, 40], sizes = [1, 1], strides = [1, 1]} : vector<8x128xf32> to vector<1x1xf32>
    %squeeze3A_1223 = vector.extract %slice3A_1222[0, 0] : f32 from vector<1x1xf32>
    %mul3A_1224 = vector.broadcast %squeeze3A_1223 : f32 to vector<128x128xf32>
    %mul3A_1225 = arith.mulf %squeeze3A_11, %mul3A_1224 : vector<128x128xf32>
    %add3A_1226 = arith.addf %add3A_1221, %mul3A_1225 : vector<128x128xf32>
    %slice3A_1227 = vector.extract_strided_slice %get3A_4 {offsets = [3, 40], sizes = [1, 1], strides = [1, 1]} : vector<8x128xf32> to vector<1x1xf32>
    %squeeze3A_1228 = vector.extract %slice3A_1227[0, 0] : f32 from vector<1x1xf32>
    %mul3A_1229 = vector.broadcast %squeeze3A_1228 : f32 to vector<128x128xf32>
    %mul3A_1230 = arith.mulf %squeeze3A_13, %mul3A_1229 : vector<128x128xf32>
    %add3A_1231 = arith.addf %add3A_1226, %mul3A_1230 : vector<128x128xf32>
    %slice3A_1232 = vector.extract_strided_slice %get3A_7 {offsets = [0, 40], sizes = [1, 1], strides = [1, 1]} : vector<1x128xf32> to vector<1x1xf32>
    %squeeze3A_1233 = vector.extract %slice3A_1232[0, 0] : f32 from vector<1x1xf32>
    %add3A_1234 = vector.broadcast %squeeze3A_1233 : f32 to vector<128x128xf32>
    %add3A_1235 = arith.addf %add3A_1231, %add3A_1234 : vector<128x128xf32>
    %max3A_1236 = arith.constant 0.000000e+00 : f32
    %max3A_1237 = vector.broadcast %max3A_1236 : f32 to vector<128x128xf32>
    %max3A_1238 = arith.maximumf %add3A_1235, %max3A_1237 : vector<128x128xf32>
    %mul3A_1239 = arith.mulf %max3A_1238, %squeeze3A_15 : vector<128x128xf32>
    %dot_general3A_1240 = arith.constant dense<0.000000e+00> : vector<128x128xf32>
    %dot_general3A_1241 = tpu.matmul %mul3A_1239, %broadcast_in_dim3A_16, %dot_general3A_1240 {dimension_numbers = #tpu.dot_dimension_numbers<[1], [0], [0], [1], [0, 0, 1, 1], [], []>, precision = #tpu.contract_precision<fp32>, transpose_lhs_hint = false} : vector<128x128xf32>, vector<128x128xf32>, vector<128x128xf32> -> vector<128x128xf32>
    %slice3A_1242 = vector.extract_strided_slice %dot_general3A_1241 {offsets = [0, 0], sizes = [128, 1], strides = [1, 1]} : vector<128x128xf32> to vector<128x1xf32>
    %slice3A_1243 = vector.extract_strided_slice %get3A_4 {offsets = [0, 41], sizes = [1, 1], strides = [1, 1]} : vector<8x128xf32> to vector<1x1xf32>
    %squeeze3A_1244 = vector.extract %slice3A_1243[0, 0] : f32 from vector<1x1xf32>
    %mul3A_1245 = vector.broadcast %squeeze3A_1244 : f32 to vector<128x128xf32>
    %mul3A_1246 = arith.mulf %squeeze3A, %mul3A_1245 : vector<128x128xf32>
    %slice3A_1247 = vector.extract_strided_slice %get3A_4 {offsets = [1, 41], sizes = [1, 1], strides = [1, 1]} : vector<8x128xf32> to vector<1x1xf32>
    %squeeze3A_1248 = vector.extract %slice3A_1247[0, 0] : f32 from vector<1x1xf32>
    %mul3A_1249 = vector.broadcast %squeeze3A_1248 : f32 to vector<128x128xf32>
    %mul3A_1250 = arith.mulf %squeeze3A_9, %mul3A_1249 : vector<128x128xf32>
    %add3A_1251 = arith.addf %mul3A_1246, %mul3A_1250 : vector<128x128xf32>
    %slice3A_1252 = vector.extract_strided_slice %get3A_4 {offsets = [2, 41], sizes = [1, 1], strides = [1, 1]} : vector<8x128xf32> to vector<1x1xf32>
    %squeeze3A_1253 = vector.extract %slice3A_1252[0, 0] : f32 from vector<1x1xf32>
    %mul3A_1254 = vector.broadcast %squeeze3A_1253 : f32 to vector<128x128xf32>
    %mul3A_1255 = arith.mulf %squeeze3A_11, %mul3A_1254 : vector<128x128xf32>
    %add3A_1256 = arith.addf %add3A_1251, %mul3A_1255 : vector<128x128xf32>
    %slice3A_1257 = vector.extract_strided_slice %get3A_4 {offsets = [3, 41], sizes = [1, 1], strides = [1, 1]} : vector<8x128xf32> to vector<1x1xf32>
    %squeeze3A_1258 = vector.extract %slice3A_1257[0, 0] : f32 from vector<1x1xf32>
    %mul3A_1259 = vector.broadcast %squeeze3A_1258 : f32 to vector<128x128xf32>
    %mul3A_1260 = arith.mulf %squeeze3A_13, %mul3A_1259 : vector<128x128xf32>
    %add3A_1261 = arith.addf %add3A_1256, %mul3A_1260 : vector<128x128xf32>
    %slice3A_1262 = vector.extract_strided_slice %get3A_7 {offsets = [0, 41], sizes = [1, 1], strides = [1, 1]} : vector<1x128xf32> to vector<1x1xf32>
    %squeeze3A_1263 = vector.extract %slice3A_1262[0, 0] : f32 from vector<1x1xf32>
    %add3A_1264 = vector.broadcast %squeeze3A_1263 : f32 to vector<128x128xf32>
    %add3A_1265 = arith.addf %add3A_1261, %add3A_1264 : vector<128x128xf32>
    %max3A_1266 = arith.constant 0.000000e+00 : f32
    %max3A_1267 = vector.broadcast %max3A_1266 : f32 to vector<128x128xf32>
    %max3A_1268 = arith.maximumf %add3A_1265, %max3A_1267 : vector<128x128xf32>
    %mul3A_1269 = arith.mulf %max3A_1268, %squeeze3A_15 : vector<128x128xf32>
    %dot_general3A_1270 = arith.constant dense<0.000000e+00> : vector<128x128xf32>
    %dot_general3A_1271 = tpu.matmul %mul3A_1269, %broadcast_in_dim3A_16, %dot_general3A_1270 {dimension_numbers = #tpu.dot_dimension_numbers<[1], [0], [0], [1], [0, 0, 1, 1], [], []>, precision = #tpu.contract_precision<fp32>, transpose_lhs_hint = false} : vector<128x128xf32>, vector<128x128xf32>, vector<128x128xf32> -> vector<128x128xf32>
    %slice3A_1272 = vector.extract_strided_slice %dot_general3A_1271 {offsets = [0, 0], sizes = [128, 1], strides = [1, 1]} : vector<128x128xf32> to vector<128x1xf32>
    %slice3A_1273 = vector.extract_strided_slice %get3A_4 {offsets = [0, 42], sizes = [1, 1], strides = [1, 1]} : vector<8x128xf32> to vector<1x1xf32>
    %squeeze3A_1274 = vector.extract %slice3A_1273[0, 0] : f32 from vector<1x1xf32>
    %mul3A_1275 = vector.broadcast %squeeze3A_1274 : f32 to vector<128x128xf32>
    %mul3A_1276 = arith.mulf %squeeze3A, %mul3A_1275 : vector<128x128xf32>
    %slice3A_1277 = vector.extract_strided_slice %get3A_4 {offsets = [1, 42], sizes = [1, 1], strides = [1, 1]} : vector<8x128xf32> to vector<1x1xf32>
    %squeeze3A_1278 = vector.extract %slice3A_1277[0, 0] : f32 from vector<1x1xf32>
    %mul3A_1279 = vector.broadcast %squeeze3A_1278 : f32 to vector<128x128xf32>
    %mul3A_1280 = arith.mulf %squeeze3A_9, %mul3A_1279 : vector<128x128xf32>
    %add3A_1281 = arith.addf %mul3A_1276, %mul3A_1280 : vector<128x128xf32>
    %slice3A_1282 = vector.extract_strided_slice %get3A_4 {offsets = [2, 42], sizes = [1, 1], strides = [1, 1]} : vector<8x128xf32> to vector<1x1xf32>
    %squeeze3A_1283 = vector.extract %slice3A_1282[0, 0] : f32 from vector<1x1xf32>
    %mul3A_1284 = vector.broadcast %squeeze3A_1283 : f32 to vector<128x128xf32>
    %mul3A_1285 = arith.mulf %squeeze3A_11, %mul3A_1284 : vector<128x128xf32>
    %add3A_1286 = arith.addf %add3A_1281, %mul3A_1285 : vector<128x128xf32>
    %slice3A_1287 = vector.extract_strided_slice %get3A_4 {offsets = [3, 42], sizes = [1, 1], strides = [1, 1]} : vector<8x128xf32> to vector<1x1xf32>
    %squeeze3A_1288 = vector.extract %slice3A_1287[0, 0] : f32 from vector<1x1xf32>
    %mul3A_1289 = vector.broadcast %squeeze3A_1288 : f32 to vector<128x128xf32>
    %mul3A_1290 = arith.mulf %squeeze3A_13, %mul3A_1289 : vector<128x128xf32>
    %add3A_1291 = arith.addf %add3A_1286, %mul3A_1290 : vector<128x128xf32>
    %slice3A_1292 = vector.extract_strided_slice %get3A_7 {offsets = [0, 42], sizes = [1, 1], strides = [1, 1]} : vector<1x128xf32> to vector<1x1xf32>
    %squeeze3A_1293 = vector.extract %slice3A_1292[0, 0] : f32 from vector<1x1xf32>
    %add3A_1294 = vector.broadcast %squeeze3A_1293 : f32 to vector<128x128xf32>
    %add3A_1295 = arith.addf %add3A_1291, %add3A_1294 : vector<128x128xf32>
    %max3A_1296 = arith.constant 0.000000e+00 : f32
    %max3A_1297 = vector.broadcast %max3A_1296 : f32 to vector<128x128xf32>
    %max3A_1298 = arith.maximumf %add3A_1295, %max3A_1297 : vector<128x128xf32>
    %mul3A_1299 = arith.mulf %max3A_1298, %squeeze3A_15 : vector<128x128xf32>
    %dot_general3A_1300 = arith.constant dense<0.000000e+00> : vector<128x128xf32>
    %dot_general3A_1301 = tpu.matmul %mul3A_1299, %broadcast_in_dim3A_16, %dot_general3A_1300 {dimension_numbers = #tpu.dot_dimension_numbers<[1], [0], [0], [1], [0, 0, 1, 1], [], []>, precision = #tpu.contract_precision<fp32>, transpose_lhs_hint = false} : vector<128x128xf32>, vector<128x128xf32>, vector<128x128xf32> -> vector<128x128xf32>
    %slice3A_1302 = vector.extract_strided_slice %dot_general3A_1301 {offsets = [0, 0], sizes = [128, 1], strides = [1, 1]} : vector<128x128xf32> to vector<128x1xf32>
    %slice3A_1303 = vector.extract_strided_slice %get3A_4 {offsets = [0, 43], sizes = [1, 1], strides = [1, 1]} : vector<8x128xf32> to vector<1x1xf32>
    %squeeze3A_1304 = vector.extract %slice3A_1303[0, 0] : f32 from vector<1x1xf32>
    %mul3A_1305 = vector.broadcast %squeeze3A_1304 : f32 to vector<128x128xf32>
    %mul3A_1306 = arith.mulf %squeeze3A, %mul3A_1305 : vector<128x128xf32>
    %slice3A_1307 = vector.extract_strided_slice %get3A_4 {offsets = [1, 43], sizes = [1, 1], strides = [1, 1]} : vector<8x128xf32> to vector<1x1xf32>
    %squeeze3A_1308 = vector.extract %slice3A_1307[0, 0] : f32 from vector<1x1xf32>
    %mul3A_1309 = vector.broadcast %squeeze3A_1308 : f32 to vector<128x128xf32>
    %mul3A_1310 = arith.mulf %squeeze3A_9, %mul3A_1309 : vector<128x128xf32>
    %add3A_1311 = arith.addf %mul3A_1306, %mul3A_1310 : vector<128x128xf32>
    %slice3A_1312 = vector.extract_strided_slice %get3A_4 {offsets = [2, 43], sizes = [1, 1], strides = [1, 1]} : vector<8x128xf32> to vector<1x1xf32>
    %squeeze3A_1313 = vector.extract %slice3A_1312[0, 0] : f32 from vector<1x1xf32>
    %mul3A_1314 = vector.broadcast %squeeze3A_1313 : f32 to vector<128x128xf32>
    %mul3A_1315 = arith.mulf %squeeze3A_11, %mul3A_1314 : vector<128x128xf32>
    %add3A_1316 = arith.addf %add3A_1311, %mul3A_1315 : vector<128x128xf32>
    %slice3A_1317 = vector.extract_strided_slice %get3A_4 {offsets = [3, 43], sizes = [1, 1], strides = [1, 1]} : vector<8x128xf32> to vector<1x1xf32>
    %squeeze3A_1318 = vector.extract %slice3A_1317[0, 0] : f32 from vector<1x1xf32>
    %mul3A_1319 = vector.broadcast %squeeze3A_1318 : f32 to vector<128x128xf32>
    %mul3A_1320 = arith.mulf %squeeze3A_13, %mul3A_1319 : vector<128x128xf32>
    %add3A_1321 = arith.addf %add3A_1316, %mul3A_1320 : vector<128x128xf32>
    %slice3A_1322 = vector.extract_strided_slice %get3A_7 {offsets = [0, 43], sizes = [1, 1], strides = [1, 1]} : vector<1x128xf32> to vector<1x1xf32>
    %squeeze3A_1323 = vector.extract %slice3A_1322[0, 0] : f32 from vector<1x1xf32>
    %add3A_1324 = vector.broadcast %squeeze3A_1323 : f32 to vector<128x128xf32>
    %add3A_1325 = arith.addf %add3A_1321, %add3A_1324 : vector<128x128xf32>
    %max3A_1326 = arith.constant 0.000000e+00 : f32
    %max3A_1327 = vector.broadcast %max3A_1326 : f32 to vector<128x128xf32>
    %max3A_1328 = arith.maximumf %add3A_1325, %max3A_1327 : vector<128x128xf32>
    %mul3A_1329 = arith.mulf %max3A_1328, %squeeze3A_15 : vector<128x128xf32>
    %dot_general3A_1330 = arith.constant dense<0.000000e+00> : vector<128x128xf32>
    %dot_general3A_1331 = tpu.matmul %mul3A_1329, %broadcast_in_dim3A_16, %dot_general3A_1330 {dimension_numbers = #tpu.dot_dimension_numbers<[1], [0], [0], [1], [0, 0, 1, 1], [], []>, precision = #tpu.contract_precision<fp32>, transpose_lhs_hint = false} : vector<128x128xf32>, vector<128x128xf32>, vector<128x128xf32> -> vector<128x128xf32>
    %slice3A_1332 = vector.extract_strided_slice %dot_general3A_1331 {offsets = [0, 0], sizes = [128, 1], strides = [1, 1]} : vector<128x128xf32> to vector<128x1xf32>
    %slice3A_1333 = vector.extract_strided_slice %get3A_4 {offsets = [0, 44], sizes = [1, 1], strides = [1, 1]} : vector<8x128xf32> to vector<1x1xf32>
    %squeeze3A_1334 = vector.extract %slice3A_1333[0, 0] : f32 from vector<1x1xf32>
    %mul3A_1335 = vector.broadcast %squeeze3A_1334 : f32 to vector<128x128xf32>
    %mul3A_1336 = arith.mulf %squeeze3A, %mul3A_1335 : vector<128x128xf32>
    %slice3A_1337 = vector.extract_strided_slice %get3A_4 {offsets = [1, 44], sizes = [1, 1], strides = [1, 1]} : vector<8x128xf32> to vector<1x1xf32>
    %squeeze3A_1338 = vector.extract %slice3A_1337[0, 0] : f32 from vector<1x1xf32>
    %mul3A_1339 = vector.broadcast %squeeze3A_1338 : f32 to vector<128x128xf32>
    %mul3A_1340 = arith.mulf %squeeze3A_9, %mul3A_1339 : vector<128x128xf32>
    %add3A_1341 = arith.addf %mul3A_1336, %mul3A_1340 : vector<128x128xf32>
    %slice3A_1342 = vector.extract_strided_slice %get3A_4 {offsets = [2, 44], sizes = [1, 1], strides = [1, 1]} : vector<8x128xf32> to vector<1x1xf32>
    %squeeze3A_1343 = vector.extract %slice3A_1342[0, 0] : f32 from vector<1x1xf32>
    %mul3A_1344 = vector.broadcast %squeeze3A_1343 : f32 to vector<128x128xf32>
    %mul3A_1345 = arith.mulf %squeeze3A_11, %mul3A_1344 : vector<128x128xf32>
    %add3A_1346 = arith.addf %add3A_1341, %mul3A_1345 : vector<128x128xf32>
    %slice3A_1347 = vector.extract_strided_slice %get3A_4 {offsets = [3, 44], sizes = [1, 1], strides = [1, 1]} : vector<8x128xf32> to vector<1x1xf32>
    %squeeze3A_1348 = vector.extract %slice3A_1347[0, 0] : f32 from vector<1x1xf32>
    %mul3A_1349 = vector.broadcast %squeeze3A_1348 : f32 to vector<128x128xf32>
    %mul3A_1350 = arith.mulf %squeeze3A_13, %mul3A_1349 : vector<128x128xf32>
    %add3A_1351 = arith.addf %add3A_1346, %mul3A_1350 : vector<128x128xf32>
    %slice3A_1352 = vector.extract_strided_slice %get3A_7 {offsets = [0, 44], sizes = [1, 1], strides = [1, 1]} : vector<1x128xf32> to vector<1x1xf32>
    %squeeze3A_1353 = vector.extract %slice3A_1352[0, 0] : f32 from vector<1x1xf32>
    %add3A_1354 = vector.broadcast %squeeze3A_1353 : f32 to vector<128x128xf32>
    %add3A_1355 = arith.addf %add3A_1351, %add3A_1354 : vector<128x128xf32>
    %max3A_1356 = arith.constant 0.000000e+00 : f32
    %max3A_1357 = vector.broadcast %max3A_1356 : f32 to vector<128x128xf32>
    %max3A_1358 = arith.maximumf %add3A_1355, %max3A_1357 : vector<128x128xf32>
    %mul3A_1359 = arith.mulf %max3A_1358, %squeeze3A_15 : vector<128x128xf32>
    %dot_general3A_1360 = arith.constant dense<0.000000e+00> : vector<128x128xf32>
    %dot_general3A_1361 = tpu.matmul %mul3A_1359, %broadcast_in_dim3A_16, %dot_general3A_1360 {dimension_numbers = #tpu.dot_dimension_numbers<[1], [0], [0], [1], [0, 0, 1, 1], [], []>, precision = #tpu.contract_precision<fp32>, transpose_lhs_hint = false} : vector<128x128xf32>, vector<128x128xf32>, vector<128x128xf32> -> vector<128x128xf32>
    %slice3A_1362 = vector.extract_strided_slice %dot_general3A_1361 {offsets = [0, 0], sizes = [128, 1], strides = [1, 1]} : vector<128x128xf32> to vector<128x1xf32>
    %slice3A_1363 = vector.extract_strided_slice %get3A_4 {offsets = [0, 45], sizes = [1, 1], strides = [1, 1]} : vector<8x128xf32> to vector<1x1xf32>
    %squeeze3A_1364 = vector.extract %slice3A_1363[0, 0] : f32 from vector<1x1xf32>
    %mul3A_1365 = vector.broadcast %squeeze3A_1364 : f32 to vector<128x128xf32>
    %mul3A_1366 = arith.mulf %squeeze3A, %mul3A_1365 : vector<128x128xf32>
    %slice3A_1367 = vector.extract_strided_slice %get3A_4 {offsets = [1, 45], sizes = [1, 1], strides = [1, 1]} : vector<8x128xf32> to vector<1x1xf32>
    %squeeze3A_1368 = vector.extract %slice3A_1367[0, 0] : f32 from vector<1x1xf32>
    %mul3A_1369 = vector.broadcast %squeeze3A_1368 : f32 to vector<128x128xf32>
    %mul3A_1370 = arith.mulf %squeeze3A_9, %mul3A_1369 : vector<128x128xf32>
    %add3A_1371 = arith.addf %mul3A_1366, %mul3A_1370 : vector<128x128xf32>
    %slice3A_1372 = vector.extract_strided_slice %get3A_4 {offsets = [2, 45], sizes = [1, 1], strides = [1, 1]} : vector<8x128xf32> to vector<1x1xf32>
    %squeeze3A_1373 = vector.extract %slice3A_1372[0, 0] : f32 from vector<1x1xf32>
    %mul3A_1374 = vector.broadcast %squeeze3A_1373 : f32 to vector<128x128xf32>
    %mul3A_1375 = arith.mulf %squeeze3A_11, %mul3A_1374 : vector<128x128xf32>
    %add3A_1376 = arith.addf %add3A_1371, %mul3A_1375 : vector<128x128xf32>
    %slice3A_1377 = vector.extract_strided_slice %get3A_4 {offsets = [3, 45], sizes = [1, 1], strides = [1, 1]} : vector<8x128xf32> to vector<1x1xf32>
    %squeeze3A_1378 = vector.extract %slice3A_1377[0, 0] : f32 from vector<1x1xf32>
    %mul3A_1379 = vector.broadcast %squeeze3A_1378 : f32 to vector<128x128xf32>
    %mul3A_1380 = arith.mulf %squeeze3A_13, %mul3A_1379 : vector<128x128xf32>
    %add3A_1381 = arith.addf %add3A_1376, %mul3A_1380 : vector<128x128xf32>
    %slice3A_1382 = vector.extract_strided_slice %get3A_7 {offsets = [0, 45], sizes = [1, 1], strides = [1, 1]} : vector<1x128xf32> to vector<1x1xf32>
    %squeeze3A_1383 = vector.extract %slice3A_1382[0, 0] : f32 from vector<1x1xf32>
    %add3A_1384 = vector.broadcast %squeeze3A_1383 : f32 to vector<128x128xf32>
    %add3A_1385 = arith.addf %add3A_1381, %add3A_1384 : vector<128x128xf32>
    %max3A_1386 = arith.constant 0.000000e+00 : f32
    %max3A_1387 = vector.broadcast %max3A_1386 : f32 to vector<128x128xf32>
    %max3A_1388 = arith.maximumf %add3A_1385, %max3A_1387 : vector<128x128xf32>
    %mul3A_1389 = arith.mulf %max3A_1388, %squeeze3A_15 : vector<128x128xf32>
    %dot_general3A_1390 = arith.constant dense<0.000000e+00> : vector<128x128xf32>
    %dot_general3A_1391 = tpu.matmul %mul3A_1389, %broadcast_in_dim3A_16, %dot_general3A_1390 {dimension_numbers = #tpu.dot_dimension_numbers<[1], [0], [0], [1], [0, 0, 1, 1], [], []>, precision = #tpu.contract_precision<fp32>, transpose_lhs_hint = false} : vector<128x128xf32>, vector<128x128xf32>, vector<128x128xf32> -> vector<128x128xf32>
    %slice3A_1392 = vector.extract_strided_slice %dot_general3A_1391 {offsets = [0, 0], sizes = [128, 1], strides = [1, 1]} : vector<128x128xf32> to vector<128x1xf32>
    %slice3A_1393 = vector.extract_strided_slice %get3A_4 {offsets = [0, 46], sizes = [1, 1], strides = [1, 1]} : vector<8x128xf32> to vector<1x1xf32>
    %squeeze3A_1394 = vector.extract %slice3A_1393[0, 0] : f32 from vector<1x1xf32>
    %mul3A_1395 = vector.broadcast %squeeze3A_1394 : f32 to vector<128x128xf32>
    %mul3A_1396 = arith.mulf %squeeze3A, %mul3A_1395 : vector<128x128xf32>
    %slice3A_1397 = vector.extract_strided_slice %get3A_4 {offsets = [1, 46], sizes = [1, 1], strides = [1, 1]} : vector<8x128xf32> to vector<1x1xf32>
    %squeeze3A_1398 = vector.extract %slice3A_1397[0, 0] : f32 from vector<1x1xf32>
    %mul3A_1399 = vector.broadcast %squeeze3A_1398 : f32 to vector<128x128xf32>
    %mul3A_1400 = arith.mulf %squeeze3A_9, %mul3A_1399 : vector<128x128xf32>
    %add3A_1401 = arith.addf %mul3A_1396, %mul3A_1400 : vector<128x128xf32>
    %slice3A_1402 = vector.extract_strided_slice %get3A_4 {offsets = [2, 46], sizes = [1, 1], strides = [1, 1]} : vector<8x128xf32> to vector<1x1xf32>
    %squeeze3A_1403 = vector.extract %slice3A_1402[0, 0] : f32 from vector<1x1xf32>
    %mul3A_1404 = vector.broadcast %squeeze3A_1403 : f32 to vector<128x128xf32>
    %mul3A_1405 = arith.mulf %squeeze3A_11, %mul3A_1404 : vector<128x128xf32>
    %add3A_1406 = arith.addf %add3A_1401, %mul3A_1405 : vector<128x128xf32>
    %slice3A_1407 = vector.extract_strided_slice %get3A_4 {offsets = [3, 46], sizes = [1, 1], strides = [1, 1]} : vector<8x128xf32> to vector<1x1xf32>
    %squeeze3A_1408 = vector.extract %slice3A_1407[0, 0] : f32 from vector<1x1xf32>
    %mul3A_1409 = vector.broadcast %squeeze3A_1408 : f32 to vector<128x128xf32>
    %mul3A_1410 = arith.mulf %squeeze3A_13, %mul3A_1409 : vector<128x128xf32>
    %add3A_1411 = arith.addf %add3A_1406, %mul3A_1410 : vector<128x128xf32>
    %slice3A_1412 = vector.extract_strided_slice %get3A_7 {offsets = [0, 46], sizes = [1, 1], strides = [1, 1]} : vector<1x128xf32> to vector<1x1xf32>
    %squeeze3A_1413 = vector.extract %slice3A_1412[0, 0] : f32 from vector<1x1xf32>
    %add3A_1414 = vector.broadcast %squeeze3A_1413 : f32 to vector<128x128xf32>
    %add3A_1415 = arith.addf %add3A_1411, %add3A_1414 : vector<128x128xf32>
    %max3A_1416 = arith.constant 0.000000e+00 : f32
    %max3A_1417 = vector.broadcast %max3A_1416 : f32 to vector<128x128xf32>
    %max3A_1418 = arith.maximumf %add3A_1415, %max3A_1417 : vector<128x128xf32>
    %mul3A_1419 = arith.mulf %max3A_1418, %squeeze3A_15 : vector<128x128xf32>
    %dot_general3A_1420 = arith.constant dense<0.000000e+00> : vector<128x128xf32>
    %dot_general3A_1421 = tpu.matmul %mul3A_1419, %broadcast_in_dim3A_16, %dot_general3A_1420 {dimension_numbers = #tpu.dot_dimension_numbers<[1], [0], [0], [1], [0, 0, 1, 1], [], []>, precision = #tpu.contract_precision<fp32>, transpose_lhs_hint = false} : vector<128x128xf32>, vector<128x128xf32>, vector<128x128xf32> -> vector<128x128xf32>
    %slice3A_1422 = vector.extract_strided_slice %dot_general3A_1421 {offsets = [0, 0], sizes = [128, 1], strides = [1, 1]} : vector<128x128xf32> to vector<128x1xf32>
    %slice3A_1423 = vector.extract_strided_slice %get3A_4 {offsets = [0, 47], sizes = [1, 1], strides = [1, 1]} : vector<8x128xf32> to vector<1x1xf32>
    %squeeze3A_1424 = vector.extract %slice3A_1423[0, 0] : f32 from vector<1x1xf32>
    %mul3A_1425 = vector.broadcast %squeeze3A_1424 : f32 to vector<128x128xf32>
    %mul3A_1426 = arith.mulf %squeeze3A, %mul3A_1425 : vector<128x128xf32>
    %slice3A_1427 = vector.extract_strided_slice %get3A_4 {offsets = [1, 47], sizes = [1, 1], strides = [1, 1]} : vector<8x128xf32> to vector<1x1xf32>
    %squeeze3A_1428 = vector.extract %slice3A_1427[0, 0] : f32 from vector<1x1xf32>
    %mul3A_1429 = vector.broadcast %squeeze3A_1428 : f32 to vector<128x128xf32>
    %mul3A_1430 = arith.mulf %squeeze3A_9, %mul3A_1429 : vector<128x128xf32>
    %add3A_1431 = arith.addf %mul3A_1426, %mul3A_1430 : vector<128x128xf32>
    %slice3A_1432 = vector.extract_strided_slice %get3A_4 {offsets = [2, 47], sizes = [1, 1], strides = [1, 1]} : vector<8x128xf32> to vector<1x1xf32>
    %squeeze3A_1433 = vector.extract %slice3A_1432[0, 0] : f32 from vector<1x1xf32>
    %mul3A_1434 = vector.broadcast %squeeze3A_1433 : f32 to vector<128x128xf32>
    %mul3A_1435 = arith.mulf %squeeze3A_11, %mul3A_1434 : vector<128x128xf32>
    %add3A_1436 = arith.addf %add3A_1431, %mul3A_1435 : vector<128x128xf32>
    %slice3A_1437 = vector.extract_strided_slice %get3A_4 {offsets = [3, 47], sizes = [1, 1], strides = [1, 1]} : vector<8x128xf32> to vector<1x1xf32>
    %squeeze3A_1438 = vector.extract %slice3A_1437[0, 0] : f32 from vector<1x1xf32>
    %mul3A_1439 = vector.broadcast %squeeze3A_1438 : f32 to vector<128x128xf32>
    %mul3A_1440 = arith.mulf %squeeze3A_13, %mul3A_1439 : vector<128x128xf32>
    %add3A_1441 = arith.addf %add3A_1436, %mul3A_1440 : vector<128x128xf32>
    %slice3A_1442 = vector.extract_strided_slice %get3A_7 {offsets = [0, 47], sizes = [1, 1], strides = [1, 1]} : vector<1x128xf32> to vector<1x1xf32>
    %squeeze3A_1443 = vector.extract %slice3A_1442[0, 0] : f32 from vector<1x1xf32>
    %add3A_1444 = vector.broadcast %squeeze3A_1443 : f32 to vector<128x128xf32>
    %add3A_1445 = arith.addf %add3A_1441, %add3A_1444 : vector<128x128xf32>
    %max3A_1446 = arith.constant 0.000000e+00 : f32
    %max3A_1447 = vector.broadcast %max3A_1446 : f32 to vector<128x128xf32>
    %max3A_1448 = arith.maximumf %add3A_1445, %max3A_1447 : vector<128x128xf32>
    %mul3A_1449 = arith.mulf %max3A_1448, %squeeze3A_15 : vector<128x128xf32>
    %dot_general3A_1450 = arith.constant dense<0.000000e+00> : vector<128x128xf32>
    %dot_general3A_1451 = tpu.matmul %mul3A_1449, %broadcast_in_dim3A_16, %dot_general3A_1450 {dimension_numbers = #tpu.dot_dimension_numbers<[1], [0], [0], [1], [0, 0, 1, 1], [], []>, precision = #tpu.contract_precision<fp32>, transpose_lhs_hint = false} : vector<128x128xf32>, vector<128x128xf32>, vector<128x128xf32> -> vector<128x128xf32>
    %slice3A_1452 = vector.extract_strided_slice %dot_general3A_1451 {offsets = [0, 0], sizes = [128, 1], strides = [1, 1]} : vector<128x128xf32> to vector<128x1xf32>
    %slice3A_1453 = vector.extract_strided_slice %get3A_4 {offsets = [0, 48], sizes = [1, 1], strides = [1, 1]} : vector<8x128xf32> to vector<1x1xf32>
    %squeeze3A_1454 = vector.extract %slice3A_1453[0, 0] : f32 from vector<1x1xf32>
    %mul3A_1455 = vector.broadcast %squeeze3A_1454 : f32 to vector<128x128xf32>
    %mul3A_1456 = arith.mulf %squeeze3A, %mul3A_1455 : vector<128x128xf32>
    %slice3A_1457 = vector.extract_strided_slice %get3A_4 {offsets = [1, 48], sizes = [1, 1], strides = [1, 1]} : vector<8x128xf32> to vector<1x1xf32>
    %squeeze3A_1458 = vector.extract %slice3A_1457[0, 0] : f32 from vector<1x1xf32>
    %mul3A_1459 = vector.broadcast %squeeze3A_1458 : f32 to vector<128x128xf32>
    %mul3A_1460 = arith.mulf %squeeze3A_9, %mul3A_1459 : vector<128x128xf32>
    %add3A_1461 = arith.addf %mul3A_1456, %mul3A_1460 : vector<128x128xf32>
    %slice3A_1462 = vector.extract_strided_slice %get3A_4 {offsets = [2, 48], sizes = [1, 1], strides = [1, 1]} : vector<8x128xf32> to vector<1x1xf32>
    %squeeze3A_1463 = vector.extract %slice3A_1462[0, 0] : f32 from vector<1x1xf32>
    %mul3A_1464 = vector.broadcast %squeeze3A_1463 : f32 to vector<128x128xf32>
    %mul3A_1465 = arith.mulf %squeeze3A_11, %mul3A_1464 : vector<128x128xf32>
    %add3A_1466 = arith.addf %add3A_1461, %mul3A_1465 : vector<128x128xf32>
    %slice3A_1467 = vector.extract_strided_slice %get3A_4 {offsets = [3, 48], sizes = [1, 1], strides = [1, 1]} : vector<8x128xf32> to vector<1x1xf32>
    %squeeze3A_1468 = vector.extract %slice3A_1467[0, 0] : f32 from vector<1x1xf32>
    %mul3A_1469 = vector.broadcast %squeeze3A_1468 : f32 to vector<128x128xf32>
    %mul3A_1470 = arith.mulf %squeeze3A_13, %mul3A_1469 : vector<128x128xf32>
    %add3A_1471 = arith.addf %add3A_1466, %mul3A_1470 : vector<128x128xf32>
    %slice3A_1472 = vector.extract_strided_slice %get3A_7 {offsets = [0, 48], sizes = [1, 1], strides = [1, 1]} : vector<1x128xf32> to vector<1x1xf32>
    %squeeze3A_1473 = vector.extract %slice3A_1472[0, 0] : f32 from vector<1x1xf32>
    %add3A_1474 = vector.broadcast %squeeze3A_1473 : f32 to vector<128x128xf32>
    %add3A_1475 = arith.addf %add3A_1471, %add3A_1474 : vector<128x128xf32>
    %max3A_1476 = arith.constant 0.000000e+00 : f32
    %max3A_1477 = vector.broadcast %max3A_1476 : f32 to vector<128x128xf32>
    %max3A_1478 = arith.maximumf %add3A_1475, %max3A_1477 : vector<128x128xf32>
    %mul3A_1479 = arith.mulf %max3A_1478, %squeeze3A_15 : vector<128x128xf32>
    %dot_general3A_1480 = arith.constant dense<0.000000e+00> : vector<128x128xf32>
    %dot_general3A_1481 = tpu.matmul %mul3A_1479, %broadcast_in_dim3A_16, %dot_general3A_1480 {dimension_numbers = #tpu.dot_dimension_numbers<[1], [0], [0], [1], [0, 0, 1, 1], [], []>, precision = #tpu.contract_precision<fp32>, transpose_lhs_hint = false} : vector<128x128xf32>, vector<128x128xf32>, vector<128x128xf32> -> vector<128x128xf32>
    %slice3A_1482 = vector.extract_strided_slice %dot_general3A_1481 {offsets = [0, 0], sizes = [128, 1], strides = [1, 1]} : vector<128x128xf32> to vector<128x1xf32>
    %slice3A_1483 = vector.extract_strided_slice %get3A_4 {offsets = [0, 49], sizes = [1, 1], strides = [1, 1]} : vector<8x128xf32> to vector<1x1xf32>
    %squeeze3A_1484 = vector.extract %slice3A_1483[0, 0] : f32 from vector<1x1xf32>
    %mul3A_1485 = vector.broadcast %squeeze3A_1484 : f32 to vector<128x128xf32>
    %mul3A_1486 = arith.mulf %squeeze3A, %mul3A_1485 : vector<128x128xf32>
    %slice3A_1487 = vector.extract_strided_slice %get3A_4 {offsets = [1, 49], sizes = [1, 1], strides = [1, 1]} : vector<8x128xf32> to vector<1x1xf32>
    %squeeze3A_1488 = vector.extract %slice3A_1487[0, 0] : f32 from vector<1x1xf32>
    %mul3A_1489 = vector.broadcast %squeeze3A_1488 : f32 to vector<128x128xf32>
    %mul3A_1490 = arith.mulf %squeeze3A_9, %mul3A_1489 : vector<128x128xf32>
    %add3A_1491 = arith.addf %mul3A_1486, %mul3A_1490 : vector<128x128xf32>
    %slice3A_1492 = vector.extract_strided_slice %get3A_4 {offsets = [2, 49], sizes = [1, 1], strides = [1, 1]} : vector<8x128xf32> to vector<1x1xf32>
    %squeeze3A_1493 = vector.extract %slice3A_1492[0, 0] : f32 from vector<1x1xf32>
    %mul3A_1494 = vector.broadcast %squeeze3A_1493 : f32 to vector<128x128xf32>
    %mul3A_1495 = arith.mulf %squeeze3A_11, %mul3A_1494 : vector<128x128xf32>
    %add3A_1496 = arith.addf %add3A_1491, %mul3A_1495 : vector<128x128xf32>
    %slice3A_1497 = vector.extract_strided_slice %get3A_4 {offsets = [3, 49], sizes = [1, 1], strides = [1, 1]} : vector<8x128xf32> to vector<1x1xf32>
    %squeeze3A_1498 = vector.extract %slice3A_1497[0, 0] : f32 from vector<1x1xf32>
    %mul3A_1499 = vector.broadcast %squeeze3A_1498 : f32 to vector<128x128xf32>
    %mul3A_1500 = arith.mulf %squeeze3A_13, %mul3A_1499 : vector<128x128xf32>
    %add3A_1501 = arith.addf %add3A_1496, %mul3A_1500 : vector<128x128xf32>
    %slice3A_1502 = vector.extract_strided_slice %get3A_7 {offsets = [0, 49], sizes = [1, 1], strides = [1, 1]} : vector<1x128xf32> to vector<1x1xf32>
    %squeeze3A_1503 = vector.extract %slice3A_1502[0, 0] : f32 from vector<1x1xf32>
    %add3A_1504 = vector.broadcast %squeeze3A_1503 : f32 to vector<128x128xf32>
    %add3A_1505 = arith.addf %add3A_1501, %add3A_1504 : vector<128x128xf32>
    %max3A_1506 = arith.constant 0.000000e+00 : f32
    %max3A_1507 = vector.broadcast %max3A_1506 : f32 to vector<128x128xf32>
    %max3A_1508 = arith.maximumf %add3A_1505, %max3A_1507 : vector<128x128xf32>
    %mul3A_1509 = arith.mulf %max3A_1508, %squeeze3A_15 : vector<128x128xf32>
    %dot_general3A_1510 = arith.constant dense<0.000000e+00> : vector<128x128xf32>
    %dot_general3A_1511 = tpu.matmul %mul3A_1509, %broadcast_in_dim3A_16, %dot_general3A_1510 {dimension_numbers = #tpu.dot_dimension_numbers<[1], [0], [0], [1], [0, 0, 1, 1], [], []>, precision = #tpu.contract_precision<fp32>, transpose_lhs_hint = false} : vector<128x128xf32>, vector<128x128xf32>, vector<128x128xf32> -> vector<128x128xf32>
    %slice3A_1512 = vector.extract_strided_slice %dot_general3A_1511 {offsets = [0, 0], sizes = [128, 1], strides = [1, 1]} : vector<128x128xf32> to vector<128x1xf32>
    %slice3A_1513 = vector.extract_strided_slice %get3A_4 {offsets = [0, 50], sizes = [1, 1], strides = [1, 1]} : vector<8x128xf32> to vector<1x1xf32>
    %squeeze3A_1514 = vector.extract %slice3A_1513[0, 0] : f32 from vector<1x1xf32>
    %mul3A_1515 = vector.broadcast %squeeze3A_1514 : f32 to vector<128x128xf32>
    %mul3A_1516 = arith.mulf %squeeze3A, %mul3A_1515 : vector<128x128xf32>
    %slice3A_1517 = vector.extract_strided_slice %get3A_4 {offsets = [1, 50], sizes = [1, 1], strides = [1, 1]} : vector<8x128xf32> to vector<1x1xf32>
    %squeeze3A_1518 = vector.extract %slice3A_1517[0, 0] : f32 from vector<1x1xf32>
    %mul3A_1519 = vector.broadcast %squeeze3A_1518 : f32 to vector<128x128xf32>
    %mul3A_1520 = arith.mulf %squeeze3A_9, %mul3A_1519 : vector<128x128xf32>
    %add3A_1521 = arith.addf %mul3A_1516, %mul3A_1520 : vector<128x128xf32>
    %slice3A_1522 = vector.extract_strided_slice %get3A_4 {offsets = [2, 50], sizes = [1, 1], strides = [1, 1]} : vector<8x128xf32> to vector<1x1xf32>
    %squeeze3A_1523 = vector.extract %slice3A_1522[0, 0] : f32 from vector<1x1xf32>
    %mul3A_1524 = vector.broadcast %squeeze3A_1523 : f32 to vector<128x128xf32>
    %mul3A_1525 = arith.mulf %squeeze3A_11, %mul3A_1524 : vector<128x128xf32>
    %add3A_1526 = arith.addf %add3A_1521, %mul3A_1525 : vector<128x128xf32>
    %slice3A_1527 = vector.extract_strided_slice %get3A_4 {offsets = [3, 50], sizes = [1, 1], strides = [1, 1]} : vector<8x128xf32> to vector<1x1xf32>
    %squeeze3A_1528 = vector.extract %slice3A_1527[0, 0] : f32 from vector<1x1xf32>
    %mul3A_1529 = vector.broadcast %squeeze3A_1528 : f32 to vector<128x128xf32>
    %mul3A_1530 = arith.mulf %squeeze3A_13, %mul3A_1529 : vector<128x128xf32>
    %add3A_1531 = arith.addf %add3A_1526, %mul3A_1530 : vector<128x128xf32>
    %slice3A_1532 = vector.extract_strided_slice %get3A_7 {offsets = [0, 50], sizes = [1, 1], strides = [1, 1]} : vector<1x128xf32> to vector<1x1xf32>
    %squeeze3A_1533 = vector.extract %slice3A_1532[0, 0] : f32 from vector<1x1xf32>
    %add3A_1534 = vector.broadcast %squeeze3A_1533 : f32 to vector<128x128xf32>
    %add3A_1535 = arith.addf %add3A_1531, %add3A_1534 : vector<128x128xf32>
    %max3A_1536 = arith.constant 0.000000e+00 : f32
    %max3A_1537 = vector.broadcast %max3A_1536 : f32 to vector<128x128xf32>
    %max3A_1538 = arith.maximumf %add3A_1535, %max3A_1537 : vector<128x128xf32>
    %mul3A_1539 = arith.mulf %max3A_1538, %squeeze3A_15 : vector<128x128xf32>
    %dot_general3A_1540 = arith.constant dense<0.000000e+00> : vector<128x128xf32>
    %dot_general3A_1541 = tpu.matmul %mul3A_1539, %broadcast_in_dim3A_16, %dot_general3A_1540 {dimension_numbers = #tpu.dot_dimension_numbers<[1], [0], [0], [1], [0, 0, 1, 1], [], []>, precision = #tpu.contract_precision<fp32>, transpose_lhs_hint = false} : vector<128x128xf32>, vector<128x128xf32>, vector<128x128xf32> -> vector<128x128xf32>
    %slice3A_1542 = vector.extract_strided_slice %dot_general3A_1541 {offsets = [0, 0], sizes = [128, 1], strides = [1, 1]} : vector<128x128xf32> to vector<128x1xf32>
    %slice3A_1543 = vector.extract_strided_slice %get3A_4 {offsets = [0, 51], sizes = [1, 1], strides = [1, 1]} : vector<8x128xf32> to vector<1x1xf32>
    %squeeze3A_1544 = vector.extract %slice3A_1543[0, 0] : f32 from vector<1x1xf32>
    %mul3A_1545 = vector.broadcast %squeeze3A_1544 : f32 to vector<128x128xf32>
    %mul3A_1546 = arith.mulf %squeeze3A, %mul3A_1545 : vector<128x128xf32>
    %slice3A_1547 = vector.extract_strided_slice %get3A_4 {offsets = [1, 51], sizes = [1, 1], strides = [1, 1]} : vector<8x128xf32> to vector<1x1xf32>
    %squeeze3A_1548 = vector.extract %slice3A_1547[0, 0] : f32 from vector<1x1xf32>
    %mul3A_1549 = vector.broadcast %squeeze3A_1548 : f32 to vector<128x128xf32>
    %mul3A_1550 = arith.mulf %squeeze3A_9, %mul3A_1549 : vector<128x128xf32>
    %add3A_1551 = arith.addf %mul3A_1546, %mul3A_1550 : vector<128x128xf32>
    %slice3A_1552 = vector.extract_strided_slice %get3A_4 {offsets = [2, 51], sizes = [1, 1], strides = [1, 1]} : vector<8x128xf32> to vector<1x1xf32>
    %squeeze3A_1553 = vector.extract %slice3A_1552[0, 0] : f32 from vector<1x1xf32>
    %mul3A_1554 = vector.broadcast %squeeze3A_1553 : f32 to vector<128x128xf32>
    %mul3A_1555 = arith.mulf %squeeze3A_11, %mul3A_1554 : vector<128x128xf32>
    %add3A_1556 = arith.addf %add3A_1551, %mul3A_1555 : vector<128x128xf32>
    %slice3A_1557 = vector.extract_strided_slice %get3A_4 {offsets = [3, 51], sizes = [1, 1], strides = [1, 1]} : vector<8x128xf32> to vector<1x1xf32>
    %squeeze3A_1558 = vector.extract %slice3A_1557[0, 0] : f32 from vector<1x1xf32>
    %mul3A_1559 = vector.broadcast %squeeze3A_1558 : f32 to vector<128x128xf32>
    %mul3A_1560 = arith.mulf %squeeze3A_13, %mul3A_1559 : vector<128x128xf32>
    %add3A_1561 = arith.addf %add3A_1556, %mul3A_1560 : vector<128x128xf32>
    %slice3A_1562 = vector.extract_strided_slice %get3A_7 {offsets = [0, 51], sizes = [1, 1], strides = [1, 1]} : vector<1x128xf32> to vector<1x1xf32>
    %squeeze3A_1563 = vector.extract %slice3A_1562[0, 0] : f32 from vector<1x1xf32>
    %add3A_1564 = vector.broadcast %squeeze3A_1563 : f32 to vector<128x128xf32>
    %add3A_1565 = arith.addf %add3A_1561, %add3A_1564 : vector<128x128xf32>
    %max3A_1566 = arith.constant 0.000000e+00 : f32
    %max3A_1567 = vector.broadcast %max3A_1566 : f32 to vector<128x128xf32>
    %max3A_1568 = arith.maximumf %add3A_1565, %max3A_1567 : vector<128x128xf32>
    %mul3A_1569 = arith.mulf %max3A_1568, %squeeze3A_15 : vector<128x128xf32>
    %dot_general3A_1570 = arith.constant dense<0.000000e+00> : vector<128x128xf32>
    %dot_general3A_1571 = tpu.matmul %mul3A_1569, %broadcast_in_dim3A_16, %dot_general3A_1570 {dimension_numbers = #tpu.dot_dimension_numbers<[1], [0], [0], [1], [0, 0, 1, 1], [], []>, precision = #tpu.contract_precision<fp32>, transpose_lhs_hint = false} : vector<128x128xf32>, vector<128x128xf32>, vector<128x128xf32> -> vector<128x128xf32>
    %slice3A_1572 = vector.extract_strided_slice %dot_general3A_1571 {offsets = [0, 0], sizes = [128, 1], strides = [1, 1]} : vector<128x128xf32> to vector<128x1xf32>
    %slice3A_1573 = vector.extract_strided_slice %get3A_4 {offsets = [0, 52], sizes = [1, 1], strides = [1, 1]} : vector<8x128xf32> to vector<1x1xf32>
    %squeeze3A_1574 = vector.extract %slice3A_1573[0, 0] : f32 from vector<1x1xf32>
    %mul3A_1575 = vector.broadcast %squeeze3A_1574 : f32 to vector<128x128xf32>
    %mul3A_1576 = arith.mulf %squeeze3A, %mul3A_1575 : vector<128x128xf32>
    %slice3A_1577 = vector.extract_strided_slice %get3A_4 {offsets = [1, 52], sizes = [1, 1], strides = [1, 1]} : vector<8x128xf32> to vector<1x1xf32>
    %squeeze3A_1578 = vector.extract %slice3A_1577[0, 0] : f32 from vector<1x1xf32>
    %mul3A_1579 = vector.broadcast %squeeze3A_1578 : f32 to vector<128x128xf32>
    %mul3A_1580 = arith.mulf %squeeze3A_9, %mul3A_1579 : vector<128x128xf32>
    %add3A_1581 = arith.addf %mul3A_1576, %mul3A_1580 : vector<128x128xf32>
    %slice3A_1582 = vector.extract_strided_slice %get3A_4 {offsets = [2, 52], sizes = [1, 1], strides = [1, 1]} : vector<8x128xf32> to vector<1x1xf32>
    %squeeze3A_1583 = vector.extract %slice3A_1582[0, 0] : f32 from vector<1x1xf32>
    %mul3A_1584 = vector.broadcast %squeeze3A_1583 : f32 to vector<128x128xf32>
    %mul3A_1585 = arith.mulf %squeeze3A_11, %mul3A_1584 : vector<128x128xf32>
    %add3A_1586 = arith.addf %add3A_1581, %mul3A_1585 : vector<128x128xf32>
    %slice3A_1587 = vector.extract_strided_slice %get3A_4 {offsets = [3, 52], sizes = [1, 1], strides = [1, 1]} : vector<8x128xf32> to vector<1x1xf32>
    %squeeze3A_1588 = vector.extract %slice3A_1587[0, 0] : f32 from vector<1x1xf32>
    %mul3A_1589 = vector.broadcast %squeeze3A_1588 : f32 to vector<128x128xf32>
    %mul3A_1590 = arith.mulf %squeeze3A_13, %mul3A_1589 : vector<128x128xf32>
    %add3A_1591 = arith.addf %add3A_1586, %mul3A_1590 : vector<128x128xf32>
    %slice3A_1592 = vector.extract_strided_slice %get3A_7 {offsets = [0, 52], sizes = [1, 1], strides = [1, 1]} : vector<1x128xf32> to vector<1x1xf32>
    %squeeze3A_1593 = vector.extract %slice3A_1592[0, 0] : f32 from vector<1x1xf32>
    %add3A_1594 = vector.broadcast %squeeze3A_1593 : f32 to vector<128x128xf32>
    %add3A_1595 = arith.addf %add3A_1591, %add3A_1594 : vector<128x128xf32>
    %max3A_1596 = arith.constant 0.000000e+00 : f32
    %max3A_1597 = vector.broadcast %max3A_1596 : f32 to vector<128x128xf32>
    %max3A_1598 = arith.maximumf %add3A_1595, %max3A_1597 : vector<128x128xf32>
    %mul3A_1599 = arith.mulf %max3A_1598, %squeeze3A_15 : vector<128x128xf32>
    %dot_general3A_1600 = arith.constant dense<0.000000e+00> : vector<128x128xf32>
    %dot_general3A_1601 = tpu.matmul %mul3A_1599, %broadcast_in_dim3A_16, %dot_general3A_1600 {dimension_numbers = #tpu.dot_dimension_numbers<[1], [0], [0], [1], [0, 0, 1, 1], [], []>, precision = #tpu.contract_precision<fp32>, transpose_lhs_hint = false} : vector<128x128xf32>, vector<128x128xf32>, vector<128x128xf32> -> vector<128x128xf32>
    %slice3A_1602 = vector.extract_strided_slice %dot_general3A_1601 {offsets = [0, 0], sizes = [128, 1], strides = [1, 1]} : vector<128x128xf32> to vector<128x1xf32>
    %slice3A_1603 = vector.extract_strided_slice %get3A_4 {offsets = [0, 53], sizes = [1, 1], strides = [1, 1]} : vector<8x128xf32> to vector<1x1xf32>
    %squeeze3A_1604 = vector.extract %slice3A_1603[0, 0] : f32 from vector<1x1xf32>
    %mul3A_1605 = vector.broadcast %squeeze3A_1604 : f32 to vector<128x128xf32>
    %mul3A_1606 = arith.mulf %squeeze3A, %mul3A_1605 : vector<128x128xf32>
    %slice3A_1607 = vector.extract_strided_slice %get3A_4 {offsets = [1, 53], sizes = [1, 1], strides = [1, 1]} : vector<8x128xf32> to vector<1x1xf32>
    %squeeze3A_1608 = vector.extract %slice3A_1607[0, 0] : f32 from vector<1x1xf32>
    %mul3A_1609 = vector.broadcast %squeeze3A_1608 : f32 to vector<128x128xf32>
    %mul3A_1610 = arith.mulf %squeeze3A_9, %mul3A_1609 : vector<128x128xf32>
    %add3A_1611 = arith.addf %mul3A_1606, %mul3A_1610 : vector<128x128xf32>
    %slice3A_1612 = vector.extract_strided_slice %get3A_4 {offsets = [2, 53], sizes = [1, 1], strides = [1, 1]} : vector<8x128xf32> to vector<1x1xf32>
    %squeeze3A_1613 = vector.extract %slice3A_1612[0, 0] : f32 from vector<1x1xf32>
    %mul3A_1614 = vector.broadcast %squeeze3A_1613 : f32 to vector<128x128xf32>
    %mul3A_1615 = arith.mulf %squeeze3A_11, %mul3A_1614 : vector<128x128xf32>
    %add3A_1616 = arith.addf %add3A_1611, %mul3A_1615 : vector<128x128xf32>
    %slice3A_1617 = vector.extract_strided_slice %get3A_4 {offsets = [3, 53], sizes = [1, 1], strides = [1, 1]} : vector<8x128xf32> to vector<1x1xf32>
    %squeeze3A_1618 = vector.extract %slice3A_1617[0, 0] : f32 from vector<1x1xf32>
    %mul3A_1619 = vector.broadcast %squeeze3A_1618 : f32 to vector<128x128xf32>
    %mul3A_1620 = arith.mulf %squeeze3A_13, %mul3A_1619 : vector<128x128xf32>
    %add3A_1621 = arith.addf %add3A_1616, %mul3A_1620 : vector<128x128xf32>
    %slice3A_1622 = vector.extract_strided_slice %get3A_7 {offsets = [0, 53], sizes = [1, 1], strides = [1, 1]} : vector<1x128xf32> to vector<1x1xf32>
    %squeeze3A_1623 = vector.extract %slice3A_1622[0, 0] : f32 from vector<1x1xf32>
    %add3A_1624 = vector.broadcast %squeeze3A_1623 : f32 to vector<128x128xf32>
    %add3A_1625 = arith.addf %add3A_1621, %add3A_1624 : vector<128x128xf32>
    %max3A_1626 = arith.constant 0.000000e+00 : f32
    %max3A_1627 = vector.broadcast %max3A_1626 : f32 to vector<128x128xf32>
    %max3A_1628 = arith.maximumf %add3A_1625, %max3A_1627 : vector<128x128xf32>
    %mul3A_1629 = arith.mulf %max3A_1628, %squeeze3A_15 : vector<128x128xf32>
    %dot_general3A_1630 = arith.constant dense<0.000000e+00> : vector<128x128xf32>
    %dot_general3A_1631 = tpu.matmul %mul3A_1629, %broadcast_in_dim3A_16, %dot_general3A_1630 {dimension_numbers = #tpu.dot_dimension_numbers<[1], [0], [0], [1], [0, 0, 1, 1], [], []>, precision = #tpu.contract_precision<fp32>, transpose_lhs_hint = false} : vector<128x128xf32>, vector<128x128xf32>, vector<128x128xf32> -> vector<128x128xf32>
    %slice3A_1632 = vector.extract_strided_slice %dot_general3A_1631 {offsets = [0, 0], sizes = [128, 1], strides = [1, 1]} : vector<128x128xf32> to vector<128x1xf32>
    %slice3A_1633 = vector.extract_strided_slice %get3A_4 {offsets = [0, 54], sizes = [1, 1], strides = [1, 1]} : vector<8x128xf32> to vector<1x1xf32>
    %squeeze3A_1634 = vector.extract %slice3A_1633[0, 0] : f32 from vector<1x1xf32>
    %mul3A_1635 = vector.broadcast %squeeze3A_1634 : f32 to vector<128x128xf32>
    %mul3A_1636 = arith.mulf %squeeze3A, %mul3A_1635 : vector<128x128xf32>
    %slice3A_1637 = vector.extract_strided_slice %get3A_4 {offsets = [1, 54], sizes = [1, 1], strides = [1, 1]} : vector<8x128xf32> to vector<1x1xf32>
    %squeeze3A_1638 = vector.extract %slice3A_1637[0, 0] : f32 from vector<1x1xf32>
    %mul3A_1639 = vector.broadcast %squeeze3A_1638 : f32 to vector<128x128xf32>
    %mul3A_1640 = arith.mulf %squeeze3A_9, %mul3A_1639 : vector<128x128xf32>
    %add3A_1641 = arith.addf %mul3A_1636, %mul3A_1640 : vector<128x128xf32>
    %slice3A_1642 = vector.extract_strided_slice %get3A_4 {offsets = [2, 54], sizes = [1, 1], strides = [1, 1]} : vector<8x128xf32> to vector<1x1xf32>
    %squeeze3A_1643 = vector.extract %slice3A_1642[0, 0] : f32 from vector<1x1xf32>
    %mul3A_1644 = vector.broadcast %squeeze3A_1643 : f32 to vector<128x128xf32>
    %mul3A_1645 = arith.mulf %squeeze3A_11, %mul3A_1644 : vector<128x128xf32>
    %add3A_1646 = arith.addf %add3A_1641, %mul3A_1645 : vector<128x128xf32>
    %slice3A_1647 = vector.extract_strided_slice %get3A_4 {offsets = [3, 54], sizes = [1, 1], strides = [1, 1]} : vector<8x128xf32> to vector<1x1xf32>
    %squeeze3A_1648 = vector.extract %slice3A_1647[0, 0] : f32 from vector<1x1xf32>
    %mul3A_1649 = vector.broadcast %squeeze3A_1648 : f32 to vector<128x128xf32>
    %mul3A_1650 = arith.mulf %squeeze3A_13, %mul3A_1649 : vector<128x128xf32>
    %add3A_1651 = arith.addf %add3A_1646, %mul3A_1650 : vector<128x128xf32>
    %slice3A_1652 = vector.extract_strided_slice %get3A_7 {offsets = [0, 54], sizes = [1, 1], strides = [1, 1]} : vector<1x128xf32> to vector<1x1xf32>
    %squeeze3A_1653 = vector.extract %slice3A_1652[0, 0] : f32 from vector<1x1xf32>
    %add3A_1654 = vector.broadcast %squeeze3A_1653 : f32 to vector<128x128xf32>
    %add3A_1655 = arith.addf %add3A_1651, %add3A_1654 : vector<128x128xf32>
    %max3A_1656 = arith.constant 0.000000e+00 : f32
    %max3A_1657 = vector.broadcast %max3A_1656 : f32 to vector<128x128xf32>
    %max3A_1658 = arith.maximumf %add3A_1655, %max3A_1657 : vector<128x128xf32>
    %mul3A_1659 = arith.mulf %max3A_1658, %squeeze3A_15 : vector<128x128xf32>
    %dot_general3A_1660 = arith.constant dense<0.000000e+00> : vector<128x128xf32>
    %dot_general3A_1661 = tpu.matmul %mul3A_1659, %broadcast_in_dim3A_16, %dot_general3A_1660 {dimension_numbers = #tpu.dot_dimension_numbers<[1], [0], [0], [1], [0, 0, 1, 1], [], []>, precision = #tpu.contract_precision<fp32>, transpose_lhs_hint = false} : vector<128x128xf32>, vector<128x128xf32>, vector<128x128xf32> -> vector<128x128xf32>
    %slice3A_1662 = vector.extract_strided_slice %dot_general3A_1661 {offsets = [0, 0], sizes = [128, 1], strides = [1, 1]} : vector<128x128xf32> to vector<128x1xf32>
    %slice3A_1663 = vector.extract_strided_slice %get3A_4 {offsets = [0, 55], sizes = [1, 1], strides = [1, 1]} : vector<8x128xf32> to vector<1x1xf32>
    %squeeze3A_1664 = vector.extract %slice3A_1663[0, 0] : f32 from vector<1x1xf32>
    %mul3A_1665 = vector.broadcast %squeeze3A_1664 : f32 to vector<128x128xf32>
    %mul3A_1666 = arith.mulf %squeeze3A, %mul3A_1665 : vector<128x128xf32>
    %slice3A_1667 = vector.extract_strided_slice %get3A_4 {offsets = [1, 55], sizes = [1, 1], strides = [1, 1]} : vector<8x128xf32> to vector<1x1xf32>
    %squeeze3A_1668 = vector.extract %slice3A_1667[0, 0] : f32 from vector<1x1xf32>
    %mul3A_1669 = vector.broadcast %squeeze3A_1668 : f32 to vector<128x128xf32>
    %mul3A_1670 = arith.mulf %squeeze3A_9, %mul3A_1669 : vector<128x128xf32>
    %add3A_1671 = arith.addf %mul3A_1666, %mul3A_1670 : vector<128x128xf32>
    %slice3A_1672 = vector.extract_strided_slice %get3A_4 {offsets = [2, 55], sizes = [1, 1], strides = [1, 1]} : vector<8x128xf32> to vector<1x1xf32>
    %squeeze3A_1673 = vector.extract %slice3A_1672[0, 0] : f32 from vector<1x1xf32>
    %mul3A_1674 = vector.broadcast %squeeze3A_1673 : f32 to vector<128x128xf32>
    %mul3A_1675 = arith.mulf %squeeze3A_11, %mul3A_1674 : vector<128x128xf32>
    %add3A_1676 = arith.addf %add3A_1671, %mul3A_1675 : vector<128x128xf32>
    %slice3A_1677 = vector.extract_strided_slice %get3A_4 {offsets = [3, 55], sizes = [1, 1], strides = [1, 1]} : vector<8x128xf32> to vector<1x1xf32>
    %squeeze3A_1678 = vector.extract %slice3A_1677[0, 0] : f32 from vector<1x1xf32>
    %mul3A_1679 = vector.broadcast %squeeze3A_1678 : f32 to vector<128x128xf32>
    %mul3A_1680 = arith.mulf %squeeze3A_13, %mul3A_1679 : vector<128x128xf32>
    %add3A_1681 = arith.addf %add3A_1676, %mul3A_1680 : vector<128x128xf32>
    %slice3A_1682 = vector.extract_strided_slice %get3A_7 {offsets = [0, 55], sizes = [1, 1], strides = [1, 1]} : vector<1x128xf32> to vector<1x1xf32>
    %squeeze3A_1683 = vector.extract %slice3A_1682[0, 0] : f32 from vector<1x1xf32>
    %add3A_1684 = vector.broadcast %squeeze3A_1683 : f32 to vector<128x128xf32>
    %add3A_1685 = arith.addf %add3A_1681, %add3A_1684 : vector<128x128xf32>
    %max3A_1686 = arith.constant 0.000000e+00 : f32
    %max3A_1687 = vector.broadcast %max3A_1686 : f32 to vector<128x128xf32>
    %max3A_1688 = arith.maximumf %add3A_1685, %max3A_1687 : vector<128x128xf32>
    %mul3A_1689 = arith.mulf %max3A_1688, %squeeze3A_15 : vector<128x128xf32>
    %dot_general3A_1690 = arith.constant dense<0.000000e+00> : vector<128x128xf32>
    %dot_general3A_1691 = tpu.matmul %mul3A_1689, %broadcast_in_dim3A_16, %dot_general3A_1690 {dimension_numbers = #tpu.dot_dimension_numbers<[1], [0], [0], [1], [0, 0, 1, 1], [], []>, precision = #tpu.contract_precision<fp32>, transpose_lhs_hint = false} : vector<128x128xf32>, vector<128x128xf32>, vector<128x128xf32> -> vector<128x128xf32>
    %slice3A_1692 = vector.extract_strided_slice %dot_general3A_1691 {offsets = [0, 0], sizes = [128, 1], strides = [1, 1]} : vector<128x128xf32> to vector<128x1xf32>
    %slice3A_1693 = vector.extract_strided_slice %get3A_4 {offsets = [0, 56], sizes = [1, 1], strides = [1, 1]} : vector<8x128xf32> to vector<1x1xf32>
    %squeeze3A_1694 = vector.extract %slice3A_1693[0, 0] : f32 from vector<1x1xf32>
    %mul3A_1695 = vector.broadcast %squeeze3A_1694 : f32 to vector<128x128xf32>
    %mul3A_1696 = arith.mulf %squeeze3A, %mul3A_1695 : vector<128x128xf32>
    %slice3A_1697 = vector.extract_strided_slice %get3A_4 {offsets = [1, 56], sizes = [1, 1], strides = [1, 1]} : vector<8x128xf32> to vector<1x1xf32>
    %squeeze3A_1698 = vector.extract %slice3A_1697[0, 0] : f32 from vector<1x1xf32>
    %mul3A_1699 = vector.broadcast %squeeze3A_1698 : f32 to vector<128x128xf32>
    %mul3A_1700 = arith.mulf %squeeze3A_9, %mul3A_1699 : vector<128x128xf32>
    %add3A_1701 = arith.addf %mul3A_1696, %mul3A_1700 : vector<128x128xf32>
    %slice3A_1702 = vector.extract_strided_slice %get3A_4 {offsets = [2, 56], sizes = [1, 1], strides = [1, 1]} : vector<8x128xf32> to vector<1x1xf32>
    %squeeze3A_1703 = vector.extract %slice3A_1702[0, 0] : f32 from vector<1x1xf32>
    %mul3A_1704 = vector.broadcast %squeeze3A_1703 : f32 to vector<128x128xf32>
    %mul3A_1705 = arith.mulf %squeeze3A_11, %mul3A_1704 : vector<128x128xf32>
    %add3A_1706 = arith.addf %add3A_1701, %mul3A_1705 : vector<128x128xf32>
    %slice3A_1707 = vector.extract_strided_slice %get3A_4 {offsets = [3, 56], sizes = [1, 1], strides = [1, 1]} : vector<8x128xf32> to vector<1x1xf32>
    %squeeze3A_1708 = vector.extract %slice3A_1707[0, 0] : f32 from vector<1x1xf32>
    %mul3A_1709 = vector.broadcast %squeeze3A_1708 : f32 to vector<128x128xf32>
    %mul3A_1710 = arith.mulf %squeeze3A_13, %mul3A_1709 : vector<128x128xf32>
    %add3A_1711 = arith.addf %add3A_1706, %mul3A_1710 : vector<128x128xf32>
    %slice3A_1712 = vector.extract_strided_slice %get3A_7 {offsets = [0, 56], sizes = [1, 1], strides = [1, 1]} : vector<1x128xf32> to vector<1x1xf32>
    %squeeze3A_1713 = vector.extract %slice3A_1712[0, 0] : f32 from vector<1x1xf32>
    %add3A_1714 = vector.broadcast %squeeze3A_1713 : f32 to vector<128x128xf32>
    %add3A_1715 = arith.addf %add3A_1711, %add3A_1714 : vector<128x128xf32>
    %max3A_1716 = arith.constant 0.000000e+00 : f32
    %max3A_1717 = vector.broadcast %max3A_1716 : f32 to vector<128x128xf32>
    %max3A_1718 = arith.maximumf %add3A_1715, %max3A_1717 : vector<128x128xf32>
    %mul3A_1719 = arith.mulf %max3A_1718, %squeeze3A_15 : vector<128x128xf32>
    %dot_general3A_1720 = arith.constant dense<0.000000e+00> : vector<128x128xf32>
    %dot_general3A_1721 = tpu.matmul %mul3A_1719, %broadcast_in_dim3A_16, %dot_general3A_1720 {dimension_numbers = #tpu.dot_dimension_numbers<[1], [0], [0], [1], [0, 0, 1, 1], [], []>, precision = #tpu.contract_precision<fp32>, transpose_lhs_hint = false} : vector<128x128xf32>, vector<128x128xf32>, vector<128x128xf32> -> vector<128x128xf32>
    %slice3A_1722 = vector.extract_strided_slice %dot_general3A_1721 {offsets = [0, 0], sizes = [128, 1], strides = [1, 1]} : vector<128x128xf32> to vector<128x1xf32>
    %slice3A_1723 = vector.extract_strided_slice %get3A_4 {offsets = [0, 57], sizes = [1, 1], strides = [1, 1]} : vector<8x128xf32> to vector<1x1xf32>
    %squeeze3A_1724 = vector.extract %slice3A_1723[0, 0] : f32 from vector<1x1xf32>
    %mul3A_1725 = vector.broadcast %squeeze3A_1724 : f32 to vector<128x128xf32>
    %mul3A_1726 = arith.mulf %squeeze3A, %mul3A_1725 : vector<128x128xf32>
    %slice3A_1727 = vector.extract_strided_slice %get3A_4 {offsets = [1, 57], sizes = [1, 1], strides = [1, 1]} : vector<8x128xf32> to vector<1x1xf32>
    %squeeze3A_1728 = vector.extract %slice3A_1727[0, 0] : f32 from vector<1x1xf32>
    %mul3A_1729 = vector.broadcast %squeeze3A_1728 : f32 to vector<128x128xf32>
    %mul3A_1730 = arith.mulf %squeeze3A_9, %mul3A_1729 : vector<128x128xf32>
    %add3A_1731 = arith.addf %mul3A_1726, %mul3A_1730 : vector<128x128xf32>
    %slice3A_1732 = vector.extract_strided_slice %get3A_4 {offsets = [2, 57], sizes = [1, 1], strides = [1, 1]} : vector<8x128xf32> to vector<1x1xf32>
    %squeeze3A_1733 = vector.extract %slice3A_1732[0, 0] : f32 from vector<1x1xf32>
    %mul3A_1734 = vector.broadcast %squeeze3A_1733 : f32 to vector<128x128xf32>
    %mul3A_1735 = arith.mulf %squeeze3A_11, %mul3A_1734 : vector<128x128xf32>
    %add3A_1736 = arith.addf %add3A_1731, %mul3A_1735 : vector<128x128xf32>
    %slice3A_1737 = vector.extract_strided_slice %get3A_4 {offsets = [3, 57], sizes = [1, 1], strides = [1, 1]} : vector<8x128xf32> to vector<1x1xf32>
    %squeeze3A_1738 = vector.extract %slice3A_1737[0, 0] : f32 from vector<1x1xf32>
    %mul3A_1739 = vector.broadcast %squeeze3A_1738 : f32 to vector<128x128xf32>
    %mul3A_1740 = arith.mulf %squeeze3A_13, %mul3A_1739 : vector<128x128xf32>
    %add3A_1741 = arith.addf %add3A_1736, %mul3A_1740 : vector<128x128xf32>
    %slice3A_1742 = vector.extract_strided_slice %get3A_7 {offsets = [0, 57], sizes = [1, 1], strides = [1, 1]} : vector<1x128xf32> to vector<1x1xf32>
    %squeeze3A_1743 = vector.extract %slice3A_1742[0, 0] : f32 from vector<1x1xf32>
    %add3A_1744 = vector.broadcast %squeeze3A_1743 : f32 to vector<128x128xf32>
    %add3A_1745 = arith.addf %add3A_1741, %add3A_1744 : vector<128x128xf32>
    %max3A_1746 = arith.constant 0.000000e+00 : f32
    %max3A_1747 = vector.broadcast %max3A_1746 : f32 to vector<128x128xf32>
    %max3A_1748 = arith.maximumf %add3A_1745, %max3A_1747 : vector<128x128xf32>
    %mul3A_1749 = arith.mulf %max3A_1748, %squeeze3A_15 : vector<128x128xf32>
    %dot_general3A_1750 = arith.constant dense<0.000000e+00> : vector<128x128xf32>
    %dot_general3A_1751 = tpu.matmul %mul3A_1749, %broadcast_in_dim3A_16, %dot_general3A_1750 {dimension_numbers = #tpu.dot_dimension_numbers<[1], [0], [0], [1], [0, 0, 1, 1], [], []>, precision = #tpu.contract_precision<fp32>, transpose_lhs_hint = false} : vector<128x128xf32>, vector<128x128xf32>, vector<128x128xf32> -> vector<128x128xf32>
    %slice3A_1752 = vector.extract_strided_slice %dot_general3A_1751 {offsets = [0, 0], sizes = [128, 1], strides = [1, 1]} : vector<128x128xf32> to vector<128x1xf32>
    %slice3A_1753 = vector.extract_strided_slice %get3A_4 {offsets = [0, 58], sizes = [1, 1], strides = [1, 1]} : vector<8x128xf32> to vector<1x1xf32>
    %squeeze3A_1754 = vector.extract %slice3A_1753[0, 0] : f32 from vector<1x1xf32>
    %mul3A_1755 = vector.broadcast %squeeze3A_1754 : f32 to vector<128x128xf32>
    %mul3A_1756 = arith.mulf %squeeze3A, %mul3A_1755 : vector<128x128xf32>
    %slice3A_1757 = vector.extract_strided_slice %get3A_4 {offsets = [1, 58], sizes = [1, 1], strides = [1, 1]} : vector<8x128xf32> to vector<1x1xf32>
    %squeeze3A_1758 = vector.extract %slice3A_1757[0, 0] : f32 from vector<1x1xf32>
    %mul3A_1759 = vector.broadcast %squeeze3A_1758 : f32 to vector<128x128xf32>
    %mul3A_1760 = arith.mulf %squeeze3A_9, %mul3A_1759 : vector<128x128xf32>
    %add3A_1761 = arith.addf %mul3A_1756, %mul3A_1760 : vector<128x128xf32>
    %slice3A_1762 = vector.extract_strided_slice %get3A_4 {offsets = [2, 58], sizes = [1, 1], strides = [1, 1]} : vector<8x128xf32> to vector<1x1xf32>
    %squeeze3A_1763 = vector.extract %slice3A_1762[0, 0] : f32 from vector<1x1xf32>
    %mul3A_1764 = vector.broadcast %squeeze3A_1763 : f32 to vector<128x128xf32>
    %mul3A_1765 = arith.mulf %squeeze3A_11, %mul3A_1764 : vector<128x128xf32>
    %add3A_1766 = arith.addf %add3A_1761, %mul3A_1765 : vector<128x128xf32>
    %slice3A_1767 = vector.extract_strided_slice %get3A_4 {offsets = [3, 58], sizes = [1, 1], strides = [1, 1]} : vector<8x128xf32> to vector<1x1xf32>
    %squeeze3A_1768 = vector.extract %slice3A_1767[0, 0] : f32 from vector<1x1xf32>
    %mul3A_1769 = vector.broadcast %squeeze3A_1768 : f32 to vector<128x128xf32>
    %mul3A_1770 = arith.mulf %squeeze3A_13, %mul3A_1769 : vector<128x128xf32>
    %add3A_1771 = arith.addf %add3A_1766, %mul3A_1770 : vector<128x128xf32>
    %slice3A_1772 = vector.extract_strided_slice %get3A_7 {offsets = [0, 58], sizes = [1, 1], strides = [1, 1]} : vector<1x128xf32> to vector<1x1xf32>
    %squeeze3A_1773 = vector.extract %slice3A_1772[0, 0] : f32 from vector<1x1xf32>
    %add3A_1774 = vector.broadcast %squeeze3A_1773 : f32 to vector<128x128xf32>
    %add3A_1775 = arith.addf %add3A_1771, %add3A_1774 : vector<128x128xf32>
    %max3A_1776 = arith.constant 0.000000e+00 : f32
    %max3A_1777 = vector.broadcast %max3A_1776 : f32 to vector<128x128xf32>
    %max3A_1778 = arith.maximumf %add3A_1775, %max3A_1777 : vector<128x128xf32>
    %mul3A_1779 = arith.mulf %max3A_1778, %squeeze3A_15 : vector<128x128xf32>
    %dot_general3A_1780 = arith.constant dense<0.000000e+00> : vector<128x128xf32>
    %dot_general3A_1781 = tpu.matmul %mul3A_1779, %broadcast_in_dim3A_16, %dot_general3A_1780 {dimension_numbers = #tpu.dot_dimension_numbers<[1], [0], [0], [1], [0, 0, 1, 1], [], []>, precision = #tpu.contract_precision<fp32>, transpose_lhs_hint = false} : vector<128x128xf32>, vector<128x128xf32>, vector<128x128xf32> -> vector<128x128xf32>
    %slice3A_1782 = vector.extract_strided_slice %dot_general3A_1781 {offsets = [0, 0], sizes = [128, 1], strides = [1, 1]} : vector<128x128xf32> to vector<128x1xf32>
    %slice3A_1783 = vector.extract_strided_slice %get3A_4 {offsets = [0, 59], sizes = [1, 1], strides = [1, 1]} : vector<8x128xf32> to vector<1x1xf32>
    %squeeze3A_1784 = vector.extract %slice3A_1783[0, 0] : f32 from vector<1x1xf32>
    %mul3A_1785 = vector.broadcast %squeeze3A_1784 : f32 to vector<128x128xf32>
    %mul3A_1786 = arith.mulf %squeeze3A, %mul3A_1785 : vector<128x128xf32>
    %slice3A_1787 = vector.extract_strided_slice %get3A_4 {offsets = [1, 59], sizes = [1, 1], strides = [1, 1]} : vector<8x128xf32> to vector<1x1xf32>
    %squeeze3A_1788 = vector.extract %slice3A_1787[0, 0] : f32 from vector<1x1xf32>
    %mul3A_1789 = vector.broadcast %squeeze3A_1788 : f32 to vector<128x128xf32>
    %mul3A_1790 = arith.mulf %squeeze3A_9, %mul3A_1789 : vector<128x128xf32>
    %add3A_1791 = arith.addf %mul3A_1786, %mul3A_1790 : vector<128x128xf32>
    %slice3A_1792 = vector.extract_strided_slice %get3A_4 {offsets = [2, 59], sizes = [1, 1], strides = [1, 1]} : vector<8x128xf32> to vector<1x1xf32>
    %squeeze3A_1793 = vector.extract %slice3A_1792[0, 0] : f32 from vector<1x1xf32>
    %mul3A_1794 = vector.broadcast %squeeze3A_1793 : f32 to vector<128x128xf32>
    %mul3A_1795 = arith.mulf %squeeze3A_11, %mul3A_1794 : vector<128x128xf32>
    %add3A_1796 = arith.addf %add3A_1791, %mul3A_1795 : vector<128x128xf32>
    %slice3A_1797 = vector.extract_strided_slice %get3A_4 {offsets = [3, 59], sizes = [1, 1], strides = [1, 1]} : vector<8x128xf32> to vector<1x1xf32>
    %squeeze3A_1798 = vector.extract %slice3A_1797[0, 0] : f32 from vector<1x1xf32>
    %mul3A_1799 = vector.broadcast %squeeze3A_1798 : f32 to vector<128x128xf32>
    %mul3A_1800 = arith.mulf %squeeze3A_13, %mul3A_1799 : vector<128x128xf32>
    %add3A_1801 = arith.addf %add3A_1796, %mul3A_1800 : vector<128x128xf32>
    %slice3A_1802 = vector.extract_strided_slice %get3A_7 {offsets = [0, 59], sizes = [1, 1], strides = [1, 1]} : vector<1x128xf32> to vector<1x1xf32>
    %squeeze3A_1803 = vector.extract %slice3A_1802[0, 0] : f32 from vector<1x1xf32>
    %add3A_1804 = vector.broadcast %squeeze3A_1803 : f32 to vector<128x128xf32>
    %add3A_1805 = arith.addf %add3A_1801, %add3A_1804 : vector<128x128xf32>
    %max3A_1806 = arith.constant 0.000000e+00 : f32
    %max3A_1807 = vector.broadcast %max3A_1806 : f32 to vector<128x128xf32>
    %max3A_1808 = arith.maximumf %add3A_1805, %max3A_1807 : vector<128x128xf32>
    %mul3A_1809 = arith.mulf %max3A_1808, %squeeze3A_15 : vector<128x128xf32>
    %dot_general3A_1810 = arith.constant dense<0.000000e+00> : vector<128x128xf32>
    %dot_general3A_1811 = tpu.matmul %mul3A_1809, %broadcast_in_dim3A_16, %dot_general3A_1810 {dimension_numbers = #tpu.dot_dimension_numbers<[1], [0], [0], [1], [0, 0, 1, 1], [], []>, precision = #tpu.contract_precision<fp32>, transpose_lhs_hint = false} : vector<128x128xf32>, vector<128x128xf32>, vector<128x128xf32> -> vector<128x128xf32>
    %slice3A_1812 = vector.extract_strided_slice %dot_general3A_1811 {offsets = [0, 0], sizes = [128, 1], strides = [1, 1]} : vector<128x128xf32> to vector<128x1xf32>
    %slice3A_1813 = vector.extract_strided_slice %get3A_4 {offsets = [0, 60], sizes = [1, 1], strides = [1, 1]} : vector<8x128xf32> to vector<1x1xf32>
    %squeeze3A_1814 = vector.extract %slice3A_1813[0, 0] : f32 from vector<1x1xf32>
    %mul3A_1815 = vector.broadcast %squeeze3A_1814 : f32 to vector<128x128xf32>
    %mul3A_1816 = arith.mulf %squeeze3A, %mul3A_1815 : vector<128x128xf32>
    %slice3A_1817 = vector.extract_strided_slice %get3A_4 {offsets = [1, 60], sizes = [1, 1], strides = [1, 1]} : vector<8x128xf32> to vector<1x1xf32>
    %squeeze3A_1818 = vector.extract %slice3A_1817[0, 0] : f32 from vector<1x1xf32>
    %mul3A_1819 = vector.broadcast %squeeze3A_1818 : f32 to vector<128x128xf32>
    %mul3A_1820 = arith.mulf %squeeze3A_9, %mul3A_1819 : vector<128x128xf32>
    %add3A_1821 = arith.addf %mul3A_1816, %mul3A_1820 : vector<128x128xf32>
    %slice3A_1822 = vector.extract_strided_slice %get3A_4 {offsets = [2, 60], sizes = [1, 1], strides = [1, 1]} : vector<8x128xf32> to vector<1x1xf32>
    %squeeze3A_1823 = vector.extract %slice3A_1822[0, 0] : f32 from vector<1x1xf32>
    %mul3A_1824 = vector.broadcast %squeeze3A_1823 : f32 to vector<128x128xf32>
    %mul3A_1825 = arith.mulf %squeeze3A_11, %mul3A_1824 : vector<128x128xf32>
    %add3A_1826 = arith.addf %add3A_1821, %mul3A_1825 : vector<128x128xf32>
    %slice3A_1827 = vector.extract_strided_slice %get3A_4 {offsets = [3, 60], sizes = [1, 1], strides = [1, 1]} : vector<8x128xf32> to vector<1x1xf32>
    %squeeze3A_1828 = vector.extract %slice3A_1827[0, 0] : f32 from vector<1x1xf32>
    %mul3A_1829 = vector.broadcast %squeeze3A_1828 : f32 to vector<128x128xf32>
    %mul3A_1830 = arith.mulf %squeeze3A_13, %mul3A_1829 : vector<128x128xf32>
    %add3A_1831 = arith.addf %add3A_1826, %mul3A_1830 : vector<128x128xf32>
    %slice3A_1832 = vector.extract_strided_slice %get3A_7 {offsets = [0, 60], sizes = [1, 1], strides = [1, 1]} : vector<1x128xf32> to vector<1x1xf32>
    %squeeze3A_1833 = vector.extract %slice3A_1832[0, 0] : f32 from vector<1x1xf32>
    %add3A_1834 = vector.broadcast %squeeze3A_1833 : f32 to vector<128x128xf32>
    %add3A_1835 = arith.addf %add3A_1831, %add3A_1834 : vector<128x128xf32>
    %max3A_1836 = arith.constant 0.000000e+00 : f32
    %max3A_1837 = vector.broadcast %max3A_1836 : f32 to vector<128x128xf32>
    %max3A_1838 = arith.maximumf %add3A_1835, %max3A_1837 : vector<128x128xf32>
    %mul3A_1839 = arith.mulf %max3A_1838, %squeeze3A_15 : vector<128x128xf32>
    %dot_general3A_1840 = arith.constant dense<0.000000e+00> : vector<128x128xf32>
    %dot_general3A_1841 = tpu.matmul %mul3A_1839, %broadcast_in_dim3A_16, %dot_general3A_1840 {dimension_numbers = #tpu.dot_dimension_numbers<[1], [0], [0], [1], [0, 0, 1, 1], [], []>, precision = #tpu.contract_precision<fp32>, transpose_lhs_hint = false} : vector<128x128xf32>, vector<128x128xf32>, vector<128x128xf32> -> vector<128x128xf32>
    %slice3A_1842 = vector.extract_strided_slice %dot_general3A_1841 {offsets = [0, 0], sizes = [128, 1], strides = [1, 1]} : vector<128x128xf32> to vector<128x1xf32>
    %slice3A_1843 = vector.extract_strided_slice %get3A_4 {offsets = [0, 61], sizes = [1, 1], strides = [1, 1]} : vector<8x128xf32> to vector<1x1xf32>
    %squeeze3A_1844 = vector.extract %slice3A_1843[0, 0] : f32 from vector<1x1xf32>
    %mul3A_1845 = vector.broadcast %squeeze3A_1844 : f32 to vector<128x128xf32>
    %mul3A_1846 = arith.mulf %squeeze3A, %mul3A_1845 : vector<128x128xf32>
    %slice3A_1847 = vector.extract_strided_slice %get3A_4 {offsets = [1, 61], sizes = [1, 1], strides = [1, 1]} : vector<8x128xf32> to vector<1x1xf32>
    %squeeze3A_1848 = vector.extract %slice3A_1847[0, 0] : f32 from vector<1x1xf32>
    %mul3A_1849 = vector.broadcast %squeeze3A_1848 : f32 to vector<128x128xf32>
    %mul3A_1850 = arith.mulf %squeeze3A_9, %mul3A_1849 : vector<128x128xf32>
    %add3A_1851 = arith.addf %mul3A_1846, %mul3A_1850 : vector<128x128xf32>
    %slice3A_1852 = vector.extract_strided_slice %get3A_4 {offsets = [2, 61], sizes = [1, 1], strides = [1, 1]} : vector<8x128xf32> to vector<1x1xf32>
    %squeeze3A_1853 = vector.extract %slice3A_1852[0, 0] : f32 from vector<1x1xf32>
    %mul3A_1854 = vector.broadcast %squeeze3A_1853 : f32 to vector<128x128xf32>
    %mul3A_1855 = arith.mulf %squeeze3A_11, %mul3A_1854 : vector<128x128xf32>
    %add3A_1856 = arith.addf %add3A_1851, %mul3A_1855 : vector<128x128xf32>
    %slice3A_1857 = vector.extract_strided_slice %get3A_4 {offsets = [3, 61], sizes = [1, 1], strides = [1, 1]} : vector<8x128xf32> to vector<1x1xf32>
    %squeeze3A_1858 = vector.extract %slice3A_1857[0, 0] : f32 from vector<1x1xf32>
    %mul3A_1859 = vector.broadcast %squeeze3A_1858 : f32 to vector<128x128xf32>
    %mul3A_1860 = arith.mulf %squeeze3A_13, %mul3A_1859 : vector<128x128xf32>
    %add3A_1861 = arith.addf %add3A_1856, %mul3A_1860 : vector<128x128xf32>
    %slice3A_1862 = vector.extract_strided_slice %get3A_7 {offsets = [0, 61], sizes = [1, 1], strides = [1, 1]} : vector<1x128xf32> to vector<1x1xf32>
    %squeeze3A_1863 = vector.extract %slice3A_1862[0, 0] : f32 from vector<1x1xf32>
    %add3A_1864 = vector.broadcast %squeeze3A_1863 : f32 to vector<128x128xf32>
    %add3A_1865 = arith.addf %add3A_1861, %add3A_1864 : vector<128x128xf32>
    %max3A_1866 = arith.constant 0.000000e+00 : f32
    %max3A_1867 = vector.broadcast %max3A_1866 : f32 to vector<128x128xf32>
    %max3A_1868 = arith.maximumf %add3A_1865, %max3A_1867 : vector<128x128xf32>
    %mul3A_1869 = arith.mulf %max3A_1868, %squeeze3A_15 : vector<128x128xf32>
    %dot_general3A_1870 = arith.constant dense<0.000000e+00> : vector<128x128xf32>
    %dot_general3A_1871 = tpu.matmul %mul3A_1869, %broadcast_in_dim3A_16, %dot_general3A_1870 {dimension_numbers = #tpu.dot_dimension_numbers<[1], [0], [0], [1], [0, 0, 1, 1], [], []>, precision = #tpu.contract_precision<fp32>, transpose_lhs_hint = false} : vector<128x128xf32>, vector<128x128xf32>, vector<128x128xf32> -> vector<128x128xf32>
    %slice3A_1872 = vector.extract_strided_slice %dot_general3A_1871 {offsets = [0, 0], sizes = [128, 1], strides = [1, 1]} : vector<128x128xf32> to vector<128x1xf32>
    %slice3A_1873 = vector.extract_strided_slice %get3A_4 {offsets = [0, 62], sizes = [1, 1], strides = [1, 1]} : vector<8x128xf32> to vector<1x1xf32>
    %squeeze3A_1874 = vector.extract %slice3A_1873[0, 0] : f32 from vector<1x1xf32>
    %mul3A_1875 = vector.broadcast %squeeze3A_1874 : f32 to vector<128x128xf32>
    %mul3A_1876 = arith.mulf %squeeze3A, %mul3A_1875 : vector<128x128xf32>
    %slice3A_1877 = vector.extract_strided_slice %get3A_4 {offsets = [1, 62], sizes = [1, 1], strides = [1, 1]} : vector<8x128xf32> to vector<1x1xf32>
    %squeeze3A_1878 = vector.extract %slice3A_1877[0, 0] : f32 from vector<1x1xf32>
    %mul3A_1879 = vector.broadcast %squeeze3A_1878 : f32 to vector<128x128xf32>
    %mul3A_1880 = arith.mulf %squeeze3A_9, %mul3A_1879 : vector<128x128xf32>
    %add3A_1881 = arith.addf %mul3A_1876, %mul3A_1880 : vector<128x128xf32>
    %slice3A_1882 = vector.extract_strided_slice %get3A_4 {offsets = [2, 62], sizes = [1, 1], strides = [1, 1]} : vector<8x128xf32> to vector<1x1xf32>
    %squeeze3A_1883 = vector.extract %slice3A_1882[0, 0] : f32 from vector<1x1xf32>
    %mul3A_1884 = vector.broadcast %squeeze3A_1883 : f32 to vector<128x128xf32>
    %mul3A_1885 = arith.mulf %squeeze3A_11, %mul3A_1884 : vector<128x128xf32>
    %add3A_1886 = arith.addf %add3A_1881, %mul3A_1885 : vector<128x128xf32>
    %slice3A_1887 = vector.extract_strided_slice %get3A_4 {offsets = [3, 62], sizes = [1, 1], strides = [1, 1]} : vector<8x128xf32> to vector<1x1xf32>
    %squeeze3A_1888 = vector.extract %slice3A_1887[0, 0] : f32 from vector<1x1xf32>
    %mul3A_1889 = vector.broadcast %squeeze3A_1888 : f32 to vector<128x128xf32>
    %mul3A_1890 = arith.mulf %squeeze3A_13, %mul3A_1889 : vector<128x128xf32>
    %add3A_1891 = arith.addf %add3A_1886, %mul3A_1890 : vector<128x128xf32>
    %slice3A_1892 = vector.extract_strided_slice %get3A_7 {offsets = [0, 62], sizes = [1, 1], strides = [1, 1]} : vector<1x128xf32> to vector<1x1xf32>
    %squeeze3A_1893 = vector.extract %slice3A_1892[0, 0] : f32 from vector<1x1xf32>
    %add3A_1894 = vector.broadcast %squeeze3A_1893 : f32 to vector<128x128xf32>
    %add3A_1895 = arith.addf %add3A_1891, %add3A_1894 : vector<128x128xf32>
    %max3A_1896 = arith.constant 0.000000e+00 : f32
    %max3A_1897 = vector.broadcast %max3A_1896 : f32 to vector<128x128xf32>
    %max3A_1898 = arith.maximumf %add3A_1895, %max3A_1897 : vector<128x128xf32>
    %mul3A_1899 = arith.mulf %max3A_1898, %squeeze3A_15 : vector<128x128xf32>
    %dot_general3A_1900 = arith.constant dense<0.000000e+00> : vector<128x128xf32>
    %dot_general3A_1901 = tpu.matmul %mul3A_1899, %broadcast_in_dim3A_16, %dot_general3A_1900 {dimension_numbers = #tpu.dot_dimension_numbers<[1], [0], [0], [1], [0, 0, 1, 1], [], []>, precision = #tpu.contract_precision<fp32>, transpose_lhs_hint = false} : vector<128x128xf32>, vector<128x128xf32>, vector<128x128xf32> -> vector<128x128xf32>
    %slice3A_1902 = vector.extract_strided_slice %dot_general3A_1901 {offsets = [0, 0], sizes = [128, 1], strides = [1, 1]} : vector<128x128xf32> to vector<128x1xf32>
    %slice3A_1903 = vector.extract_strided_slice %get3A_4 {offsets = [0, 63], sizes = [1, 1], strides = [1, 1]} : vector<8x128xf32> to vector<1x1xf32>
    %squeeze3A_1904 = vector.extract %slice3A_1903[0, 0] : f32 from vector<1x1xf32>
    %mul3A_1905 = vector.broadcast %squeeze3A_1904 : f32 to vector<128x128xf32>
    %mul3A_1906 = arith.mulf %squeeze3A, %mul3A_1905 : vector<128x128xf32>
    %slice3A_1907 = vector.extract_strided_slice %get3A_4 {offsets = [1, 63], sizes = [1, 1], strides = [1, 1]} : vector<8x128xf32> to vector<1x1xf32>
    %squeeze3A_1908 = vector.extract %slice3A_1907[0, 0] : f32 from vector<1x1xf32>
    %mul3A_1909 = vector.broadcast %squeeze3A_1908 : f32 to vector<128x128xf32>
    %mul3A_1910 = arith.mulf %squeeze3A_9, %mul3A_1909 : vector<128x128xf32>
    %add3A_1911 = arith.addf %mul3A_1906, %mul3A_1910 : vector<128x128xf32>
    %slice3A_1912 = vector.extract_strided_slice %get3A_4 {offsets = [2, 63], sizes = [1, 1], strides = [1, 1]} : vector<8x128xf32> to vector<1x1xf32>
    %squeeze3A_1913 = vector.extract %slice3A_1912[0, 0] : f32 from vector<1x1xf32>
    %mul3A_1914 = vector.broadcast %squeeze3A_1913 : f32 to vector<128x128xf32>
    %mul3A_1915 = arith.mulf %squeeze3A_11, %mul3A_1914 : vector<128x128xf32>
    %add3A_1916 = arith.addf %add3A_1911, %mul3A_1915 : vector<128x128xf32>
    %slice3A_1917 = vector.extract_strided_slice %get3A_4 {offsets = [3, 63], sizes = [1, 1], strides = [1, 1]} : vector<8x128xf32> to vector<1x1xf32>
    %squeeze3A_1918 = vector.extract %slice3A_1917[0, 0] : f32 from vector<1x1xf32>
    %mul3A_1919 = vector.broadcast %squeeze3A_1918 : f32 to vector<128x128xf32>
    %mul3A_1920 = arith.mulf %squeeze3A_13, %mul3A_1919 : vector<128x128xf32>
    %add3A_1921 = arith.addf %add3A_1916, %mul3A_1920 : vector<128x128xf32>
    %slice3A_1922 = vector.extract_strided_slice %get3A_7 {offsets = [0, 63], sizes = [1, 1], strides = [1, 1]} : vector<1x128xf32> to vector<1x1xf32>
    %squeeze3A_1923 = vector.extract %slice3A_1922[0, 0] : f32 from vector<1x1xf32>
    %add3A_1924 = vector.broadcast %squeeze3A_1923 : f32 to vector<128x128xf32>
    %add3A_1925 = arith.addf %add3A_1921, %add3A_1924 : vector<128x128xf32>
    %max3A_1926 = arith.constant 0.000000e+00 : f32
    %max3A_1927 = vector.broadcast %max3A_1926 : f32 to vector<128x128xf32>
    %max3A_1928 = arith.maximumf %add3A_1925, %max3A_1927 : vector<128x128xf32>
    %mul3A_1929 = arith.mulf %max3A_1928, %squeeze3A_15 : vector<128x128xf32>
    %dot_general3A_1930 = arith.constant dense<0.000000e+00> : vector<128x128xf32>
    %dot_general3A_1931 = tpu.matmul %mul3A_1929, %broadcast_in_dim3A_16, %dot_general3A_1930 {dimension_numbers = #tpu.dot_dimension_numbers<[1], [0], [0], [1], [0, 0, 1, 1], [], []>, precision = #tpu.contract_precision<fp32>, transpose_lhs_hint = false} : vector<128x128xf32>, vector<128x128xf32>, vector<128x128xf32> -> vector<128x128xf32>
    %slice3A_1932 = vector.extract_strided_slice %dot_general3A_1931 {offsets = [0, 0], sizes = [128, 1], strides = [1, 1]} : vector<128x128xf32> to vector<128x1xf32>
    %concatenate3A = tpu.concatenate %slice3A_42, %slice3A_72, %slice3A_102, %slice3A_132, %slice3A_162, %slice3A_192, %slice3A_222, %slice3A_252, %slice3A_282, %slice3A_312, %slice3A_342, %slice3A_372, %slice3A_402, %slice3A_432, %slice3A_462, %slice3A_492, %slice3A_522, %slice3A_552, %slice3A_582, %slice3A_612, %slice3A_642, %slice3A_672, %slice3A_702, %slice3A_732, %slice3A_762, %slice3A_792, %slice3A_822, %slice3A_852, %slice3A_882, %slice3A_912, %slice3A_942, %slice3A_972, %slice3A_1002, %slice3A_1032, %slice3A_1062, %slice3A_1092, %slice3A_1122, %slice3A_1152, %slice3A_1182, %slice3A_1212, %slice3A_1242, %slice3A_1272, %slice3A_1302, %slice3A_1332, %slice3A_1362, %slice3A_1392, %slice3A_1422, %slice3A_1452, %slice3A_1482, %slice3A_1512, %slice3A_1542, %slice3A_1572, %slice3A_1602, %slice3A_1632, %slice3A_1662, %slice3A_1692, %slice3A_1722, %slice3A_1752, %slice3A_1782, %slice3A_1812, %slice3A_1842, %slice3A_1872, %slice3A_1902, %slice3A_1932 in 1 : vector<128x1xf32>, vector<128x1xf32>, vector<128x1xf32>, vector<128x1xf32>, vector<128x1xf32>, vector<128x1xf32>, vector<128x1xf32>, vector<128x1xf32>, vector<128x1xf32>, vector<128x1xf32>, vector<128x1xf32>, vector<128x1xf32>, vector<128x1xf32>, vector<128x1xf32>, vector<128x1xf32>, vector<128x1xf32>, vector<128x1xf32>, vector<128x1xf32>, vector<128x1xf32>, vector<128x1xf32>, vector<128x1xf32>, vector<128x1xf32>, vector<128x1xf32>, vector<128x1xf32>, vector<128x1xf32>, vector<128x1xf32>, vector<128x1xf32>, vector<128x1xf32>, vector<128x1xf32>, vector<128x1xf32>, vector<128x1xf32>, vector<128x1xf32>, vector<128x1xf32>, vector<128x1xf32>, vector<128x1xf32>, vector<128x1xf32>, vector<128x1xf32>, vector<128x1xf32>, vector<128x1xf32>, vector<128x1xf32>, vector<128x1xf32>, vector<128x1xf32>, vector<128x1xf32>, vector<128x1xf32>, vector<128x1xf32>, vector<128x1xf32>, vector<128x1xf32>, vector<128x1xf32>, vector<128x1xf32>, vector<128x1xf32>, vector<128x1xf32>, vector<128x1xf32>, vector<128x1xf32>, vector<128x1xf32>, vector<128x1xf32>, vector<128x1xf32>, vector<128x1xf32>, vector<128x1xf32>, vector<128x1xf32>, vector<128x1xf32>, vector<128x1xf32>, vector<128x1xf32>, vector<128x1xf32>, vector<128x1xf32> -> vector<128x64xf32>
    %swap3A = arith.constant 0 : index
    %swap3A_1933 = arith.constant 0 : index
    %swap3A_1934 = vector.load %arg4[%swap3A, %swap3A_1933] : memref<128x64xf32, #tpu.memory_space<vmem>>, vector<128x64xf32>
    tpu.vector_store %arg4[%swap3A, %swap3A_1933], %concatenate3A {strides = array<i32>} : memref<128x64xf32, #tpu.memory_space<vmem>>, vector<128x64xf32>,
    return
  }
  func.func @transform_0(%arg0: i32) -> (i32, i32) {
    %c0_i32 = arith.constant 0 : i32
    %c0_i32_0 = arith.constant 0 : i32
    return %arg0, %c0_i32 : i32, i32
  }
  func.func @transform_1(%arg0: i32) -> (i32, i32) {
    %c0_i32 = arith.constant 0 : i32
    %c0_i32_0 = arith.constant 0 : i32
    %c0_i32_1 = arith.constant 0 : i32
    return %c0_i32, %c0_i32_0 : i32, i32
  }
  func.func @transform_2(%arg0: i32) -> (i32, i32) {
    %c0_i32 = arith.constant 0 : i32
    %c0_i32_0 = arith.constant 0 : i32
    %c0_i32_1 = arith.constant 0 : i32
    return %c0_i32, %c0_i32_0 : i32, i32
  }
  func.func @transform_3(%arg0: i32) -> (i32, i32) {
    %c0_i32 = arith.constant 0 : i32
    %c0_i32_0 = arith.constant 0 : i32
    return %arg0, %c0_i32 : i32, i32
  }
}

</mosaic_0001>

<sc_bundles>
// kernel: kernel.5.cloned.1.call-start
scs
__scs_entry_jumppad:
0x0: {  	(pc) =	sbr.rel $0x88, $3  }
0x1: {  	(tag) =	ssettag $0x0;
	lr =	simm.s32 $0x1  }
0x2: {  	[smem:$0x3F9C] =	sst lr;
	_ =	strace $0xD0000000  }
0x3: {  	_ = 	snop  }
0x4: {  	_ = 	snop  }
0x5: {  	_ = 	snop  }
0x6: {  	_ = 	snop  }
0x7: {  	_ = 	snop  }
__scs_overlays_trampoline_lowered:
0x8: {  	[smem:$0x3FAB] =	sst s0  }
0x9: {  	[smem:$0x3FAC] =	sst s1  }
0xa: {  	[smem:$0x3FAD] =	sst s2  }
0xb: {  	[smem:$0x3FAE] =	sst s3  }
0xc: {  	[smem:$0x3FAF] =	sst s4  }
0xd: {  	[smem:$0x3FB0] =	sst s5  }
0xe: {  	[smem:$0x3FB1] =	sst s6  }
0xf: {  	[smem:$0x3FB2] =	sst s7  }
0x10: {  	[smem:$0x3FB3] =	sst s8  }
0x11: {  	[smem:$0x3FB4] =	sst s9;
	s0 =	simm.s32 @!p0 $0x0  }
0x12: {  	s1 =	sld [smem:$0x3F9A];
	s0 =	simm.s32 @p0 $0x1  }
0x13: {  	[smem:$0x3FB5] =	sst s0;
	s0 =	simm.s32 @!p1 $0x0  }
0x14: {  	s2 =	sld [smem:$0x3F99];
	s0 =	simm.s32 @p1 $0x1  }
0x15: {  	[smem:$0x3FB6] =	sst s0;
	s0 =	simm.s32 @!p2 $0x0  }
0x16: {  	s3 =	sld [smem:$0x3FDB];
	s0 =	simm.s32 @p2 $0x1  }
0x17: {  	s4 =	simm.s32 $0x1BF5;
	[smem:$0x3FB8] =	sst s0  }
0x18: {  	s0 =	sld [smem:$0x3F9B];
	_ =	swait.ge [sflag:s4], $0x0  }
0x19: {  	s7 =	sld [smem:$0x3F9C]  }
0x1a: {  	s8 =	sadd.s32 $0xFFFFE003, lr  }
0x1b: {  	s9 =	sadd.s32 $0xFFFFFEF7, lr;
	s5 =	simm.s32 $0xFFFFFFFF;
	p2 =	slt.u32 s8, $0xFFFFF086  }
0x1c: {  	p1 =	slt.u32 s9, $0xF7A;
	s5 =	simm.s32 @!p2 $0x0  }
0x1d: {  	s5 =	simm.s32 @p1 $0x1;
	p0 =	seq.s32 s7, s2  }
0x1e: {  	s7 =	smul.u32 @!p0 $0xF7A, s2;
	p2 =	seq.s32 @!p0 s5, $0x0  }
0x1f: {  	s9 =	smul.u32 $0xF7A, s1;
	s8 =	simm.s32 @!p0 $0x1BF5;
	p2 =	por !p2, p0  }
0x20: {  	[sflag:s8] =	ssyncset.s32 @!p0 $0xFFFFF086;
	s6 =	sadd.s32 @!p0 s3, s7;
	s7 =	simm.s32 @!p0 $0x108  }
0x21: {  	s3 =	sadd.s32 s3, s9;
	s6 =	sadd.s32 @!p0 $0x88, s6;
	s7 =	simm.s32 @p2 $0x1082  }
0x22: {  	[simem:s7], [sflag:s8] =	dma.local @!p0 [hbm:s6], $0xF7A  }
0x23: {  	s9 =	sor.u32 $0xD0000000, s2;
	s6 =	simm.s32 $0x108;
	_ =	swait.ge @!p0 [sflag:s8], $0x0  }
0x24: {  	s3 =	sadd.s32 $0x88, s3;
	s6 =	simm.s32 @!p1 $0x1082;
	[sflag:s4] =	ssyncset.s32 $0xFFFFF086  }
0x25: {  	[simem:s6], [sflag:s4] =	dma.local [hbm:s3], $0xF7A  }
0x26: {  	[smem:$0x3F9C] =	sst s1;
	(tag) =	ssettag s2;
	_ =	strace s9  }
0x27: {  	s1 =	sld [smem:$0x3FAC]  }
0x28: {  	s2 =	sld [smem:$0x3FAD]  }
0x29: {  	s4 =	sld [smem:$0x3FAF]  }
0x2a: {  	p0 =	seq.s32 s5, $0x0;
	s5 =	sld [smem:$0x3FB0]  }
0x2b: {  	s6 =	sld [smem:$0x3FB1]  }
0x2c: {  	s7 =	sld [smem:$0x3FB2]  }
0x2d: {  	s3 =	simm.s32 $0x108;
	s8 =	sld [smem:$0x3FB3]  }
0x2e: {  	s3 =	simm.s32 @!p0 $0x1082;
	s9 =	sld [smem:$0x3FB4]  }
0x2f: {  	lr =	sadd.s32 s0, s3;
	s0 =	sld [smem:$0x3FAB]  }
0x30: {  	s3 =	sld [smem:$0x3FAE]  }
0x31: {  	[smem:$0x3FB7] =	sst s10  }
0x32: {  	s10 =	sld [smem:$0x3FB5];
	_ =	sdelay $0x3  }
0x33: {  	p0 =	seq.s32 s10, $0x1;
	s10 =	sld [smem:$0x3FB7];
	_ =	sdelay $0x3  }
0x34: {  	[smem:$0x3FB7] =	sst s10  }
0x35: {  	s10 =	sld [smem:$0x3FB6];
	_ =	sdelay $0x3  }
0x36: {  	p1 =	seq.s32 s10, $0x1;
	s10 =	sld [smem:$0x3FB7];
	_ =	sdelay $0x3  }
0x37: {  	[smem:$0x3FB7] =	sst s10  }
0x38: {  	s10 =	sld [smem:$0x3FB8]  }
0x39: {  	_ = 	snop;
	(pc) =	sbr.ind lr, $3  }
0x3a: {  	_ = 	snop  }
0x3b: {  	_ = 	snop  }
0x3c: {  	p2 =	seq.s32 s10, $0x1;
	s10 =	sld [smem:$0x3FB7]  }
0x3d: {  	_ =	shalt  }
0x3e: {  	_ =	shalt  }
0x3f: {  	_ =	shalt  }
0x40: {  	_ =	shalt  }
0x41: {  	_ =	shalt  }
0x42: {  	_ =	shalt  }
0x43: {  	_ =	shalt  }
0x44: {  	_ =	shalt  }
0x45: {  	_ =	shalt  }
0x46: {  	_ =	shalt  }
0x47: {  	_ =	shalt  }
0x48: {  	_ =	shalt  }
0x49: {  	_ =	shalt  }
0x4a: {  	_ =	shalt  }
0x4b: {  	_ =	shalt  }
0x4c: {  	_ =	shalt  }
0x4d: {  	_ =	shalt  }
0x4e: {  	_ =	shalt  }
0x4f: {  	_ =	shalt  }
0x50: {  	_ =	shalt  }
0x51: {  	_ =	shalt  }
0x52: {  	_ =	shalt  }
0x53: {  	_ =	shalt  }
0x54: {  	_ =	shalt  }
0x55: {  	_ =	shalt  }
0x56: {  	_ =	shalt  }
0x57: {  	_ =	shalt  }
0x58: {  	_ =	shalt  }
0x59: {  	_ =	shalt  }
0x5a: {  	_ =	shalt  }
0x5b: {  	_ =	shalt  }
0x5c: {  	_ =	shalt  }
0x5d: {  	_ =	shalt  }
0x5e: {  	_ =	shalt  }
0x5f: {  	_ =	shalt  }
0x60: {  	_ =	shalt  }
0x61: {  	_ =	shalt  }
0x62: {  	_ =	shalt  }
0x63: {  	_ =	shalt  }
0x64: {  	_ =	shalt  }
0x65: {  	_ =	shalt  }
0x66: {  	_ =	shalt  }
0x67: {  	_ =	shalt  }
0x68: {  	_ =	shalt  }
0x69: {  	_ =	shalt  }
0x6a: {  	_ =	shalt  }
0x6b: {  	_ =	shalt  }
0x6c: {  	_ =	shalt  }
0x6d: {  	_ =	shalt  }
0x6e: {  	_ =	shalt  }
0x6f: {  	_ =	shalt  }
0x70: {  	_ =	shalt  }
0x71: {  	_ =	shalt  }
0x72: {  	_ =	shalt  }
0x73: {  	_ =	shalt  }
0x74: {  	_ =	shalt  }
0x75: {  	_ =	shalt  }
0x76: {  	_ =	shalt  }
0x77: {  	_ =	shalt  }
0x78: {  	_ =	shalt  }
0x79: {  	_ =	shalt  }
0x7a: {  	_ =	shalt  }
0x7b: {  	_ =	shalt  }
0x7c: {  	_ =	shalt  }
0x7d: {  	_ =	shalt  }
0x7e: {  	_ =	shalt  }
0x7f: {  	_ =	shalt  }
0x80: {  	_ =	shalt  }
0x81: {  	_ =	shalt  }
0x82: {  	_ =	shalt  }
0x83: {  	_ =	shalt  }
0x84: {  	_ =	shalt  }
0x85: {  	_ =	shalt  }
0x86: {  	_ =	shalt  }
0x87: {  	_ =	shalt  }
.Lfunc_end0:
.L_simem_size_0:
called_computation_lowered:
.L_overlay_start_0:
0x88: {  	s2 =	sld [smem:$0x3FD9]  }
0x89: {  	s3 =	sld [smem:$0x3FFE];
	_ =	sdelay $0x1  }
0x8a: {  	s1 =	srdreg.scid  }
0x8b: {  	s0 =	sand.u32 $0x1, s1  }
0x8c: {  	s17 =	sshll.u32 s0, $0xA;
	s2 =	sadd.s32 s3, s2  }
0x8d: {  	s2 =	sadd.s32 s2, s17  }
0x8e: {  	[smem:$0x3FC3] =	sst s2  }
0x8f: {  	_ = 	snop  }
0x90: {  	s2 =	sld [smem:$0x3FD0];
	(tm) =	ssettm $0x1  }
0x91: {  	s18 =	sld [smem:$0x3FFB];
	_ =	sdelay $0x3  }
0x92: {  	_ =	strace s18  }
0x93: {  	s3 =	sld [smem:$0x3FFC];
	_ =	sdelay $0x3  }
0x94: {  	_ =	strace s3  }
0x95: {  	s3 =	sld [smem:$0x3FFD];
	_ =	sdelay $0x3  }
0x96: {  	_ =	strace s3  }
0x97: {  	_ =	strace $0x8FFFFFFF  }
0x98: {  	s19 =	sld [smem:$0x3FDB];
	_ =	sdelay $0x1  }
0x99: {  	s4 =	simm.s32 $_scs_section_size  }
0x9a: {  	s5 =	simm.s32 $_size__tile_overlayer_lowered;
	s6 =	simm.s32 $_tile_overlayer_lowered  }
0x9b: {  	s22 =	simm.s32 $0x1BFF;
	s21 =	sshll.u32 s6, $0x1;
	s3 =	sadd.s32 s4, s19  }
0x9c: {  	s7 =	simm.s32 $0x0;
	s20 =	sshll.u32 s5, $0x1;
	s5 =	sadd.s32 s21, s3  }
0x9d: {  	[timem:s7], [sflag:s22] =	dma.local [hbm:s5], s20  }
0x9e: {  	_ =	swait.ge [sflag:s22], s20  }
0x9f: {  	s4 =	ssub.s32 $0x0, s20;
	[sflag:s22] =	ssyncset.done $0x0  }
0xa0: {  	[sflag:s22] =	ssyncadd.s32 s4;
	_ =	sdelay $0x1  }
0xa1: {  	s23 =	simm.s32 $0x1B8B  }
0xa2: {  	_ =	swait.ge [sflag:s23], $0x1  }
0xa3: {  	[sflag:s23] =	ssyncset.done $0x0  }
0xa4: {  	s25 =	simm.s32 $0x1B8E;
	s24 =	sld [smem:$0x3FFE];
	[sflag:s23] =	ssyncadd.s32 $0xFFFFFFFF  }
0xa5: {  	s26 =	simm.s32 $execute0_lowered;
	[smem:$0x3FD2] =	sst s25  }
0xa6: {  	s5 =	sshll.u32 s26, $0x1;
	_ =	strace $0x80000046;
	[dreg:$0x1] =	wrdreg $0xFFFFFFFF  }
0xa7: {  	s28 =	simm.s32 $_size_execute0_lowered;
	s3 =	sadd.s32 s3, s5;
	[dreg:$0x0] =	wrdreg $0x0  }
0xa8: {  	s5 =	sshll.u32 s28, $0x1;
	[dreg:$0x2] =	wrdreg s3  }
0xa9: {  	[dreg:$0x3] =	wrdreg s5  }
0xaa: {  	[dreg:$0x4] =	wrdreg $0xC0  }
0xab: {  	_ =	task [dreg:s7], $0x5FFFF  }
0xac: {  	[dreg:$0x1] =	wrdreg $0xFFFFFFFF  }
0xad: {  	[dreg:$0x0] =	wrdreg $0x60  }
0xae: {  	[dreg:$0x2] =	wrdreg s24  }
0xaf: {  	[dreg:$0x3] =	wrdreg s2  }
0xb0: {  	[dreg:$0x4] =	wrdreg $0x9  }
0xb1: {  	_ =	task.clear_ibuf [dreg:s7], $0x5FFFF;
	_ =	strace $0x90000046  }
0xb2: {  	s29 =	simm.s32 $0x9;
	_ =	strace $0x80000048  }
0xb3: {  	_ =	swait.ge [sflag:s29], $0x1  }
0xb4: {  	[sflag:s29] =	ssyncadd.s32 $0xFFFFFFFF  }
0xb5: {  	_ =	strace $0x90000048  }
0xb6: {  	_ =	sfence  }
0xb7: {  	s30 =	sld [smem:$0x0];
	_ =	sdelay $0x2  }
0xb8: {  	s31 =	sshll.u32 s1, $0xD;
	s1 =	sshrl.u32 s1, $0x2  }
0xb9: {  	s3 =	sand.u32 $0x4000, s31;
	s1 =	sadd.s32 s1, s30  }
0xba: {  	s0 =	sor.u32 s3, s0;
	s1 =	sshll.u32 s1, $0x11  }
0xbb: {  	s0 =	sor.u32 s1, s0  }
0xbc: {  	s0 =	sadd.s32 $0x8F2B, s0  }
0xbd: {  	[sflag:s0] =	ssyncadd.remote.s32 $0x1  }
0xbe: {  	_ =	sfence.sel $0xFFFF  }
0xbf: {  	[dreg:$0x0] =	wrdreg $0xFFFFFFFF;
	(pc) =	sbr.abs _section_cstart, $3  }
0xc0: {  	[dreg:$0x1] =	wrdreg $0xFFFFFFFF  }
0xc1: {  	_ =	task.clear_ibuf [dreg:s7], $0x2FFFF;
	_ =	strace $0x9FFFFFFF  }
0xc2: {  	(tm) =	ssettm $0x7FFFFFFF  }
0xc3: {  	_ =	shalt  }
tec
execute0_lowered:
.L_overlay_start_1:
0x0: {  	(tag) =	ssettag $0x1  }
0x1: {  	s0 =	rddreg [dreg:$0x0]  }
0x2: {  	s1 =	rddreg [dreg:$0x1]  }
0x3: {  	s2 =	simm.s32 $0x0;
	s7 =	stileid.u32;
	s3 =	srdreg.scid  }
0x4: {  	s16 =	simm.s32 $0xA00;
	s11 =	simm.s32 $0x400;
	s28 =	simm.s32 $0x3F50  }
0x5: {  	s29 =	simm.s32 $0x3F60;
	s30 =	simm.s32 $0x3F70;
	s31 =	simm.s32 $0x3F80  }
0x6: {  	s8 =	simm.s32 $0x3FD0;
	[smem:$0x7FF] =	sst s2;
	s17 =	sadd.s32 $0x1200, s0  }
0x7: {  	s18 =	sshll.u32 s7, $0x6;
	s4 =	sadd.s32 $0x321600, s0;
	s3 =	sand.u32 $0x1, s3  }
0x8: {  	s5 =	sshll.u32 s7, $0x1;
	_ =	strace $0x80000047;
	[dreg:$0x3] =	wrdreg s17  }
0x9: {  	s7 =	sshrl.u32 s7, $0x2;
	[dreg:$0x4] =	wrdreg s4;
	s2 =	sand.u32 $0x300, s18  }
0xa: {  	s19 =	ssub.s32 $0x2, s3;
	s3 =	sor.u32 s3, s5;
	s20 =	sshll.u32 s7, $0x4  }
0xb: {  	s25 =	smul.u32 $0xA00, s7;
	s17 =	simm.s32 $0x1400;
	s18 =	simm.s32 $0x1E00  }
0xc: {  	s7 =	simm.s32 $0x3FC0;
	s2 =	sadd.s32 s2, s0;
	s6 =	sshrl.u32 s19, $0x1  }
0xd: {  	s5 =	sand.u32 $0x7, s3;
	s21 =	sadd.s32 s0, s20;
	s22 =	sshll.u32 s3, $0x4  }
0xe: {  	s1 =	sadd.s32 s1, s20;
	s20 =	simm.s32 $0x80;
	s4 =	ssub.s32 s19, s6  }
0xf: {  	s15 =	smul.u32 $0x140, s5;
	[dreg:$0x7] =	wrdreg s1;
	s23 =	sadd.s32 $0x600, s21  }
0x10: {  	s0 =	sand.u32 $0x70, s22;
	[dreg:$0x6] =	wrdreg s21;
	s24 =	sadd.s32 $0xC00, s21  }
0x11: {  	[dreg:$0xa] =	wrdreg s25;
	s6 =	simm.s32 $0x1;
	s21 =	simm.s32 $0x3200  }
0x12: {  	s22 =	simm.s32 $0x3F00;
	s25 =	simm.s32 $0x3F30;
	[dreg:$0x8] =	wrdreg s23  }
.Ltmp0:
0x13: {  	s1 =	simm.s32 $0x3FA0;
	[dreg:$0x9] =	wrdreg s24;
	(pc) =	sbr.rel .LBB2_1-.Ltmp0, $4  }
0x14: {  	s0 =	sadd.s32 s0, s2;
	s26 =	smax.u32 s4, $0x1;
	s23 =	simm.s32 $0x3F10  }
0x15: {  	s24 =	simm.s32 $0x3F20;
	s2 =	simm.s32 $0x3FB0;
	[dreg:$0xc] =	wrdreg s26  }
0x16: {  	s4 =	simm.s32 $0x0;
	s0 =	sadd.s32 $0x321200, s0;
	[dreg:$0x5] =	wrdreg s15  }
0x17: {  	v0 =	vimm.f32 $0.0e+00;
	v1 =	vimm.s32 $0x0;
	v2 =	vlaneseq.u32;
	s26 =	simm.s32 $0x3F40;
	[dreg:$0xb] =	wrdreg s0;
	s0 =	simm.s32 $0x3F90  }
.LBB2_16:
0x18: {  	s3 =	rddreg [dreg:$0xb]  }
0x19: {  	[hbm4b:s3+s20] =	stream.strided.scatter [tilespmem:s22], [sflag:$0x1], $0x100, s11, s20, $0x38;
	[tilespmem:$0x4000] =	vst v63  }
0x1a: {  	_ =	swait.ge [sflag:s6], $0x100  }
0x1b: {  	s4 =	rddreg [dreg:$0xd]  }
0x1c: {  	s19 =	rddreg [dreg:$0xc];
	s4 =	sadd.s32 $0x1, s4  }
0x1d: {  	p0 =	sne.s32 s4, s19  }
.Ltmp1:
0x1e: {  	_ = 	snop;
	(pc) =	sbr.rel @!p0 .LBB2_17-.Ltmp1, $3  }
0x1f: {  	_ =	sdelay $0x1  }
0x20: {  	[sflag:s6] =	ssyncset.done $0x0  }
0x21: {  	[sflag:s6] =	ssyncadd.s32 $0xFFFFFF00  }
.LBB2_1:
0x22: {  	[dreg:$0xd] =	wrdreg s4  }
0x23: {  	s3 =	simm.s32 $0x0;
	s12 =	rddreg [dreg:$0x7];
	s5 =	simm.s32 $0x200  }
0x24: {  	[tilespmem:s3], [sflag:$0x1] =	stream.strided.gather [hbm4b:s12+s20], $0xA00, s5, s20, $0x38;
	[tilespmem:$0x4000] =	vst v63  }
0x25: {  	_ =	swait.ge [sflag:s6], $0xA00  }
0x26: {  	[sflag:s6] =	ssyncset.done $0x0  }
0x27: {  	s13 =	rddreg [dreg:$0x8];
	[sflag:s6] =	ssyncadd.s32 $0xFFFFF600  }
0x28: {  	[tilespmem:s16], [sflag:$0x1] =	stream.strided.gather [hbm4b:s13+s20], $0xA00, s5, s20, $0x38;
	[tilespmem:$0x4000] =	vst v63  }
0x29: {  	_ =	swait.ge [sflag:s6], $0xA00  }
0x2a: {  	[sflag:s6] =	ssyncset.done $0x0  }
0x2b: {  	s14 =	rddreg [dreg:$0x9];
	[sflag:s6] =	ssyncadd.s32 $0xFFFFF600  }
0x2c: {  	[tilespmem:s17], [sflag:$0x1] =	stream.strided.gather [hbm4b:s14+s20], $0xA00, s5, s20, $0x38;
	[tilespmem:$0x4000] =	vst v63  }
0x2d: {  	_ =	swait.ge [sflag:s6], $0xA00  }
0x2e: {  	[sflag:s6] =	ssyncset.done $0x0  }
0x2f: {  	s19 =	rddreg [dreg:$0x6];
	[sflag:s6] =	ssyncadd.s32 $0xFFFFF600  }
0x30: {  	[tilespmem:s18], [sflag:$0x1] =	stream.strided.gather [hbm4b:s19+s20], $0xA00, s5, s20, $0x38;
	[tilespmem:$0x4000] =	vst v63  }
0x31: {  	_ =	swait.ge [sflag:s6], $0xA00  }
0x32: {  	[sflag:s6] =	ssyncset.done $0x0  }
0x33: {  	[sflag:s6] =	ssyncadd.s32 $0xFFFFF600  }
0x34: {  	[tilespmem:$0x3F00] =	vst v0  }
0x35: {  	[tilespmem:$0x3F10] =	vst v0  }
0x36: {  	[tilespmem:$0x3F20] =	vst v0  }
0x37: {  	[tilespmem:$0x3F30] =	vst v0  }
0x38: {  	[tilespmem:$0x3F40] =	vst v0  }
0x39: {  	[tilespmem:$0x3F50] =	vst v0  }
0x3a: {  	[tilespmem:$0x3F60] =	vst v0  }
0x3b: {  	[tilespmem:$0x3F70] =	vst v0  }
0x3c: {  	[tilespmem:$0x3F80] =	vst v0  }
0x3d: {  	[tilespmem:$0x3F90] =	vst v0  }
0x3e: {  	[tilespmem:$0x3FA0] =	vst v0  }
0x3f: {  	[tilespmem:$0x3FB0] =	vst v0  }
0x40: {  	[tilespmem:$0x3FC0] =	vst v0  }
0x41: {  	[tilespmem:$0x3FD0] =	vst v0  }
0x42: {  	[tilespmem:$0x3FE0] =	vst v0  }
0x43: {  	s3 =	simm.s32 $0x0;
	[tilespmem:$0x3FF0] =	vst v0  }
.LBB2_2:
0x44: {  	p0 =	sne.s32 s3, $0x2800  }
.Ltmp2:
0x45: {  	_ = 	snop;
	(pc) =	sbr.rel @p0 .LBB2_2-.Ltmp2, $3  }
0x46: {  	_ =	sdelay $0x1  }
0x47: {  	s4 =	sshra.s32 s3, $0x2  }
0x48: {  	s3 =	sadd.s32 $0x40, s3;
	[tilespmem:s4+$0x3200] =	vst v1  }
.Ltmp3:
0x49: {  	(pc) =	sbr.rel .LBB2_4-.Ltmp3, $2  }
0x4a: {  	_ =	sdelay $0x2  }
0x4b: {  	s12 =	simm.s32 $0x0  }
.LBB2_13:
0x4c: {  	[tilespmem:s10+$0x3E00] =	vst v0  }
0x4d: {  	[tilespmem:s10+$0x3D80] =	vst v0  }
0x4e: {  	[tilespmem:s10+$0x3E80] =	vst v0  }
0x4f: {  	[tilespmem:s10+$0x3D00] =	vst v0  }
.LBB2_14:
0x50: {  	s3 =	smul.u32 $0x1400, s6;
	_ =	sdelay $0x1  }
0x51: {  	s3 =	sor.u32 s14, s3  }
0x52: {  	s4 =	rddreg [dreg:$0x4];
	s11 =	simm.s32 $0x400;
	s3 =	sshrl.u32 s3, $0x3  }
0x53: {  	s19 =	simm.s32 $0x3C80;
	s6 =	simm.s32 $0x1;
	s3 =	sadd.s32 s4, s3  }
0x54: {  	[hbm4b:s3+s20] =	stream.strided.scatter [tilespmem:s19], [sflag:$0x1], $0x280, s11, s20, $0x38;
	[tilespmem:$0x4000] =	vst v63  }
0x55: {  	_ =	swait.ge [sflag:s6], $0x280  }
0x56: {  	[sflag:s6] =	ssyncset.done $0x0  }
0x57: {  	[sflag:s6] =	ssyncadd.s32 $0xFFFFFD80  }
.LBB2_15:
0x58: {  	s12 =	sadd.s32 $0x1, s12  }
0x59: {  	p0 =	sne.s32 s12, $0x140  }
.Ltmp4:
0x5a: {  	_ = 	snop;
	(pc) =	sbr.rel @!p0 .LBB2_16-.Ltmp4, $1  }
0x5b: {  	_ =	sdelay $0x3  }
.LBB2_4:
0x5c: {  	s3 =	sadd.s32 s15, s12  }
0x5d: {  	p0 =	sgt.u32 s3, $0x9C3  }
.Ltmp5:
0x5e: {  	_ = 	snop;
	(pc) =	sbr.rel @p0 .LBB2_15-.Ltmp5, $1  }
0x5f: {  	_ =	sdelay $0x3  }
0x60: {  	s4 =	rddreg [dreg:$0xa]  }
0x61: {  	s4 =	sadd.s32 s4, s3  }
0x62: {  	s6 =	sshrl.u32 s4, $0x3  }
0x63: {  	s14 =	sshll.u32 s12, $0x7;
	s9 =	smul.u32 $0x5000, s6  }
0x64: {  	s14 =	sand.u32 $0x380, s14  }
0x65: {  	s4 =	sor.u32 s14, s9  }
0x66: {  	s5 =	rddreg [dreg:$0x3];
	s4 =	sshrl.u32 s4, $0x3  }
0x67: {  	s10 =	simm.s32 $0x2800;
	s19 =	simm.s32 $0x2;
	s4 =	sadd.s32 s5, s4  }
0x68: {  	[tilespmem:s10], [sflag:$0x2] =	stream.strided.gather [hbm4b:s4+s20], $0xA00, s11, s20, $0x38;
	[tilespmem:$0x4000] =	vst v63  }
0x69: {  	_ =	swait.ge [sflag:s19], $0xA00  }
0x6a: {  	[sflag:s19] =	ssyncset.done $0x0  }
0x6b: {  	s9 =	simm.s32 $0x0;
	[sflag:s19] =	ssyncadd.s32 $0xFFFFF600  }
0x6c: {  	v3 =	vld [tilespmem:s9+$0x0]  }
0x6d: {  	v4 =	vld [tilespmem:s10+$0x0];
	_ =	sdelay $0x4  }
0x6e: {  	vm0 =	vle.s32 v4, v3  }
0x6f: {  	v3 =	vsel vm0, $0x1, v1  }
0x70: {  	(xrf0) =	vadd.scan.msk.s32 $0xffff, v3;
	_ =	sdelay $0x2  }
0x71: {  	v3 =	vmov s9  }
0x72: {  	v3 =	vadd.s32 $0xFFFFFFFF, v3  }
0x73: {  	v3 =	vbroadcast v3, $0x0  }
0x74: {  	v4, _, _ =	vpop (xrf0)  }
0x75: {  	v3 =	vadd.s32 v4, v3;
	(v2sf) =	vpush v4, $0xF  }
0x76: {  	v3 =	vnsel vm0, $0x0, v3;
	_ =	sdelay $0x3  }
0x77: {  	v5 =	vor.u32 s9, v2  }
0x78: {  	s4 =	simm.s32 $0x10;
	[tilespmem:v3+s21+$0x0] =	vst.idx.msk vm0, v5  }
0x79: {  	s10 =	simm.s32 $0x2810;
	v3 =	vld [tilespmem:s4+$0x0]  }
0x7a: {  	s13 =	simm.s32 $0x10;
	s11 =	simm.s32 $0x20;
	v4 =	vld [tilespmem:s10+$0x0]  }
.LBB2_6:
0x7b: {  	p0 =	sne.s32 s11, $0x9F0;
	_ =	sdelay $0x3  }
0x7c: {  	vm0 =	vle.s32 v4, v3  }
0x7d: {  	v3 =	vsel vm0, $0x1, v1  }
0x7e: {  	(xrf0) =	vadd.scan.msk.s32 $0xffff, v3;
	s19 =	spop (v2sf)  }
0x7f: {  	s9 =	sadd.s32 s9, s19  }
0x80: {  	v3 =	vmov s9  }
0x81: {  	v3 =	vadd.s32 $0xFFFFFFFF, v3  }
0x82: {  	v3 =	vbroadcast v3, $0x0;
	_ =	sdelay $0x1  }
0x83: {  	v4, _, _ =	vpop (xrf0)  }
0x84: {  	v3 =	vadd.s32 v4, v3;
	(v2sf) =	vpush v4, $0xF  }
0x85: {  	v3 =	vnsel vm0, $0x0, v3;
	_ =	sdelay $0x2  }
.Ltmp6:
0x86: {  	(pc) =	sbr.rel @p0 .LBB2_6-.Ltmp6, $4  }
0x87: {  	v4 =	vor.u32 s4, v2;
	s4 =	smov.u32 s11  }
0x88: {  	s13 =	sadd.s32 $0x10, s13;
	[tilespmem:v3+s21+$0x0] =	vst.idx.msk vm0, v4  }
0x89: {  	s10 =	sadd.s32 $0x10, s10;
	v3 =	vld [tilespmem:s13+$0x0]  }
0x8a: {  	s11 =	sadd.s32 $0x10, s11;
	v4 =	vld [tilespmem:s10+$0x0]  }
0x8b: {  	_ =	sdelay $0x3  }
0x8c: {  	vm0 =	vle.s32 v4, v3  }
0x8d: {  	v3 =	vsel vm0, $0x1, v1  }
0x8e: {  	(xrf0) =	vadd.scan.msk.s32 $0xffff, v3;
	_ =	sdelay $0x5  }
0x8f: {  	v4, _, _ =	vpop (xrf0)  }
0x90: {  	(v2sf) =	vpush v4, $0xF;
	_ =	sdelay $0xd  }
0x91: {  	s10 =	spop (v2sf)  }
0x92: {  	s9 =	sadd.s32 s9, s10;
	s11 =	spop (v2sf)  }
0x93: {  	s10 =	sadd.s32 s9, s11  }
0x94: {  	v3 =	vmov s10  }
0x95: {  	vm1 =	vgt.s32 v3, $0x1  }
0x96: {  	s13 =	sadd.s32 $0xF, s10;
	v5 =	vnsel vm1, $0x1, v3  }
0x97: {  	s10 =	sand.u32 $0xF, s13;
	v5 =	vcvt.s32.f32 v5  }
0x98: {  	v6 =	vmov s9;
	s19 =	sshra.s32 s13, $0x1F;
	p1 =	slt.s32 s13, $0x1;
	p0 =	sne.s32 s10, $0x0  }
0x99: {  	s10 =	sshrl.u32 s19, $0x1C;
	p0 =	por !p1, !p0;
	(erf) = vrcp.f32 v5;
	v5 =	vadd.s32 $0xFFFFFFFF, v6  }
0x9a: {  	s9 =	sadd.s32 s10, s13;
	s10 =	simm.s32 $0x1;
	p0 =	por !p0, !p0;
	v5 =	vbroadcast v5, $0x0  }
0x9b: {  	s9 =	sshra.s32 s9, $0x4;
	s10 =	simm.s32 @!p0 $0x0  }
0x9c: {  	s9 =	ssub.s32 s9, s10;
	v4 =	vadd.s32 v4, v5  }
0x9d: {  	p1 =	slt.s32 s9, $0x1;
	v4 =	vnsel vm0, $0x0, v4  }
.Ltmp7:
0x9e: {  	_ = 	snop;
	(pc) =	sbr.rel @p1 .LBB2_11-.Ltmp7, $3  }
0x9f: {  	_ =	sdelay $0x1  }
0xa0: {  	p0 =	slt.s32 s9, $0x8;
	s11 =	smov.u32 s9;
	v5 =	vor.u32 s4, v2  }
0xa1: {  	s11 =	simm.s32 @!p0 $0x8;
	[tilespmem:v4+s21+$0x0] =	vst.idx.msk vm0, v5;
	v4 =	vpop (erf)  }
0xa2: {  	s10 =	simm.s32 $0x3200  }
0xa3: {  	v8 =	vld [tilespmem:s10+$0x0]  }
0xa4: {  	s4 =	simm.s32 $0x0  }
0xa5: {  	v9 =	vor.u32 s4, v2  }
0xa6: {  	vm0 =	vlt.s32 v9, v3  }
0xa7: {  	vm0 =	vmmov vm0  }
0xa8: {  	v8 =	vnsel vm0, $0x0, v8;
	_ =	sdelay $0x2  }
0xa9: {  	v5 =	vld.msk [tilespmem:s3+$0xA00 ss:$0x0], $0xffff  }
0xaa: {  	v6 =	vld.msk [tilespmem:s3+$0x1400 ss:$0x0], $0xffff  }
0xab: {  	v9 =	vld.idx.msk [tilespmem:v8+s16+$0x0], $0xffff  }
0xac: {  	v11 =	vld.idx.msk [tilespmem:v8+s17+$0x0], $0xffff  }
0xad: {  	v7 =	vld.msk [tilespmem:s3+$0x1E00 ss:$0x0], $0xffff  }
0xae: {  	v8 =	vld.idx.msk [tilespmem:v8+s18+$0x0], $0xffff;
	_ =	sdelay $0x2  }
0xaf: {  	v10 =	vsub.f32 v5, v9;
	v9 =	vsub.f32 v6, v11  }
0xb0: {  	p0 =	seq.s32 s11, $0x1  }
.Ltmp8:
0xb1: {  	v8 =	vsub.f32 v7, v8;
	v11 =	vmul.f32 v10, v10;
	v12 =	vmul.f32 v9, v9;
	(pc) =	sbr.rel @p0 .LBB2_10-.Ltmp8, $4  }
0xb2: {  	_ = 	snop  }
0xb3: {  	v63 =	vmul.f32 v8, v8;
	v11 =	vadd.f32 v12, v11  }
0xb4: {  	s3 =	simm.s32 $0x3C80;
	s19 =	simm.s32 $0x0  }
0xb5: {  	s13 =	sadd.s32 $0xFFFFFFFF, s11;
	s20 =	simm.s32 $0x3C80;
	s19 =	sand.u32 $0xFFFFFF80, s19;
	v11 =	vadd.f32 v63, v11  }
.LBB2_9:
0xb6: {  	s20 =	sadd.s32 $0x10, s20;
	s4 =	sadd.s32 $0x10, s4;
	s10 =	sadd.s32 $0x10, s10  }
0xb7: {  	p0 =	seq.s32 s13, $0x1;
	s13 =	sadd.s32 $0xFFFFFFFF, s13;
	s5 =	sshll.u32 s4, $0x2;
	v12 =	vshra.s32 v11, $0x1;
	v13 =	vmul.f32 $5.000000000e-01, v11  }
0xb8: {  	s5 =	sshra.s32 s5, $0x2;
	v12 =	vsub.s32 $0x5F3759DF, v12  }
0xb9: {  	s5 =	sand.u32 $0xFFFFFF80, s5;
	v14 =	vmul.f32 v12, v13;
	_ =	sdelay $0x1  }
0xba: {  	v14 =	vmul.f32 v12, v14  }
0xbb: {  	v15 =	vor.u32 s4, v2  }
0xbc: {  	vm1 =	vlt.s32 v15, v3;
	v14 =	vsub.f32 $1.500000000e+00, v14;
	_ =	sdelay $0x1  }
0xbd: {  	v12 =	vmul.f32 v12, v14;
	_ =	sdelay $0x1  }
0xbe: {  	v14 =	vmul.f32 v12, v13;
	_ =	sdelay $0x1  }
0xbf: {  	v14 =	vmul.f32 v14, v12;
	_ =	sdelay $0x1  }
0xc0: {  	v14 =	vsub.f32 $1.500000000e+00, v14;
	_ =	sdelay $0x1  }
0xc1: {  	v12 =	vmul.f32 v14, v12;
	_ =	sdelay $0x1  }
0xc2: {  	v13 =	vmul.f32 v12, v13;
	_ =	sdelay $0x1  }
0xc3: {  	v13 =	vmul.f32 v13, v12;
	_ =	sdelay $0x1  }
0xc4: {  	v13 =	vsub.f32 $1.500000000e+00, v13  }
0xc5: {  	v14 =	vsel vm0, $0x3F800000, v0;
	vm0 =	vmmov vm1  }
0xc6: {  	v12 =	vmul.f32 v13, v12;
	v13 =	vmul.f32 v10, v14  }
0xc7: {  	v15 =	vmul.f32 v9, v14;
	v16 =	vmul.f32 v14, v4  }
0xc8: {  	s15 =	sadd.s32 s19, s3;
	s19 =	smov.u32 s5;
	v11 =	vmul.f32 v12, v11;
	[tilespmem:s3+$0x0] =	vst v13;
	v10 =	vmul.f32 v13, v10;
	s3 =	smov.u32 s20  }
0xc9: {  	v12 =	vmul.f32 v8, v14;
	[tilespmem:s15+$0x200] =	vst v16;
	v16 =	vmul.f32 v8, v13  }
0xca: {  	v17 =	vmul.f32 v9, v13;
	v14 =	vmul.f32 v11, v14;
	[tilespmem:s15+$0x80] =	vst v15  }
0xcb: {  	v9 =	vmul.f32 v15, v9;
	v18 =	vmul.f32 v12, v8;
	[tilespmem:s15+$0x100] =	vst v12  }
0xcc: {  	v8 =	vmul.f32 v8, v15;
	[tilespmem:s15+$0x180] =	vst v14;
	v19 =	vmul.f32 v14, v11  }
0xcd: {  	[tilespmem:s22+$0x0] =	vst.add.f32.msk $0xffff, v13  }
0xce: {  	[tilespmem:s23+$0x0] =	vst.add.f32.msk $0xffff, v15  }
0xcf: {  	[tilespmem:s24+$0x0] =	vst.add.f32.msk $0xffff, v12  }
0xd0: {  	[tilespmem:s25+$0x0] =	vst.add.f32.msk $0xffff, v14  }
0xd1: {  	[tilespmem:s26+$0x0] =	vst.add.f32.msk $0xffff, v10  }
0xd2: {  	v10 =	vmul.f32 v11, v13;
	[tilespmem:s28+$0x0] =	vst.add.f32.msk $0xffff, v17  }
0xd3: {  	[tilespmem:s29+$0x0] =	vst.add.f32.msk $0xffff, v16  }
0xd4: {  	[tilespmem:s30+$0x0] =	vst.add.f32.msk $0xffff, v10  }
0xd5: {  	v10 =	vmul.f32 v11, v15;
	[tilespmem:s31+$0x0] =	vst.add.f32.msk $0xffff, v9  }
0xd6: {  	[tilespmem:s0+$0x0] =	vst.add.f32.msk $0xffff, v8  }
0xd7: {  	v8 =	vmul.f32 v11, v12;
	[tilespmem:s1+$0x0] =	vst.add.f32.msk $0xffff, v10  }
0xd8: {  	[tilespmem:s2+$0x0] =	vst.add.f32.msk $0xffff, v18  }
0xd9: {  	[tilespmem:s7+$0x0] =	vst.add.f32.msk $0xffff, v8  }
0xda: {  	[tilespmem:s8+$0x0] =	vst.add.f32.msk $0xffff, v19  }
0xdb: {  	v8 =	vld [tilespmem:s10+$0x0];
	_ =	sdelay $0x4  }
0xdc: {  	v8 =	vnsel vm0, $0x0, v8;
	_ =	sdelay $0x4  }
0xdd: {  	v9 =	vld.idx.msk [tilespmem:v8+s16+$0x0], $0xffff  }
0xde: {  	v11 =	vld.idx.msk [tilespmem:v8+s17+$0x0], $0xffff;
	_ =	sdelay $0x1  }
0xdf: {  	v8 =	vld.idx.msk [tilespmem:v8+s18+$0x0], $0xffff;
	_ =	sdelay $0x2  }
0xe0: {  	v10 =	vsub.f32 v5, v9  }
0xe1: {  	v9 =	vsub.f32 v6, v11;
	_ =	sdelay $0x1  }
.Ltmp9:
0xe2: {  	v11 =	vmul.f32 v10, v10;
	v8 =	vsub.f32 v7, v8;
	v12 =	vmul.f32 v9, v9;
	(pc) =	sbr.rel @!p0 .LBB2_9-.Ltmp9, $3  }
0xe3: {  	_ = 	snop  }
0xe4: {  	v11 =	vadd.f32 v12, v11;
	v12 =	vmul.f32 v8, v8;
	_ =	sdelay $0x1  }
0xe5: {  	v11 =	vadd.f32 v12, v11  }
.LBB2_10:
0xe6: {  	_ = 	snop  }
0xe7: {  	v3 =	vshra.s32 v11, $0x1;
	v5 =	vmul.f32 $5.000000000e-01, v11  }
0xe8: {  	v3 =	vsub.s32 $0x5F3759DF, v3  }
0xe9: {  	v6 =	vmul.f32 v3, v5;
	_ =	sdelay $0x1  }
0xea: {  	v6 =	vmul.f32 v3, v6;
	_ =	sdelay $0x1  }
0xeb: {  	v6 =	vsub.f32 $1.500000000e+00, v6;
	_ =	sdelay $0x1  }
0xec: {  	v3 =	vmul.f32 v3, v6;
	_ =	sdelay $0x1  }
0xed: {  	v6 =	vmul.f32 v3, v5;
	_ =	sdelay $0x1  }
0xee: {  	v6 =	vmul.f32 v6, v3;
	_ =	sdelay $0x1  }
0xef: {  	v6 =	vsub.f32 $1.500000000e+00, v6;
	_ =	sdelay $0x1  }
0xf0: {  	v3 =	vmul.f32 v6, v3;
	_ =	sdelay $0x1  }
0xf1: {  	v5 =	vmul.f32 v3, v5;
	_ =	sdelay $0x1  }
0xf2: {  	v5 =	vmul.f32 v5, v3;
	_ =	sdelay $0x1  }
0xf3: {  	v5 =	vsub.f32 $1.500000000e+00, v5  }
0xf4: {  	v53 =	vsel vm0, $0x3F800000, v0  }
0xf5: {  	v54 =	vmul.f32 v10, v53;
	v3 =	vmul.f32 v5, v3  }
0xf6: {  	v4 =	vmul.f32 v53, v4  }
0xf7: {  	s20 =	sadd.s32 s19, s3;
	v7 =	vmul.f32 v9, v53;
	[tilespmem:s3+$0x0] =	vst v54;
	v3 =	vmul.f32 v3, v11  }
0xf8: {  	v55 =	vmul.f32 v8, v53;
	[tilespmem:s20+$0x200] =	vst v4  }
0xf9: {  	[tilespmem:s20+$0x80] =	vst v7;
	v56 =	vmul.f32 v3, v53  }
0xfa: {  	[tilespmem:s20+$0x100] =	vst v55  }
0xfb: {  	[tilespmem:s20+$0x180] =	vst v56  }
0xfc: {  	[tilespmem:s22+$0x0] =	vst.add.f32.msk $0xffff, v54  }
0xfd: {  	[tilespmem:s23+$0x0] =	vst.add.f32.msk $0xffff, v7  }
0xfe: {  	v57 =	vmul.f32 v54, v10;
	[tilespmem:s24+$0x0] =	vst.add.f32.msk $0xffff, v55  }
0xff: {  	v58 =	vmul.f32 v9, v54;
	[tilespmem:s25+$0x0] =	vst.add.f32.msk $0xffff, v56  }
0x100: {  	v12 =	vmul.f32 v8, v54;
	[tilespmem:s26+$0x0] =	vst.add.f32.msk $0xffff, v57  }
0x101: {  	v5 =	vmul.f32 v3, v54;
	[tilespmem:s28+$0x0] =	vst.add.f32.msk $0xffff, v58  }
0x102: {  	v59 =	vmul.f32 v7, v9;
	[tilespmem:s29+$0x0] =	vst.add.f32.msk $0xffff, v12  }
0x103: {  	v60 =	vmul.f32 v8, v7;
	[tilespmem:s30+$0x0] =	vst.add.f32.msk $0xffff, v5  }
0x104: {  	p0 =	sgt.u32 s9, $0x7;
	v61 =	vmul.f32 v3, v7;
	[tilespmem:s31+$0x0] =	vst.add.f32.msk $0xffff, v59  }
.Ltmp10:
0x105: {  	v62 =	vmul.f32 v55, v8;
	[tilespmem:s0+$0x0] =	vst.add.f32.msk $0xffff, v60;
	(pc) =	sbr.rel @p0 .LBB2_14-.Ltmp10, $4  }
0x106: {  	v63 =	vmul.f32 v3, v55;
	[tilespmem:s1+$0x0] =	vst.add.f32.msk $0xffff, v61  }
0x107: {  	v3 =	vmul.f32 v56, v3;
	[tilespmem:s2+$0x0] =	vst.add.f32.msk $0xffff, v62  }
0x108: {  	[tilespmem:s7+$0x0] =	vst.add.f32.msk $0xffff, v63  }
0x109: {  	s15 =	rddreg [dreg:$0x5];
	s20 =	simm.s32 $0x80;
	[tilespmem:s8+$0x0] =	vst.add.f32.msk $0xffff, v3  }
.LBB2_11:
0x10a: {  	s9 =	ssub.s32 $0x8, s11  }
0x10b: {  	p0 =	sne.s32 s9, $0x1  }
.Ltmp11:
0x10c: {  	_ = 	snop;
	(pc) =	sbr.rel @!p0 .LBB2_13-.Ltmp11, $4  }
0x10d: {  	s3 =	sshll.u32 s11, $0x6  }
0x10e: {  	s4 =	sshra.s32 s3, $0x2  }
0x10f: {  	s3 =	sshll.u32 s11, $0x4;
	s4 =	sadd.s32 $0x3C80, s4  }
0x110: {  	s9 =	sadd.s32 $0xFFFFFFFF, s9;
	s10 =	sand.u32 $0xFFFFFFF0, s3;
	[tilespmem:s4+$0x0] =	vst v0  }
.LBB2_12:
0x111: {  	p0 =	sne.s32 s9, $0x1;
	[tilespmem:s10+$0x3E00] =	vst v0;
	s3 =	sadd.s32 $0x10, s3;
	s4 =	sadd.s32 $0x10, s4  }
.Ltmp12:
0x112: {  	s9 =	sadd.s32 $0xFFFFFFFF, s9;
	[tilespmem:s10+$0x3D80] =	vst v0;
	(pc) =	sbr.rel @p0 .LBB2_12-.Ltmp12, $3  }
0x113: {  	[tilespmem:s10+$0x3E80] =	vst v0  }
0x114: {  	[tilespmem:s10+$0x3D00] =	vst v0;
	_ =	sdelay $0x1  }
0x115: {  	s10 =	sand.u32 $0xFFFFFFF0, s3;
	[tilespmem:s4+$0x0] =	vst v0  }
.Ltmp13:
0x116: {  	_ = 	snop;
	(pc) =	sbr.rel .LBB2_13-.Ltmp13, $1  }
0x117: {  	_ =	sdelay $0x3  }
.LBB2_17:
0x118: {  	_ =	sfence.sel $0x180000  }
0x119: {  	[bflag:$0x0] =	sbarrier.arrive $0xFFFF  }
0x11a: {  	_ =	strace $0x90000047  }
0x11b: {  	s0 =	stileid.u32;
	[bflag:$0x2] =	sbarrier.arrive $0xFFFF  }
0x11c: {  	p0 =	sne.s32 s0, $0x0;
	s0 =	rddreg [dreg:$0x2]  }
0x11d: {  	s0 =	sadd.s32 @!p0 $0x100000, s0  }
0x11e: {  	[sflag:s0] =	ssyncadd.tile.s32 @!p0 $0x1;
	_ =	shalt  }
.Lfunc_end2:
_tile_overlayer_lowered:
.L_overlay_start_2:
0x11f: {  	(tag) =	ssettag $0x2  }
0x120: {  	s0 =	rddreg [dreg:$0x0];
	s2 =	stileid.u32  }
0x121: {  	s1 =	rddreg [dreg:$0x1];
	p0 =	sne.s32 s2, $0x0  }
0x122: {  	s3 =	rddreg [dreg:$0x2];
	[bflag:$0x3] =	sbarrier.arrive $0xFFFF;
	s2 =	simm.s32 @!p0 $0x1C01  }
0x123: {  	[timem:s3], [sflag:s2] =	dma.local @!p0 [hbm:s0], s1  }
0x124: {  	s0 =	simm.s32 @!p0 $0x1  }
0x125: {  	_ =	swait.ge @!p0 [sflag:s0], s1  }
0x126: {  	s1 =	ssub.s32 @!p0 $0x0, s1;
	[sflag:s0] =	ssyncset.done @!p0 $0x0  }
0x127: {  	[sflag:s0] =	ssyncadd.s32 @!p0 s1  }
0x128: {  	[bflag:$0x3] =	sbarrier.arrive $0xFFFF  }
0x129: {  	_ =	shalt  }

</sc_bundles>
